<compile_context>
chip_gen: v7x
topology: tpu7x:2x2x1
jax: 0.10.2.dev20260603
libtpu: 0.0.44.dev20260713+nightly
codegen_flags: <defaults>
</compile_context>

<pallas_src>
import jax
import jax.numpy as jnp
from jax import lax
from jax.experimental import pallas as pl
from jax.experimental.pallas import tpu as pltpu
from jax.experimental.pallas import tpu_sc as plsc

N = 2048
D = 768
H = 768
E = 64
T = 128
G = 95
NP = 12288
NW = 32
TOK_W = N // NW
NEG_INF = float("-inf")


def _router_body(x_ref, wr_ref, br_ref, pos_ref, sc_ref, te_ref,
                 trb_ref, nt_ref):
    xf = x_ref[...]
    logits = jnp.dot(xf, wr_ref[...], preferred_element_type=jnp.float32)
    logits = logits + br_ref[...]
    col = lax.broadcasted_iota(jnp.int32, (N, E), 1)

    m0 = jnp.max(logits, axis=1, keepdims=True)
    a0 = jnp.min(jnp.where(logits == m0, col, E), axis=1)
    oh0 = (col == a0[:, None]).astype(jnp.float32)
    neg = jnp.where(col == a0[:, None], NEG_INF, logits)
    m1 = jnp.max(neg, axis=1, keepdims=True)
    a1 = jnp.min(jnp.where(neg == m1, col, E), axis=1)
    oh1 = (col == a1[:, None]).astype(jnp.float32)

    t = jnp.exp(m1 - m0)
    w0 = 1.0 / (1.0 + t)
    w1 = t * w0

    cnt = jnp.sum(oh0, axis=0, keepdims=True) + jnp.sum(oh1, axis=0, keepdims=True)
    ecol = lax.broadcasted_iota(jnp.int32, (E, E), 1)
    erow = lax.broadcasted_iota(jnp.int32, (E, E), 0)
    ls_strict = (ecol < erow).astype(jnp.float32)
    ls_incl = (ecol <= erow).astype(jnp.float32)
    ntiles = jnp.floor((cnt + (T - 1)) * (1.0 / T))
    pc = ntiles * T
    off = jnp.dot(ls_strict, pc.reshape(E, 1),
                  preferred_element_type=jnp.float32).reshape(1, E)
    c_incl = jnp.dot(ls_incl, ntiles.reshape(E, 1),
                     preferred_element_type=jnp.float32).reshape(1, E)
    tse = c_incl - ntiles
    total_tiles = jnp.max(c_incl)

    gg = lax.broadcasted_iota(jnp.int32, (128, E), 0).astype(jnp.float32)
    gclamp = jnp.minimum(gg, total_tiles - 1.0)
    e_g = jnp.sum((c_incl <= gclamp).astype(jnp.float32), axis=1, keepdims=True)
    gcol = lax.broadcasted_iota(jnp.int32, (128, E), 1).astype(jnp.float32)
    ohg = (gcol == e_g).astype(jnp.float32)
    off_g = jnp.sum(ohg * off, axis=1, keepdims=True)
    tse_g = jnp.sum(ohg * tse, axis=1, keepdims=True)
    rb_g = off_g * (1.0 / T) + (gclamp[:, 0:1] - tse_g)
    te_ref[...] = jnp.broadcast_to(e_g.reshape(1, 128).astype(jnp.int32), (8, 128))
    trb_ref[...] = jnp.broadcast_to(rb_g.reshape(1, 128).astype(jnp.int32), (8, 128))
    nt_ref[...] = jnp.broadcast_to(total_tiles.astype(jnp.int32), (8, 128))

    nrow = lax.broadcasted_iota(jnp.int32, (N, N), 0)
    ncol = lax.broadcasted_iota(jnp.int32, (N, N), 1)
    ln_strict = (ncol < nrow).astype(jnp.bfloat16)
    oh01 = jnp.concatenate([oh0, oh1], axis=1).astype(jnp.bfloat16)
    r01 = jnp.dot(ln_strict, oh01, preferred_element_type=jnp.float32)
    tot0 = jnp.sum(oh0, axis=0, keepdims=True)

    rank0 = jnp.sum(r01[:, :E] * oh0, axis=1)
    rank1 = jnp.sum((r01[:, E:] + tot0) * oh1, axis=1)
    base0 = jnp.sum(oh0 * off, axis=1)
    base1 = jnp.sum(oh1 * off, axis=1)
    pos0 = (base0 + rank0).astype(jnp.int32)
    pos1 = (base1 + rank1).astype(jnp.int32)

    rowsel = lax.broadcasted_iota(jnp.int32, (8, N), 0)
    pos_ref[...] = jnp.where(rowsel == 0, pos0[None, :],
                             jnp.where(rowsel == 1, pos1[None, :], 0))
    sc_ref[...] = jnp.where(rowsel == 0, w0[:, 0][None, :],
                            jnp.where(rowsel == 1, w1[:, 0][None, :], 0.0))


def _router(x2d, Wr, br2d):
    return pl.pallas_call(
        _router_body,
        out_shape=(
            jax.ShapeDtypeStruct((8, N), jnp.int32),
            jax.ShapeDtypeStruct((8, N), jnp.float32),
            jax.ShapeDtypeStruct((8, 128), jnp.int32),
            jax.ShapeDtypeStruct((8, 128), jnp.int32),
            jax.ShapeDtypeStruct((8, 128), jnp.int32),
        ),
    )(x2d, Wr, br2d)


def _gmm_body(te_ref, trb_ref, nt_ref, xg_ref, w1_ref, b1_ref, w2_ref, b2_ref,
              y_ref):
    del te_ref, trb_ref

    @pl.when(pl.program_id(0) < nt_ref[0])
    def _():
        xb = xg_ref[...].astype(jnp.bfloat16)
        h = jnp.dot(xb, w1_ref[0].astype(jnp.bfloat16),
                    preferred_element_type=jnp.float32) + b1_ref[0]
        h = jnp.maximum(h, 0.0).astype(jnp.bfloat16)
        y = jnp.dot(h, w2_ref[0].astype(jnp.bfloat16),
                    preferred_element_type=jnp.float32) + b2_ref[0]
        y_ref[...] = y


def _gmm(te, trb, nt, xg, W1, b1, W2, b2):
    grid_spec = pltpu.PrefetchScalarGridSpec(
        num_scalar_prefetch=3,
        grid=(G,),
        in_specs=[
            pl.BlockSpec((T, D), lambda g, te, trb, nt: (trb[g], 0)),
            pl.BlockSpec((1, D, H), lambda g, te, trb, nt: (te[g], 0, 0)),
            pl.BlockSpec((1, 1, H), lambda g, te, trb, nt: (te[g], 0, 0)),
            pl.BlockSpec((1, H, D), lambda g, te, trb, nt: (te[g], 0, 0)),
            pl.BlockSpec((1, 1, D), lambda g, te, trb, nt: (te[g], 0, 0)),
        ],
        out_specs=pl.BlockSpec((T, D), lambda g, te, trb, nt: (trb[g], 0)),
    )
    return pl.pallas_call(
        _gmm_body,
        grid_spec=grid_spec,
        out_shape=jax.ShapeDtypeStruct((NP, D), jnp.float32),
        compiler_params=pltpu.CompilerParams(
            dimension_semantics=("arbitrary",)),
    )(te, trb, nt, xg, W1, b1.reshape(E, 1, H), W2, b2.reshape(E, 1, D))


def _dispatch_body(x_hbm, pos_hbm, xg_hbm, xloc, p0, p1, sem):
    wid = lax.axis_index("s") * 2 + lax.axis_index("c")
    t0 = wid * TOK_W
    pltpu.sync_copy(x_hbm.at[pl.ds(t0, TOK_W)], xloc)
    pltpu.sync_copy(pos_hbm.at[0, pl.ds(t0, TOK_W)], p0)
    pltpu.sync_copy(pos_hbm.at[1, pl.ds(t0, TOK_W)], p1)
    cp0 = pltpu.async_copy(xloc, xg_hbm.at[p0], sem)
    cp1 = pltpu.async_copy(xloc, xg_hbm.at[p1], sem)
    cp0.wait()
    cp1.wait()


def _dispatch(x2d, pos):
    mesh = plsc.VectorSubcoreMesh(core_axis_name="c", subcore_axis_name="s")
    f = pl.kernel(
        _dispatch_body,
        out_type=jax.ShapeDtypeStruct((NP, D), jnp.float32),
        mesh=mesh,
        scratch_types=[
            pltpu.VMEM((TOK_W, D), jnp.float32),
            pltpu.VMEM((TOK_W,), jnp.int32),
            pltpu.VMEM((TOK_W,), jnp.int32),
            pltpu.SemaphoreType.DMA,
        ],
    )
    return f(x2d, pos)


def _combine_body(ys_hbm, pos_hbm, sc_hbm, out_hbm, y0, y1, p0, p1, s0, s1, sem):
    wid = lax.axis_index("s") * 2 + lax.axis_index("c")
    t0 = wid * TOK_W
    pltpu.sync_copy(pos_hbm.at[0, pl.ds(t0, TOK_W)], p0)
    pltpu.sync_copy(pos_hbm.at[1, pl.ds(t0, TOK_W)], p1)
    pltpu.sync_copy(sc_hbm.at[0, pl.ds(t0, TOK_W)], s0)
    pltpu.sync_copy(sc_hbm.at[1, pl.ds(t0, TOK_W)], s1)
    cg0 = pltpu.async_copy(ys_hbm.at[p0], y0, sem)
    cg1 = pltpu.async_copy(ys_hbm.at[p1], y1, sem)
    cg0.wait()
    cg1.wait()

    @plsc.parallel_loop(0, TOK_W, unroll=2)
    def _(r):
        ridx = jnp.zeros((16,), jnp.int32) + r
        w0 = plsc.load_gather(s0, [ridx])
        w1 = plsc.load_gather(s1, [ridx])
        for c in range(D // 16):
            sl = pl.ds(16 * c, 16)
            y0[r, sl] = y0[r, sl] * w0 + y1[r, sl] * w1
    pltpu.sync_copy(y0, out_hbm.at[pl.ds(t0, TOK_W)])


def _combine(ys, pos, sc):
    mesh = plsc.VectorSubcoreMesh(core_axis_name="c", subcore_axis_name="s")
    f = pl.kernel(
        _combine_body,
        out_type=jax.ShapeDtypeStruct((N, D), jnp.float32),
        mesh=mesh,
        scratch_types=[
            pltpu.VMEM((TOK_W, D), jnp.float32),
            pltpu.VMEM((TOK_W, D), jnp.float32),
            pltpu.VMEM((TOK_W,), jnp.int32),
            pltpu.VMEM((TOK_W,), jnp.int32),
            pltpu.VMEM((TOK_W,), jnp.float32),
            pltpu.VMEM((TOK_W,), jnp.float32),
            pltpu.SemaphoreType.DMA,
        ],
        compiler_params=pltpu.CompilerParams(needs_layout_passes=False),
    )
    return f(ys, pos, sc)


def kernel(x, Wr, br, W1, b1, W2, b2):
    x2d = x.reshape(N, D)
    pos, sc, te8, trb8, nt8 = _router(x2d, Wr, br.reshape(1, E))
    te = te8[0, :G]
    trb = trb8[0, :G]
    nt = nt8[0, :1]
    xg = _dispatch(x2d, pos)
    ys = _gmm(te, trb, nt, xg, W1, b1, W2, b2)
    out = _combine(ys, pos, sc)
    return out.reshape(1, N, D)

# --- scband reference (transcript-rebuilt; emitter-appended) ---
"""Pipeline reference for scband-sparsely-routed-mlp-75737453297875 (READ-ONLY COPY).

The authoritative reference and input builder live on the scoring server;
editing this copy changes nothing except your own understanding.
"""

import jax, jax.numpy as jnp
import numpy as np

B, S, D, H, E, K = 1, 2048, 768, 768, 64, 2

def setup_inputs(seed: int = 0) -> dict:
    key = jax.random.key(seed)
    ks = jax.random.split(key, 7)
    x = jax.random.normal(ks[0], (B, S, D), dtype=jnp.float32)
    s = 1.0 / np.sqrt(D)
    sh = 1.0 / np.sqrt(H)
    Wr = jax.random.uniform(ks[1], (D, E), jnp.float32, -s, s)
    br = jax.random.uniform(ks[2], (E,), jnp.float32, -s, s)
    W1 = jax.random.uniform(ks[3], (E, D, H), jnp.float32, -s, s)
    b1 = jax.random.uniform(ks[4], (E, H), jnp.float32, -s, s)
    W2 = jax.random.uniform(ks[5], (E, H, D), jnp.float32, -sh, sh)
    b2 = jax.random.uniform(ks[6], (E, D), jnp.float32, -sh, sh)
    return {"x": x, "Wr": Wr, "br": br, "W1": W1, "b1": b1, "W2": W2, "b2": b2}

def reference(x, Wr, br, W1, b1, W2, b2):
    xf = x.reshape(-1, D)
    router_logits = xf @ Wr + br
    top_k_logits, top_k_indices = jax.lax.top_k(router_logits, K)
    top_k_scores = jax.nn.softmax(top_k_logits, axis=-1)
    out = jnp.zeros_like(xf)

    def body(carry, inputs):
        e, W1e, b1e, W2e, b2e = inputs
        w = jnp.sum(
            jnp.where(top_k_indices == e, top_k_scores, jnp.zeros_like(top_k_scores)),
            axis=-1,
        )
        he = jnp.maximum(xf @ W1e + b1e, 0.0)
        ye = he @ W2e + b2e
        return carry + w[:, None] * ye, None

    out, _ = jax.lax.scan(
        body, out, (jnp.arange(E, dtype=jnp.int32), W1, b1, W2, b2)
    )
    return out.reshape(B, S, D)

if __name__ == "__main__":
    import jax
    _d = setup_inputs()
    print(jax.jit(kernel)(*tuple(_d.values())))

</pallas_src>

<mosaic_0001>
#map = affine_map<(d0, d1) -> (0, 0)>
module attributes {stable_mosaic.version = 14 : i64} {
  func.func @_dispatch_body(%arg0: i32, %arg1: i32, %arg2: memref<2048x768xf32, #tpu.memory_space<hbm>>, %arg3: memref<8x2048xi32, #tpu.memory_space<hbm>>, %arg4: memref<12288x768xf32, #tpu.memory_space<hbm>>, %arg5: memref<64x768xf32, #tpu.memory_space<vmem>>, %arg6: memref<64xi32, #tpu.memory_space<vmem>>, %arg7: memref<64xi32, #tpu.memory_space<vmem>>, %arg8: memref<!tpu.dma_semaphore, #tpu.memory_space<semaphore_mem>>) attributes {dimension_semantics = [#tpu.dimension_semantics<core_parallel>, #tpu.dimension_semantics<subcore_parallel>], iteration_bounds = array<i64: 2, 16>, scalar_prefetch = 0 : i64, scratch_operands = 4 : i64, tpu.core_type = #tpu.core_type<sc_vector_subcore>, window_params = [{transform_indices = #map}, {transform_indices = #map}, {transform_indices = #map}]} {
    %mul3A = arith.constant 2 : i32
    %mul3A_0 = arith.muli %arg1, %mul3A : i32
    %add3A = arith.addi %mul3A_0, %arg0 : i32
    %mul3A_1 = arith.constant 64 : i32
    %mul3A_2 = arith.muli %add3A, %mul3A_1 : i32
    "tpu.region"() ({
      %run_scoped3A_14 = tpu.sem_alloc : memref<!tpu.dma_semaphore, #tpu.memory_space<semaphore_mem>>
      %dma_start3A_15 = arith.constant 0 : i32
      %dma_start3A_16 = tpu.memref_slice %arg2[%mul3A_2, %dma_start3A_15] : memref<2048x768xf32, #tpu.memory_space<hbm>> -> memref<64x768xf32, #tpu.memory_space<hbm>>
      %dma_start3A_17 = arith.constant 0 : i32
      %dma_start3A_18 = tpu.memref_slice %arg2[%mul3A_2, %dma_start3A_17] : memref<2048x768xf32, #tpu.memory_space<hbm>> -> memref<64x768xf32, #tpu.memory_space<hbm>>
      tpu.enqueue_dma source(%dma_start3A_18 : memref<64x768xf32, #tpu.memory_space<hbm>>) target(%arg5 : memref<64x768xf32, #tpu.memory_space<vmem>>) target_semaphore(%run_scoped3A_14 : memref<!tpu.dma_semaphore, #tpu.memory_space<semaphore_mem>>)
      %dma_wait3A_19 = arith.constant 0 : i32
      %dma_wait3A_20 = tpu.memref_slice %arg2[%mul3A_2, %dma_wait3A_19] : memref<2048x768xf32, #tpu.memory_space<hbm>> -> memref<64x768xf32, #tpu.memory_space<hbm>>
      %dma_wait3A_21 = arith.constant 0 : i32
      %dma_wait3A_22 = tpu.memref_slice %arg2[%mul3A_2, %dma_wait3A_21] : memref<2048x768xf32, #tpu.memory_space<hbm>> -> memref<64x768xf32, #tpu.memory_space<hbm>>
      tpu.wait_dma2 semaphore(%run_scoped3A_14 : memref<!tpu.dma_semaphore, #tpu.memory_space<semaphore_mem>>) src(%dma_wait3A_22 : memref<64x768xf32, #tpu.memory_space<hbm>>) dst(%arg5 : memref<64x768xf32, #tpu.memory_space<vmem>>)
      tpu.yield
    }) : () -> ()
    %run_scoped3A = arith.constant 0 : i32
    "tpu.region"() ({
      %run_scoped3A_14 = tpu.sem_alloc : memref<!tpu.dma_semaphore, #tpu.memory_space<semaphore_mem>>
      %dma_start3A_15 = tpu.memref_slice %arg3[%run_scoped3A, %mul3A_2] : memref<8x2048xi32, #tpu.memory_space<hbm>> -> memref<1x64xi32, #tpu.memory_space<hbm>>
      %dma_start3A_16 = tpu.memref_squeeze %dma_start3A_15 : memref<1x64xi32, #tpu.memory_space<hbm>> -> memref<64xi32, #tpu.memory_space<hbm>>
      %dma_start3A_17 = tpu.memref_slice %arg3[%run_scoped3A, %mul3A_2] : memref<8x2048xi32, #tpu.memory_space<hbm>> -> memref<1x64xi32, #tpu.memory_space<hbm>>
      %dma_start3A_18 = tpu.memref_squeeze %dma_start3A_17 : memref<1x64xi32, #tpu.memory_space<hbm>> -> memref<64xi32, #tpu.memory_space<hbm>>
      tpu.enqueue_dma source(%dma_start3A_18 : memref<64xi32, #tpu.memory_space<hbm>>) target(%arg6 : memref<64xi32, #tpu.memory_space<vmem>>) target_semaphore(%run_scoped3A_14 : memref<!tpu.dma_semaphore, #tpu.memory_space<semaphore_mem>>)
      %dma_wait3A_19 = tpu.memref_slice %arg3[%run_scoped3A, %mul3A_2] : memref<8x2048xi32, #tpu.memory_space<hbm>> -> memref<1x64xi32, #tpu.memory_space<hbm>>
      %dma_wait3A_20 = tpu.memref_squeeze %dma_wait3A_19 : memref<1x64xi32, #tpu.memory_space<hbm>> -> memref<64xi32, #tpu.memory_space<hbm>>
      %dma_wait3A_21 = tpu.memref_slice %arg3[%run_scoped3A, %mul3A_2] : memref<8x2048xi32, #tpu.memory_space<hbm>> -> memref<1x64xi32, #tpu.memory_space<hbm>>
      %dma_wait3A_22 = tpu.memref_squeeze %dma_wait3A_21 : memref<1x64xi32, #tpu.memory_space<hbm>> -> memref<64xi32, #tpu.memory_space<hbm>>
      tpu.wait_dma2 semaphore(%run_scoped3A_14 : memref<!tpu.dma_semaphore, #tpu.memory_space<semaphore_mem>>) src(%dma_wait3A_22 : memref<64xi32, #tpu.memory_space<hbm>>) dst(%arg6 : memref<64xi32, #tpu.memory_space<vmem>>)
      tpu.yield
    }) : () -> ()
    %run_scoped3A_3 = arith.constant 1 : i32
    "tpu.region"() ({
      %run_scoped3A_14 = tpu.sem_alloc : memref<!tpu.dma_semaphore, #tpu.memory_space<semaphore_mem>>
      %dma_start3A_15 = tpu.memref_slice %arg3[%run_scoped3A_3, %mul3A_2] : memref<8x2048xi32, #tpu.memory_space<hbm>> -> memref<1x64xi32, #tpu.memory_space<hbm>>
      %dma_start3A_16 = tpu.memref_squeeze %dma_start3A_15 : memref<1x64xi32, #tpu.memory_space<hbm>> -> memref<64xi32, #tpu.memory_space<hbm>>
      %dma_start3A_17 = tpu.memref_slice %arg3[%run_scoped3A_3, %mul3A_2] : memref<8x2048xi32, #tpu.memory_space<hbm>> -> memref<1x64xi32, #tpu.memory_space<hbm>>
      %dma_start3A_18 = tpu.memref_squeeze %dma_start3A_17 : memref<1x64xi32, #tpu.memory_space<hbm>> -> memref<64xi32, #tpu.memory_space<hbm>>
      tpu.enqueue_dma source(%dma_start3A_18 : memref<64xi32, #tpu.memory_space<hbm>>) target(%arg7 : memref<64xi32, #tpu.memory_space<vmem>>) target_semaphore(%run_scoped3A_14 : memref<!tpu.dma_semaphore, #tpu.memory_space<semaphore_mem>>)
      %dma_wait3A_19 = tpu.memref_slice %arg3[%run_scoped3A_3, %mul3A_2] : memref<8x2048xi32, #tpu.memory_space<hbm>> -> memref<1x64xi32, #tpu.memory_space<hbm>>
      %dma_wait3A_20 = tpu.memref_squeeze %dma_wait3A_19 : memref<1x64xi32, #tpu.memory_space<hbm>> -> memref<64xi32, #tpu.memory_space<hbm>>
      %dma_wait3A_21 = tpu.memref_slice %arg3[%run_scoped3A_3, %mul3A_2] : memref<8x2048xi32, #tpu.memory_space<hbm>> -> memref<1x64xi32, #tpu.memory_space<hbm>>
      %dma_wait3A_22 = tpu.memref_squeeze %dma_wait3A_21 : memref<1x64xi32, #tpu.memory_space<hbm>> -> memref<64xi32, #tpu.memory_space<hbm>>
      tpu.wait_dma2 semaphore(%run_scoped3A_14 : memref<!tpu.dma_semaphore, #tpu.memory_space<semaphore_mem>>) src(%dma_wait3A_22 : memref<64xi32, #tpu.memory_space<hbm>>) dst(%arg7 : memref<64xi32, #tpu.memory_space<vmem>>)
      tpu.yield
    }) : () -> ()
    %dma_start3A = arith.constant 0 : i32
    %dma_start3A_4 = arith.constant 0 : i32
    %dma_start3A_5 = tpu.memref_slice %arg4[%dma_start3A, %dma_start3A_4] : memref<12288x768xf32, #tpu.memory_space<hbm>> -> memref<12288x768xf32, #tpu.memory_space<hbm>>
    tpu.enqueue_indirect_dma source(%arg5 : memref<64x768xf32, #tpu.memory_space<vmem>>) target(%dma_start3A_5 : memref<12288x768xf32, #tpu.memory_space<hbm>>) offsets(%arg6 : memref<64xi32, #tpu.memory_space<vmem>>) semaphore(%arg8 : memref<!tpu.dma_semaphore, #tpu.memory_space<semaphore_mem>>)
    %dma_start3A_6 = arith.constant 0 : i32
    %dma_start3A_7 = arith.constant 0 : i32
    %dma_start3A_8 = tpu.memref_slice %arg4[%dma_start3A_6, %dma_start3A_7] : memref<12288x768xf32, #tpu.memory_space<hbm>> -> memref<12288x768xf32, #tpu.memory_space<hbm>>
    tpu.enqueue_indirect_dma source(%arg5 : memref<64x768xf32, #tpu.memory_space<vmem>>) target(%dma_start3A_8 : memref<12288x768xf32, #tpu.memory_space<hbm>>) offsets(%arg7 : memref<64xi32, #tpu.memory_space<vmem>>) semaphore(%arg8 : memref<!tpu.dma_semaphore, #tpu.memory_space<semaphore_mem>>)
    %dma_wait3A = arith.constant 0 : i32
    %dma_wait3A_9 = arith.constant 0 : i32
    %dma_wait3A_10 = tpu.memref_slice %arg4[%dma_wait3A, %dma_wait3A_9] : memref<12288x768xf32, #tpu.memory_space<hbm>> -> memref<12288x768xf32, #tpu.memory_space<hbm>>
    tpu.wait_indirect_dma semaphore(%arg8 : memref<!tpu.dma_semaphore, #tpu.memory_space<semaphore_mem>>) src(%arg5 : memref<64x768xf32, #tpu.memory_space<vmem>>) dst(%dma_wait3A_10 : memref<12288x768xf32, #tpu.memory_space<hbm>>)
    %dma_wait3A_11 = arith.constant 0 : i32
    %dma_wait3A_12 = arith.constant 0 : i32
    %dma_wait3A_13 = tpu.memref_slice %arg4[%dma_wait3A_11, %dma_wait3A_12] : memref<12288x768xf32, #tpu.memory_space<hbm>> -> memref<12288x768xf32, #tpu.memory_space<hbm>>
    tpu.wait_indirect_dma semaphore(%arg8 : memref<!tpu.dma_semaphore, #tpu.memory_space<semaphore_mem>>) src(%arg5 : memref<64x768xf32, #tpu.memory_space<vmem>>) dst(%dma_wait3A_13 : memref<12288x768xf32, #tpu.memory_space<hbm>>)
    return
  }
}

#map = affine_map<(d0, d1) -> (0, 0)>
module attributes {stable_mosaic.version = 14 : i64} {
  func.func @_combine_body(%arg0: i32, %arg1: i32, %arg2: memref<12288x768xf32, #tpu.memory_space<hbm>>, %arg3: memref<8x2048xi32, #tpu.memory_space<hbm>>, %arg4: memref<8x2048xf32, #tpu.memory_space<hbm>>, %arg5: memref<2048x768xf32, #tpu.memory_space<hbm>>, %arg6: memref<64x768xf32, #tpu.memory_space<vmem>>, %arg7: memref<64x768xf32, #tpu.memory_space<vmem>>, %arg8: memref<64xi32, #tpu.memory_space<vmem>>, %arg9: memref<64xi32, #tpu.memory_space<vmem>>, %arg10: memref<64xf32, #tpu.memory_space<vmem>>, %arg11: memref<64xf32, #tpu.memory_space<vmem>>, %arg12: memref<!tpu.dma_semaphore, #tpu.memory_space<semaphore_mem>>) attributes {dimension_semantics = [#tpu.dimension_semantics<core_parallel>, #tpu.dimension_semantics<subcore_parallel>], iteration_bounds = array<i64: 2, 16>, scalar_prefetch = 0 : i64, scratch_operands = 7 : i64, tpu.core_type = #tpu.core_type<sc_vector_subcore>, window_params = [{transform_indices = #map}, {transform_indices = #map}, {transform_indices = #map}, {transform_indices = #map}]} {
    %mul3A = arith.constant 2 : i32
    %mul3A_0 = arith.muli %arg1, %mul3A : i32
    %add3A = arith.addi %mul3A_0, %arg0 : i32
    %mul3A_1 = arith.constant 64 : i32
    %mul3A_2 = arith.muli %add3A, %mul3A_1 : i32
    %run_scoped3A = arith.constant 0 : i32
    "tpu.region"() ({
      %run_scoped3A_18 = tpu.sem_alloc : memref<!tpu.dma_semaphore, #tpu.memory_space<semaphore_mem>>
      %dma_start3A_19 = tpu.memref_slice %arg3[%run_scoped3A, %mul3A_2] : memref<8x2048xi32, #tpu.memory_space<hbm>> -> memref<1x64xi32, #tpu.memory_space<hbm>>
      %dma_start3A_20 = tpu.memref_squeeze %dma_start3A_19 : memref<1x64xi32, #tpu.memory_space<hbm>> -> memref<64xi32, #tpu.memory_space<hbm>>
      %dma_start3A_21 = tpu.memref_slice %arg3[%run_scoped3A, %mul3A_2] : memref<8x2048xi32, #tpu.memory_space<hbm>> -> memref<1x64xi32, #tpu.memory_space<hbm>>
      %dma_start3A_22 = tpu.memref_squeeze %dma_start3A_21 : memref<1x64xi32, #tpu.memory_space<hbm>> -> memref<64xi32, #tpu.memory_space<hbm>>
      tpu.enqueue_dma source(%dma_start3A_22 : memref<64xi32, #tpu.memory_space<hbm>>) target(%arg8 : memref<64xi32, #tpu.memory_space<vmem>>) target_semaphore(%run_scoped3A_18 : memref<!tpu.dma_semaphore, #tpu.memory_space<semaphore_mem>>)
      %dma_wait3A_23 = tpu.memref_slice %arg3[%run_scoped3A, %mul3A_2] : memref<8x2048xi32, #tpu.memory_space<hbm>> -> memref<1x64xi32, #tpu.memory_space<hbm>>
      %dma_wait3A_24 = tpu.memref_squeeze %dma_wait3A_23 : memref<1x64xi32, #tpu.memory_space<hbm>> -> memref<64xi32, #tpu.memory_space<hbm>>
      %dma_wait3A_25 = tpu.memref_slice %arg3[%run_scoped3A, %mul3A_2] : memref<8x2048xi32, #tpu.memory_space<hbm>> -> memref<1x64xi32, #tpu.memory_space<hbm>>
      %dma_wait3A_26 = tpu.memref_squeeze %dma_wait3A_25 : memref<1x64xi32, #tpu.memory_space<hbm>> -> memref<64xi32, #tpu.memory_space<hbm>>
      tpu.wait_dma2 semaphore(%run_scoped3A_18 : memref<!tpu.dma_semaphore, #tpu.memory_space<semaphore_mem>>) src(%dma_wait3A_26 : memref<64xi32, #tpu.memory_space<hbm>>) dst(%arg8 : memref<64xi32, #tpu.memory_space<vmem>>)
      tpu.yield
    }) : () -> ()
    %run_scoped3A_3 = arith.constant 1 : i32
    "tpu.region"() ({
      %run_scoped3A_18 = tpu.sem_alloc : memref<!tpu.dma_semaphore, #tpu.memory_space<semaphore_mem>>
      %dma_start3A_19 = tpu.memref_slice %arg3[%run_scoped3A_3, %mul3A_2] : memref<8x2048xi32, #tpu.memory_space<hbm>> -> memref<1x64xi32, #tpu.memory_space<hbm>>
      %dma_start3A_20 = tpu.memref_squeeze %dma_start3A_19 : memref<1x64xi32, #tpu.memory_space<hbm>> -> memref<64xi32, #tpu.memory_space<hbm>>
      %dma_start3A_21 = tpu.memref_slice %arg3[%run_scoped3A_3, %mul3A_2] : memref<8x2048xi32, #tpu.memory_space<hbm>> -> memref<1x64xi32, #tpu.memory_space<hbm>>
      %dma_start3A_22 = tpu.memref_squeeze %dma_start3A_21 : memref<1x64xi32, #tpu.memory_space<hbm>> -> memref<64xi32, #tpu.memory_space<hbm>>
      tpu.enqueue_dma source(%dma_start3A_22 : memref<64xi32, #tpu.memory_space<hbm>>) target(%arg9 : memref<64xi32, #tpu.memory_space<vmem>>) target_semaphore(%run_scoped3A_18 : memref<!tpu.dma_semaphore, #tpu.memory_space<semaphore_mem>>)
      %dma_wait3A_23 = tpu.memref_slice %arg3[%run_scoped3A_3, %mul3A_2] : memref<8x2048xi32, #tpu.memory_space<hbm>> -> memref<1x64xi32, #tpu.memory_space<hbm>>
      %dma_wait3A_24 = tpu.memref_squeeze %dma_wait3A_23 : memref<1x64xi32, #tpu.memory_space<hbm>> -> memref<64xi32, #tpu.memory_space<hbm>>
      %dma_wait3A_25 = tpu.memref_slice %arg3[%run_scoped3A_3, %mul3A_2] : memref<8x2048xi32, #tpu.memory_space<hbm>> -> memref<1x64xi32, #tpu.memory_space<hbm>>
      %dma_wait3A_26 = tpu.memref_squeeze %dma_wait3A_25 : memref<1x64xi32, #tpu.memory_space<hbm>> -> memref<64xi32, #tpu.memory_space<hbm>>
      tpu.wait_dma2 semaphore(%run_scoped3A_18 : memref<!tpu.dma_semaphore, #tpu.memory_space<semaphore_mem>>) src(%dma_wait3A_26 : memref<64xi32, #tpu.memory_space<hbm>>) dst(%arg9 : memref<64xi32, #tpu.memory_space<vmem>>)
      tpu.yield
    }) : () -> ()
    %run_scoped3A_4 = arith.constant 0 : i32
    "tpu.region"() ({
      %run_scoped3A_18 = tpu.sem_alloc : memref<!tpu.dma_semaphore, #tpu.memory_space<semaphore_mem>>
      %dma_start3A_19 = tpu.memref_slice %arg4[%run_scoped3A_4, %mul3A_2] : memref<8x2048xf32, #tpu.memory_space<hbm>> -> memref<1x64xf32, #tpu.memory_space<hbm>>
      %dma_start3A_20 = tpu.memref_squeeze %dma_start3A_19 : memref<1x64xf32, #tpu.memory_space<hbm>> -> memref<64xf32, #tpu.memory_space<hbm>>
      %dma_start3A_21 = tpu.memref_slice %arg4[%run_scoped3A_4, %mul3A_2] : memref<8x2048xf32, #tpu.memory_space<hbm>> -> memref<1x64xf32, #tpu.memory_space<hbm>>
      %dma_start3A_22 = tpu.memref_squeeze %dma_start3A_21 : memref<1x64xf32, #tpu.memory_space<hbm>> -> memref<64xf32, #tpu.memory_space<hbm>>
      tpu.enqueue_dma source(%dma_start3A_22 : memref<64xf32, #tpu.memory_space<hbm>>) target(%arg10 : memref<64xf32, #tpu.memory_space<vmem>>) target_semaphore(%run_scoped3A_18 : memref<!tpu.dma_semaphore, #tpu.memory_space<semaphore_mem>>)
      %dma_wait3A_23 = tpu.memref_slice %arg4[%run_scoped3A_4, %mul3A_2] : memref<8x2048xf32, #tpu.memory_space<hbm>> -> memref<1x64xf32, #tpu.memory_space<hbm>>
      %dma_wait3A_24 = tpu.memref_squeeze %dma_wait3A_23 : memref<1x64xf32, #tpu.memory_space<hbm>> -> memref<64xf32, #tpu.memory_space<hbm>>
      %dma_wait3A_25 = tpu.memref_slice %arg4[%run_scoped3A_4, %mul3A_2] : memref<8x2048xf32, #tpu.memory_space<hbm>> -> memref<1x64xf32, #tpu.memory_space<hbm>>
      %dma_wait3A_26 = tpu.memref_squeeze %dma_wait3A_25 : memref<1x64xf32, #tpu.memory_space<hbm>> -> memref<64xf32, #tpu.memory_space<hbm>>
      tpu.wait_dma2 semaphore(%run_scoped3A_18 : memref<!tpu.dma_semaphore, #tpu.memory_space<semaphore_mem>>) src(%dma_wait3A_26 : memref<64xf32, #tpu.memory_space<hbm>>) dst(%arg10 : memref<64xf32, #tpu.memory_space<vmem>>)
      tpu.yield
    }) : () -> ()
    %run_scoped3A_5 = arith.constant 1 : i32
    "tpu.region"() ({
      %run_scoped3A_18 = tpu.sem_alloc : memref<!tpu.dma_semaphore, #tpu.memory_space<semaphore_mem>>
      %dma_start3A_19 = tpu.memref_slice %arg4[%run_scoped3A_5, %mul3A_2] : memref<8x2048xf32, #tpu.memory_space<hbm>> -> memref<1x64xf32, #tpu.memory_space<hbm>>
      %dma_start3A_20 = tpu.memref_squeeze %dma_start3A_19 : memref<1x64xf32, #tpu.memory_space<hbm>> -> memref<64xf32, #tpu.memory_space<hbm>>
      %dma_start3A_21 = tpu.memref_slice %arg4[%run_scoped3A_5, %mul3A_2] : memref<8x2048xf32, #tpu.memory_space<hbm>> -> memref<1x64xf32, #tpu.memory_space<hbm>>
      %dma_start3A_22 = tpu.memref_squeeze %dma_start3A_21 : memref<1x64xf32, #tpu.memory_space<hbm>> -> memref<64xf32, #tpu.memory_space<hbm>>
      tpu.enqueue_dma source(%dma_start3A_22 : memref<64xf32, #tpu.memory_space<hbm>>) target(%arg11 : memref<64xf32, #tpu.memory_space<vmem>>) target_semaphore(%run_scoped3A_18 : memref<!tpu.dma_semaphore, #tpu.memory_space<semaphore_mem>>)
      %dma_wait3A_23 = tpu.memref_slice %arg4[%run_scoped3A_5, %mul3A_2] : memref<8x2048xf32, #tpu.memory_space<hbm>> -> memref<1x64xf32, #tpu.memory_space<hbm>>
      %dma_wait3A_24 = tpu.memref_squeeze %dma_wait3A_23 : memref<1x64xf32, #tpu.memory_space<hbm>> -> memref<64xf32, #tpu.memory_space<hbm>>
      %dma_wait3A_25 = tpu.memref_slice %arg4[%run_scoped3A_5, %mul3A_2] : memref<8x2048xf32, #tpu.memory_space<hbm>> -> memref<1x64xf32, #tpu.memory_space<hbm>>
      %dma_wait3A_26 = tpu.memref_squeeze %dma_wait3A_25 : memref<1x64xf32, #tpu.memory_space<hbm>> -> memref<64xf32, #tpu.memory_space<hbm>>
      tpu.wait_dma2 semaphore(%run_scoped3A_18 : memref<!tpu.dma_semaphore, #tpu.memory_space<semaphore_mem>>) src(%dma_wait3A_26 : memref<64xf32, #tpu.memory_space<hbm>>) dst(%arg11 : memref<64xf32, #tpu.memory_space<vmem>>)
      tpu.yield
    }) : () -> ()
    %dma_start3A = arith.constant 0 : i32
    %dma_start3A_6 = arith.constant 0 : i32
    %dma_start3A_7 = tpu.memref_slice %arg2[%dma_start3A, %dma_start3A_6] : memref<12288x768xf32, #tpu.memory_space<hbm>> -> memref<12288x768xf32, #tpu.memory_space<hbm>>
    tpu.enqueue_indirect_dma source(%dma_start3A_7 : memref<12288x768xf32, #tpu.memory_space<hbm>>) target(%arg6 : memref<64x768xf32, #tpu.memory_space<vmem>>) offsets(%arg8 : memref<64xi32, #tpu.memory_space<vmem>>) semaphore(%arg12 : memref<!tpu.dma_semaphore, #tpu.memory_space<semaphore_mem>>)
    %dma_start3A_8 = arith.constant 0 : i32
    %dma_start3A_9 = arith.constant 0 : i32
    %dma_start3A_10 = tpu.memref_slice %arg2[%dma_start3A_8, %dma_start3A_9] : memref<12288x768xf32, #tpu.memory_space<hbm>> -> memref<12288x768xf32, #tpu.memory_space<hbm>>
    tpu.enqueue_indirect_dma source(%dma_start3A_10 : memref<12288x768xf32, #tpu.memory_space<hbm>>) target(%arg7 : memref<64x768xf32, #tpu.memory_space<vmem>>) offsets(%arg9 : memref<64xi32, #tpu.memory_space<vmem>>) semaphore(%arg12 : memref<!tpu.dma_semaphore, #tpu.memory_space<semaphore_mem>>)
    %dma_wait3A = arith.constant 0 : i32
    %dma_wait3A_11 = arith.constant 0 : i32
    %dma_wait3A_12 = tpu.memref_slice %arg2[%dma_wait3A, %dma_wait3A_11] : memref<12288x768xf32, #tpu.memory_space<hbm>> -> memref<12288x768xf32, #tpu.memory_space<hbm>>
    tpu.wait_indirect_dma semaphore(%arg12 : memref<!tpu.dma_semaphore, #tpu.memory_space<semaphore_mem>>) src(%dma_wait3A_12 : memref<12288x768xf32, #tpu.memory_space<hbm>>) dst(%arg6 : memref<64x768xf32, #tpu.memory_space<vmem>>)
    %dma_wait3A_13 = arith.constant 0 : i32
    %dma_wait3A_14 = arith.constant 0 : i32
    %dma_wait3A_15 = tpu.memref_slice %arg2[%dma_wait3A_13, %dma_wait3A_14] : memref<12288x768xf32, #tpu.memory_space<hbm>> -> memref<12288x768xf32, #tpu.memory_space<hbm>>
    tpu.wait_indirect_dma semaphore(%arg12 : memref<!tpu.dma_semaphore, #tpu.memory_space<semaphore_mem>>) src(%dma_wait3A_15 : memref<12288x768xf32, #tpu.memory_space<hbm>>) dst(%arg7 : memref<64x768xf32, #tpu.memory_space<vmem>>)
    %parallel_loop3A = arith.constant 0 : i32
    %parallel_loop3A_16 = arith.constant 64 : i32
    %parallel_loop3A_17 = arith.constant 1 : i32
    scf.for %parallel_loop3A_18 = %parallel_loop3A to %parallel_loop3A_16 step %parallel_loop3A_17  : i32 {
      %parallel_loop3A_19 = arith.constant 0 : i32
      %parallel_loop3A_20 = vector.broadcast %parallel_loop3A_19 : i32 to vector<16xi32>
      %parallel_loop3A_21 = vector.broadcast %parallel_loop3A_18 : i32 to vector<16xi32>
      %parallel_loop3A_22 = arith.addi %parallel_loop3A_20, %parallel_loop3A_21 : vector<16xi32>
      %parallel_loop3A_23 = tpu.vector_load_idx %arg10[%parallel_loop3A_22] : memref<64xf32, #tpu.memory_space<vmem>>[vector<16xi32>], vector<16xf32>,
      %parallel_loop3A_24 = tpu.vector_load_idx %arg11[%parallel_loop3A_22] : memref<64xf32, #tpu.memory_space<vmem>>[vector<16xi32>], vector<16xf32>,
      %parallel_loop3A_25 = arith.index_cast %parallel_loop3A_18 : i32 to index
      %parallel_loop3A_26 = arith.constant 0 : index
      %parallel_loop3A_27 = tpu.vector_load %arg6[%parallel_loop3A_25, %parallel_loop3A_26] {strides = array<i32>} : memref<64x768xf32, #tpu.memory_space<vmem>>, vector<16xf32>,
      %parallel_loop3A_28 = arith.mulf %parallel_loop3A_27, %parallel_loop3A_23 : vector<16xf32>
      %parallel_loop3A_29 = arith.index_cast %parallel_loop3A_18 : i32 to index
      %parallel_loop3A_30 = arith.constant 0 : index
      %parallel_loop3A_31 = tpu.vector_load %arg7[%parallel_loop3A_29, %parallel_loop3A_30] {strides = array<i32>} : memref<64x768xf32, #tpu.memory_space<vmem>>, vector<16xf32>,
      %parallel_loop3A_32 = arith.mulf %parallel_loop3A_31, %parallel_loop3A_24 : vector<16xf32>
      %parallel_loop3A_33 = arith.addf %parallel_loop3A_28, %parallel_loop3A_32 : vector<16xf32>
      %parallel_loop3A_34 = arith.index_cast %parallel_loop3A_18 : i32 to index
      %parallel_loop3A_35 = arith.constant 0 : index
      %parallel_loop3A_36 = tpu.vector_load %arg6[%parallel_loop3A_34, %parallel_loop3A_35] {strides = array<i32>} : memref<64x768xf32, #tpu.memory_space<vmem>>, vector<16xf32>,
      tpu.vector_store %arg6[%parallel_loop3A_34, %parallel_loop3A_35], %parallel_loop3A_33 {strides = array<i32>} : memref<64x768xf32, #tpu.memory_space<vmem>>, vector<16xf32>,
      %parallel_loop3A_37 = arith.index_cast %parallel_loop3A_18 : i32 to index
      %parallel_loop3A_38 = arith.constant 16 : index
      %parallel_loop3A_39 = tpu.vector_load %arg6[%parallel_loop3A_37, %parallel_loop3A_38] {strides = array<i32>} : memref<64x768xf32, #tpu.memory_space<vmem>>, vector<16xf32>,
      %parallel_loop3A_40 = arith.mulf %parallel_loop3A_39, %parallel_loop3A_23 : vector<16xf32>
      %parallel_loop3A_41 = arith.index_cast %parallel_loop3A_18 : i32 to index
      %parallel_loop3A_42 = arith.constant 16 : index
      %parallel_loop3A_43 = tpu.vector_load %arg7[%parallel_loop3A_41, %parallel_loop3A_42] {strides = array<i32>} : memref<64x768xf32, #tpu.memory_space<vmem>>, vector<16xf32>,
      %parallel_loop3A_44 = arith.mulf %parallel_loop3A_43, %parallel_loop3A_24 : vector<16xf32>
      %parallel_loop3A_45 = arith.addf %parallel_loop3A_40, %parallel_loop3A_44 : vector<16xf32>
      %parallel_loop3A_46 = arith.index_cast %parallel_loop3A_18 : i32 to index
      %parallel_loop3A_47 = arith.constant 16 : index
      %parallel_loop3A_48 = tpu.vector_load %arg6[%parallel_loop3A_46, %parallel_loop3A_47] {strides = array<i32>} : memref<64x768xf32, #tpu.memory_space<vmem>>, vector<16xf32>,
      tpu.vector_store %arg6[%parallel_loop3A_46, %parallel_loop3A_47], %parallel_loop3A_45 {strides = array<i32>} : memref<64x768xf32, #tpu.memory_space<vmem>>, vector<16xf32>,
      %parallel_loop3A_49 = arith.index_cast %parallel_loop3A_18 : i32 to index
      %parallel_loop3A_50 = arith.constant 32 : index
      %parallel_loop3A_51 = tpu.vector_load %arg6[%parallel_loop3A_49, %parallel_loop3A_50] {strides = array<i32>} : memref<64x768xf32, #tpu.memory_space<vmem>>, vector<16xf32>,
      %parallel_loop3A_52 = arith.mulf %parallel_loop3A_51, %parallel_loop3A_23 : vector<16xf32>
      %parallel_loop3A_53 = arith.index_cast %parallel_loop3A_18 : i32 to index
      %parallel_loop3A_54 = arith.constant 32 : index
      %parallel_loop3A_55 = tpu.vector_load %arg7[%parallel_loop3A_53, %parallel_loop3A_54] {strides = array<i32>} : memref<64x768xf32, #tpu.memory_space<vmem>>, vector<16xf32>,
      %parallel_loop3A_56 = arith.mulf %parallel_loop3A_55, %parallel_loop3A_24 : vector<16xf32>
      %parallel_loop3A_57 = arith.addf %parallel_loop3A_52, %parallel_loop3A_56 : vector<16xf32>
      %parallel_loop3A_58 = arith.index_cast %parallel_loop3A_18 : i32 to index
      %parallel_loop3A_59 = arith.constant 32 : index
      %parallel_loop3A_60 = tpu.vector_load %arg6[%parallel_loop3A_58, %parallel_loop3A_59] {strides = array<i32>} : memref<64x768xf32, #tpu.memory_space<vmem>>, vector<16xf32>,
      tpu.vector_store %arg6[%parallel_loop3A_58, %parallel_loop3A_59], %parallel_loop3A_57 {strides = array<i32>} : memref<64x768xf32, #tpu.memory_space<vmem>>, vector<16xf32>,
      %parallel_loop3A_61 = arith.index_cast %parallel_loop3A_18 : i32 to index
      %parallel_loop3A_62 = arith.constant 48 : index
      %parallel_loop3A_63 = tpu.vector_load %arg6[%parallel_loop3A_61, %parallel_loop3A_62] {strides = array<i32>} : memref<64x768xf32, #tpu.memory_space<vmem>>, vector<16xf32>,
      %parallel_loop3A_64 = arith.mulf %parallel_loop3A_63, %parallel_loop3A_23 : vector<16xf32>
      %parallel_loop3A_65 = arith.index_cast %parallel_loop3A_18 : i32 to index
      %parallel_loop3A_66 = arith.constant 48 : index
      %parallel_loop3A_67 = tpu.vector_load %arg7[%parallel_loop3A_65, %parallel_loop3A_66] {strides = array<i32>} : memref<64x768xf32, #tpu.memory_space<vmem>>, vector<16xf32>,
      %parallel_loop3A_68 = arith.mulf %parallel_loop3A_67, %parallel_loop3A_24 : vector<16xf32>
      %parallel_loop3A_69 = arith.addf %parallel_loop3A_64, %parallel_loop3A_68 : vector<16xf32>
      %parallel_loop3A_70 = arith.index_cast %parallel_loop3A_18 : i32 to index
      %parallel_loop3A_71 = arith.constant 48 : index
      %parallel_loop3A_72 = tpu.vector_load %arg6[%parallel_loop3A_70, %parallel_loop3A_71] {strides = array<i32>} : memref<64x768xf32, #tpu.memory_space<vmem>>, vector<16xf32>,
      tpu.vector_store %arg6[%parallel_loop3A_70, %parallel_loop3A_71], %parallel_loop3A_69 {strides = array<i32>} : memref<64x768xf32, #tpu.memory_space<vmem>>, vector<16xf32>,
      %parallel_loop3A_73 = arith.index_cast %parallel_loop3A_18 : i32 to index
      %parallel_loop3A_74 = arith.constant 64 : index
      %parallel_loop3A_75 = tpu.vector_load %arg6[%parallel_loop3A_73, %parallel_loop3A_74] {strides = array<i32>} : memref<64x768xf32, #tpu.memory_space<vmem>>, vector<16xf32>,
      %parallel_loop3A_76 = arith.mulf %parallel_loop3A_75, %parallel_loop3A_23 : vector<16xf32>
      %parallel_loop3A_77 = arith.index_cast %parallel_loop3A_18 : i32 to index
      %parallel_loop3A_78 = arith.constant 64 : index
      %parallel_loop3A_79 = tpu.vector_load %arg7[%parallel_loop3A_77, %parallel_loop3A_78] {strides = array<i32>} : memref<64x768xf32, #tpu.memory_space<vmem>>, vector<16xf32>,
      %parallel_loop3A_80 = arith.mulf %parallel_loop3A_79, %parallel_loop3A_24 : vector<16xf32>
      %parallel_loop3A_81 = arith.addf %parallel_loop3A_76, %parallel_loop3A_80 : vector<16xf32>
      %parallel_loop3A_82 = arith.index_cast %parallel_loop3A_18 : i32 to index
      %parallel_loop3A_83 = arith.constant 64 : index
      %parallel_loop3A_84 = tpu.vector_load %arg6[%parallel_loop3A_82, %parallel_loop3A_83] {strides = array<i32>} : memref<64x768xf32, #tpu.memory_space<vmem>>, vector<16xf32>,
      tpu.vector_store %arg6[%parallel_loop3A_82, %parallel_loop3A_83], %parallel_loop3A_81 {strides = array<i32>} : memref<64x768xf32, #tpu.memory_space<vmem>>, vector<16xf32>,
      %parallel_loop3A_85 = arith.index_cast %parallel_loop3A_18 : i32 to index
      %parallel_loop3A_86 = arith.constant 80 : index
      %parallel_loop3A_87 = tpu.vector_load %arg6[%parallel_loop3A_85, %parallel_loop3A_86] {strides = array<i32>} : memref<64x768xf32, #tpu.memory_space<vmem>>, vector<16xf32>,
      %parallel_loop3A_88 = arith.mulf %parallel_loop3A_87, %parallel_loop3A_23 : vector<16xf32>
      %parallel_loop3A_89 = arith.index_cast %parallel_loop3A_18 : i32 to index
      %parallel_loop3A_90 = arith.constant 80 : index
      %parallel_loop3A_91 = tpu.vector_load %arg7[%parallel_loop3A_89, %parallel_loop3A_90] {strides = array<i32>} : memref<64x768xf32, #tpu.memory_space<vmem>>, vector<16xf32>,
      %parallel_loop3A_92 = arith.mulf %parallel_loop3A_91, %parallel_loop3A_24 : vector<16xf32>
      %parallel_loop3A_93 = arith.addf %parallel_loop3A_88, %parallel_loop3A_92 : vector<16xf32>
      %parallel_loop3A_94 = arith.index_cast %parallel_loop3A_18 : i32 to index
      %parallel_loop3A_95 = arith.constant 80 : index
      %parallel_loop3A_96 = tpu.vector_load %arg6[%parallel_loop3A_94, %parallel_loop3A_95] {strides = array<i32>} : memref<64x768xf32, #tpu.memory_space<vmem>>, vector<16xf32>,
      tpu.vector_store %arg6[%parallel_loop3A_94, %parallel_loop3A_95], %parallel_loop3A_93 {strides = array<i32>} : memref<64x768xf32, #tpu.memory_space<vmem>>, vector<16xf32>,
      %parallel_loop3A_97 = arith.index_cast %parallel_loop3A_18 : i32 to index
      %parallel_loop3A_98 = arith.constant 96 : index
      %parallel_loop3A_99 = tpu.vector_load %arg6[%parallel_loop3A_97, %parallel_loop3A_98] {strides = array<i32>} : memref<64x768xf32, #tpu.memory_space<vmem>>, vector<16xf32>,
      %parallel_loop3A_100 = arith.mulf %parallel_loop3A_99, %parallel_loop3A_23 : vector<16xf32>
      %parallel_loop3A_101 = arith.index_cast %parallel_loop3A_18 : i32 to index
      %parallel_loop3A_102 = arith.constant 96 : index
      %parallel_loop3A_103 = tpu.vector_load %arg7[%parallel_loop3A_101, %parallel_loop3A_102] {strides = array<i32>} : memref<64x768xf32, #tpu.memory_space<vmem>>, vector<16xf32>,
      %parallel_loop3A_104 = arith.mulf %parallel_loop3A_103, %parallel_loop3A_24 : vector<16xf32>
      %parallel_loop3A_105 = arith.addf %parallel_loop3A_100, %parallel_loop3A_104 : vector<16xf32>
      %parallel_loop3A_106 = arith.index_cast %parallel_loop3A_18 : i32 to index
      %parallel_loop3A_107 = arith.constant 96 : index
      %parallel_loop3A_108 = tpu.vector_load %arg6[%parallel_loop3A_106, %parallel_loop3A_107] {strides = array<i32>} : memref<64x768xf32, #tpu.memory_space<vmem>>, vector<16xf32>,
      tpu.vector_store %arg6[%parallel_loop3A_106, %parallel_loop3A_107], %parallel_loop3A_105 {strides = array<i32>} : memref<64x768xf32, #tpu.memory_space<vmem>>, vector<16xf32>,
      %parallel_loop3A_109 = arith.index_cast %parallel_loop3A_18 : i32 to index
      %parallel_loop3A_110 = arith.constant 112 : index
      %parallel_loop3A_111 = tpu.vector_load %arg6[%parallel_loop3A_109, %parallel_loop3A_110] {strides = array<i32>} : memref<64x768xf32, #tpu.memory_space<vmem>>, vector<16xf32>,
      %parallel_loop3A_112 = arith.mulf %parallel_loop3A_111, %parallel_loop3A_23 : vector<16xf32>
      %parallel_loop3A_113 = arith.index_cast %parallel_loop3A_18 : i32 to index
      %parallel_loop3A_114 = arith.constant 112 : index
      %parallel_loop3A_115 = tpu.vector_load %arg7[%parallel_loop3A_113, %parallel_loop3A_114] {strides = array<i32>} : memref<64x768xf32, #tpu.memory_space<vmem>>, vector<16xf32>,
      %parallel_loop3A_116 = arith.mulf %parallel_loop3A_115, %parallel_loop3A_24 : vector<16xf32>
      %parallel_loop3A_117 = arith.addf %parallel_loop3A_112, %parallel_loop3A_116 : vector<16xf32>
      %parallel_loop3A_118 = arith.index_cast %parallel_loop3A_18 : i32 to index
      %parallel_loop3A_119 = arith.constant 112 : index
      %parallel_loop3A_120 = tpu.vector_load %arg6[%parallel_loop3A_118, %parallel_loop3A_119] {strides = array<i32>} : memref<64x768xf32, #tpu.memory_space<vmem>>, vector<16xf32>,
      tpu.vector_store %arg6[%parallel_loop3A_118, %parallel_loop3A_119], %parallel_loop3A_117 {strides = array<i32>} : memref<64x768xf32, #tpu.memory_space<vmem>>, vector<16xf32>,
      %parallel_loop3A_121 = arith.index_cast %parallel_loop3A_18 : i32 to index
      %parallel_loop3A_122 = arith.constant 128 : index
      %parallel_loop3A_123 = tpu.vector_load %arg6[%parallel_loop3A_121, %parallel_loop3A_122] {strides = array<i32>} : memref<64x768xf32, #tpu.memory_space<vmem>>, vector<16xf32>,
      %parallel_loop3A_124 = arith.mulf %parallel_loop3A_123, %parallel_loop3A_23 : vector<16xf32>
      %parallel_loop3A_125 = arith.index_cast %parallel_loop3A_18 : i32 to index
      %parallel_loop3A_126 = arith.constant 128 : index
      %parallel_loop3A_127 = tpu.vector_load %arg7[%parallel_loop3A_125, %parallel_loop3A_126] {strides = array<i32>} : memref<64x768xf32, #tpu.memory_space<vmem>>, vector<16xf32>,
      %parallel_loop3A_128 = arith.mulf %parallel_loop3A_127, %parallel_loop3A_24 : vector<16xf32>
      %parallel_loop3A_129 = arith.addf %parallel_loop3A_124, %parallel_loop3A_128 : vector<16xf32>
      %parallel_loop3A_130 = arith.index_cast %parallel_loop3A_18 : i32 to index
      %parallel_loop3A_131 = arith.constant 128 : index
      %parallel_loop3A_132 = tpu.vector_load %arg6[%parallel_loop3A_130, %parallel_loop3A_131] {strides = array<i32>} : memref<64x768xf32, #tpu.memory_space<vmem>>, vector<16xf32>,
      tpu.vector_store %arg6[%parallel_loop3A_130, %parallel_loop3A_131], %parallel_loop3A_129 {strides = array<i32>} : memref<64x768xf32, #tpu.memory_space<vmem>>, vector<16xf32>,
      %parallel_loop3A_133 = arith.index_cast %parallel_loop3A_18 : i32 to index
      %parallel_loop3A_134 = arith.constant 144 : index
      %parallel_loop3A_135 = tpu.vector_load %arg6[%parallel_loop3A_133, %parallel_loop3A_134] {strides = array<i32>} : memref<64x768xf32, #tpu.memory_space<vmem>>, vector<16xf32>,
      %parallel_loop3A_136 = arith.mulf %parallel_loop3A_135, %parallel_loop3A_23 : vector<16xf32>
      %parallel_loop3A_137 = arith.index_cast %parallel_loop3A_18 : i32 to index
      %parallel_loop3A_138 = arith.constant 144 : index
      %parallel_loop3A_139 = tpu.vector_load %arg7[%parallel_loop3A_137, %parallel_loop3A_138] {strides = array<i32>} : memref<64x768xf32, #tpu.memory_space<vmem>>, vector<16xf32>,
      %parallel_loop3A_140 = arith.mulf %parallel_loop3A_139, %parallel_loop3A_24 : vector<16xf32>
      %parallel_loop3A_141 = arith.addf %parallel_loop3A_136, %parallel_loop3A_140 : vector<16xf32>
      %parallel_loop3A_142 = arith.index_cast %parallel_loop3A_18 : i32 to index
      %parallel_loop3A_143 = arith.constant 144 : index
      %parallel_loop3A_144 = tpu.vector_load %arg6[%parallel_loop3A_142, %parallel_loop3A_143] {strides = array<i32>} : memref<64x768xf32, #tpu.memory_space<vmem>>, vector<16xf32>,
      tpu.vector_store %arg6[%parallel_loop3A_142, %parallel_loop3A_143], %parallel_loop3A_141 {strides = array<i32>} : memref<64x768xf32, #tpu.memory_space<vmem>>, vector<16xf32>,
      %parallel_loop3A_145 = arith.index_cast %parallel_loop3A_18 : i32 to index
      %parallel_loop3A_146 = arith.constant 160 : index
      %parallel_loop3A_147 = tpu.vector_load %arg6[%parallel_loop3A_145, %parallel_loop3A_146] {strides = array<i32>} : memref<64x768xf32, #tpu.memory_space<vmem>>, vector<16xf32>,
      %parallel_loop3A_148 = arith.mulf %parallel_loop3A_147, %parallel_loop3A_23 : vector<16xf32>
      %parallel_loop3A_149 = arith.index_cast %parallel_loop3A_18 : i32 to index
      %parallel_loop3A_150 = arith.constant 160 : index
      %parallel_loop3A_151 = tpu.vector_load %arg7[%parallel_loop3A_149, %parallel_loop3A_150] {strides = array<i32>} : memref<64x768xf32, #tpu.memory_space<vmem>>, vector<16xf32>,
      %parallel_loop3A_152 = arith.mulf %parallel_loop3A_151, %parallel_loop3A_24 : vector<16xf32>
      %parallel_loop3A_153 = arith.addf %parallel_loop3A_148, %parallel_loop3A_152 : vector<16xf32>
      %parallel_loop3A_154 = arith.index_cast %parallel_loop3A_18 : i32 to index
      %parallel_loop3A_155 = arith.constant 160 : index
      %parallel_loop3A_156 = tpu.vector_load %arg6[%parallel_loop3A_154, %parallel_loop3A_155] {strides = array<i32>} : memref<64x768xf32, #tpu.memory_space<vmem>>, vector<16xf32>,
      tpu.vector_store %arg6[%parallel_loop3A_154, %parallel_loop3A_155], %parallel_loop3A_153 {strides = array<i32>} : memref<64x768xf32, #tpu.memory_space<vmem>>, vector<16xf32>,
      %parallel_loop3A_157 = arith.index_cast %parallel_loop3A_18 : i32 to index
      %parallel_loop3A_158 = arith.constant 176 : index
      %parallel_loop3A_159 = tpu.vector_load %arg6[%parallel_loop3A_157, %parallel_loop3A_158] {strides = array<i32>} : memref<64x768xf32, #tpu.memory_space<vmem>>, vector<16xf32>,
      %parallel_loop3A_160 = arith.mulf %parallel_loop3A_159, %parallel_loop3A_23 : vector<16xf32>
      %parallel_loop3A_161 = arith.index_cast %parallel_loop3A_18 : i32 to index
      %parallel_loop3A_162 = arith.constant 176 : index
      %parallel_loop3A_163 = tpu.vector_load %arg7[%parallel_loop3A_161, %parallel_loop3A_162] {strides = array<i32>} : memref<64x768xf32, #tpu.memory_space<vmem>>, vector<16xf32>,
      %parallel_loop3A_164 = arith.mulf %parallel_loop3A_163, %parallel_loop3A_24 : vector<16xf32>
      %parallel_loop3A_165 = arith.addf %parallel_loop3A_160, %parallel_loop3A_164 : vector<16xf32>
      %parallel_loop3A_166 = arith.index_cast %parallel_loop3A_18 : i32 to index
      %parallel_loop3A_167 = arith.constant 176 : index
      %parallel_loop3A_168 = tpu.vector_load %arg6[%parallel_loop3A_166, %parallel_loop3A_167] {strides = array<i32>} : memref<64x768xf32, #tpu.memory_space<vmem>>, vector<16xf32>,
      tpu.vector_store %arg6[%parallel_loop3A_166, %parallel_loop3A_167], %parallel_loop3A_165 {strides = array<i32>} : memref<64x768xf32, #tpu.memory_space<vmem>>, vector<16xf32>,
      %parallel_loop3A_169 = arith.index_cast %parallel_loop3A_18 : i32 to index
      %parallel_loop3A_170 = arith.constant 192 : index
      %parallel_loop3A_171 = tpu.vector_load %arg6[%parallel_loop3A_169, %parallel_loop3A_170] {strides = array<i32>} : memref<64x768xf32, #tpu.memory_space<vmem>>, vector<16xf32>,
      %parallel_loop3A_172 = arith.mulf %parallel_loop3A_171, %parallel_loop3A_23 : vector<16xf32>
      %parallel_loop3A_173 = arith.index_cast %parallel_loop3A_18 : i32 to index
      %parallel_loop3A_174 = arith.constant 192 : index
      %parallel_loop3A_175 = tpu.vector_load %arg7[%parallel_loop3A_173, %parallel_loop3A_174] {strides = array<i32>} : memref<64x768xf32, #tpu.memory_space<vmem>>, vector<16xf32>,
      %parallel_loop3A_176 = arith.mulf %parallel_loop3A_175, %parallel_loop3A_24 : vector<16xf32>
      %parallel_loop3A_177 = arith.addf %parallel_loop3A_172, %parallel_loop3A_176 : vector<16xf32>
      %parallel_loop3A_178 = arith.index_cast %parallel_loop3A_18 : i32 to index
      %parallel_loop3A_179 = arith.constant 192 : index
      %parallel_loop3A_180 = tpu.vector_load %arg6[%parallel_loop3A_178, %parallel_loop3A_179] {strides = array<i32>} : memref<64x768xf32, #tpu.memory_space<vmem>>, vector<16xf32>,
      tpu.vector_store %arg6[%parallel_loop3A_178, %parallel_loop3A_179], %parallel_loop3A_177 {strides = array<i32>} : memref<64x768xf32, #tpu.memory_space<vmem>>, vector<16xf32>,
      %parallel_loop3A_181 = arith.index_cast %parallel_loop3A_18 : i32 to index
      %parallel_loop3A_182 = arith.constant 208 : index
      %parallel_loop3A_183 = tpu.vector_load %arg6[%parallel_loop3A_181, %parallel_loop3A_182] {strides = array<i32>} : memref<64x768xf32, #tpu.memory_space<vmem>>, vector<16xf32>,
      %parallel_loop3A_184 = arith.mulf %parallel_loop3A_183, %parallel_loop3A_23 : vector<16xf32>
      %parallel_loop3A_185 = arith.index_cast %parallel_loop3A_18 : i32 to index
      %parallel_loop3A_186 = arith.constant 208 : index
      %parallel_loop3A_187 = tpu.vector_load %arg7[%parallel_loop3A_185, %parallel_loop3A_186] {strides = array<i32>} : memref<64x768xf32, #tpu.memory_space<vmem>>, vector<16xf32>,
      %parallel_loop3A_188 = arith.mulf %parallel_loop3A_187, %parallel_loop3A_24 : vector<16xf32>
      %parallel_loop3A_189 = arith.addf %parallel_loop3A_184, %parallel_loop3A_188 : vector<16xf32>
      %parallel_loop3A_190 = arith.index_cast %parallel_loop3A_18 : i32 to index
      %parallel_loop3A_191 = arith.constant 208 : index
      %parallel_loop3A_192 = tpu.vector_load %arg6[%parallel_loop3A_190, %parallel_loop3A_191] {strides = array<i32>} : memref<64x768xf32, #tpu.memory_space<vmem>>, vector<16xf32>,
      tpu.vector_store %arg6[%parallel_loop3A_190, %parallel_loop3A_191], %parallel_loop3A_189 {strides = array<i32>} : memref<64x768xf32, #tpu.memory_space<vmem>>, vector<16xf32>,
      %parallel_loop3A_193 = arith.index_cast %parallel_loop3A_18 : i32 to index
      %parallel_loop3A_194 = arith.constant 224 : index
      %parallel_loop3A_195 = tpu.vector_load %arg6[%parallel_loop3A_193, %parallel_loop3A_194] {strides = array<i32>} : memref<64x768xf32, #tpu.memory_space<vmem>>, vector<16xf32>,
      %parallel_loop3A_196 = arith.mulf %parallel_loop3A_195, %parallel_loop3A_23 : vector<16xf32>
      %parallel_loop3A_197 = arith.index_cast %parallel_loop3A_18 : i32 to index
      %parallel_loop3A_198 = arith.constant 224 : index
      %parallel_loop3A_199 = tpu.vector_load %arg7[%parallel_loop3A_197, %parallel_loop3A_198] {strides = array<i32>} : memref<64x768xf32, #tpu.memory_space<vmem>>, vector<16xf32>,
      %parallel_loop3A_200 = arith.mulf %parallel_loop3A_199, %parallel_loop3A_24 : vector<16xf32>
      %parallel_loop3A_201 = arith.addf %parallel_loop3A_196, %parallel_loop3A_200 : vector<16xf32>
      %parallel_loop3A_202 = arith.index_cast %parallel_loop3A_18 : i32 to index
      %parallel_loop3A_203 = arith.constant 224 : index
      %parallel_loop3A_204 = tpu.vector_load %arg6[%parallel_loop3A_202, %parallel_loop3A_203] {strides = array<i32>} : memref<64x768xf32, #tpu.memory_space<vmem>>, vector<16xf32>,
      tpu.vector_store %arg6[%parallel_loop3A_202, %parallel_loop3A_203], %parallel_loop3A_201 {strides = array<i32>} : memref<64x768xf32, #tpu.memory_space<vmem>>, vector<16xf32>,
      %parallel_loop3A_205 = arith.index_cast %parallel_loop3A_18 : i32 to index
      %parallel_loop3A_206 = arith.constant 240 : index
      %parallel_loop3A_207 = tpu.vector_load %arg6[%parallel_loop3A_205, %parallel_loop3A_206] {strides = array<i32>} : memref<64x768xf32, #tpu.memory_space<vmem>>, vector<16xf32>,
      %parallel_loop3A_208 = arith.mulf %parallel_loop3A_207, %parallel_loop3A_23 : vector<16xf32>
      %parallel_loop3A_209 = arith.index_cast %parallel_loop3A_18 : i32 to index
      %parallel_loop3A_210 = arith.constant 240 : index
      %parallel_loop3A_211 = tpu.vector_load %arg7[%parallel_loop3A_209, %parallel_loop3A_210] {strides = array<i32>} : memref<64x768xf32, #tpu.memory_space<vmem>>, vector<16xf32>,
      %parallel_loop3A_212 = arith.mulf %parallel_loop3A_211, %parallel_loop3A_24 : vector<16xf32>
      %parallel_loop3A_213 = arith.addf %parallel_loop3A_208, %parallel_loop3A_212 : vector<16xf32>
      %parallel_loop3A_214 = arith.index_cast %parallel_loop3A_18 : i32 to index
      %parallel_loop3A_215 = arith.constant 240 : index
      %parallel_loop3A_216 = tpu.vector_load %arg6[%parallel_loop3A_214, %parallel_loop3A_215] {strides = array<i32>} : memref<64x768xf32, #tpu.memory_space<vmem>>, vector<16xf32>,
      tpu.vector_store %arg6[%parallel_loop3A_214, %parallel_loop3A_215], %parallel_loop3A_213 {strides = array<i32>} : memref<64x768xf32, #tpu.memory_space<vmem>>, vector<16xf32>,
      %parallel_loop3A_217 = arith.index_cast %parallel_loop3A_18 : i32 to index
      %parallel_loop3A_218 = arith.constant 256 : index
      %parallel_loop3A_219 = tpu.vector_load %arg6[%parallel_loop3A_217, %parallel_loop3A_218] {strides = array<i32>} : memref<64x768xf32, #tpu.memory_space<vmem>>, vector<16xf32>,
      %parallel_loop3A_220 = arith.mulf %parallel_loop3A_219, %parallel_loop3A_23 : vector<16xf32>
      %parallel_loop3A_221 = arith.index_cast %parallel_loop3A_18 : i32 to index
      %parallel_loop3A_222 = arith.constant 256 : index
      %parallel_loop3A_223 = tpu.vector_load %arg7[%parallel_loop3A_221, %parallel_loop3A_222] {strides = array<i32>} : memref<64x768xf32, #tpu.memory_space<vmem>>, vector<16xf32>,
      %parallel_loop3A_224 = arith.mulf %parallel_loop3A_223, %parallel_loop3A_24 : vector<16xf32>
      %parallel_loop3A_225 = arith.addf %parallel_loop3A_220, %parallel_loop3A_224 : vector<16xf32>
      %parallel_loop3A_226 = arith.index_cast %parallel_loop3A_18 : i32 to index
      %parallel_loop3A_227 = arith.constant 256 : index
      %parallel_loop3A_228 = tpu.vector_load %arg6[%parallel_loop3A_226, %parallel_loop3A_227] {strides = array<i32>} : memref<64x768xf32, #tpu.memory_space<vmem>>, vector<16xf32>,
      tpu.vector_store %arg6[%parallel_loop3A_226, %parallel_loop3A_227], %parallel_loop3A_225 {strides = array<i32>} : memref<64x768xf32, #tpu.memory_space<vmem>>, vector<16xf32>,
      %parallel_loop3A_229 = arith.index_cast %parallel_loop3A_18 : i32 to index
      %parallel_loop3A_230 = arith.constant 272 : index
      %parallel_loop3A_231 = tpu.vector_load %arg6[%parallel_loop3A_229, %parallel_loop3A_230] {strides = array<i32>} : memref<64x768xf32, #tpu.memory_space<vmem>>, vector<16xf32>,
      %parallel_loop3A_232 = arith.mulf %parallel_loop3A_231, %parallel_loop3A_23 : vector<16xf32>
      %parallel_loop3A_233 = arith.index_cast %parallel_loop3A_18 : i32 to index
      %parallel_loop3A_234 = arith.constant 272 : index
      %parallel_loop3A_235 = tpu.vector_load %arg7[%parallel_loop3A_233, %parallel_loop3A_234] {strides = array<i32>} : memref<64x768xf32, #tpu.memory_space<vmem>>, vector<16xf32>,
      %parallel_loop3A_236 = arith.mulf %parallel_loop3A_235, %parallel_loop3A_24 : vector<16xf32>
      %parallel_loop3A_237 = arith.addf %parallel_loop3A_232, %parallel_loop3A_236 : vector<16xf32>
      %parallel_loop3A_238 = arith.index_cast %parallel_loop3A_18 : i32 to index
      %parallel_loop3A_239 = arith.constant 272 : index
      %parallel_loop3A_240 = tpu.vector_load %arg6[%parallel_loop3A_238, %parallel_loop3A_239] {strides = array<i32>} : memref<64x768xf32, #tpu.memory_space<vmem>>, vector<16xf32>,
      tpu.vector_store %arg6[%parallel_loop3A_238, %parallel_loop3A_239], %parallel_loop3A_237 {strides = array<i32>} : memref<64x768xf32, #tpu.memory_space<vmem>>, vector<16xf32>,
      %parallel_loop3A_241 = arith.index_cast %parallel_loop3A_18 : i32 to index
      %parallel_loop3A_242 = arith.constant 288 : index
      %parallel_loop3A_243 = tpu.vector_load %arg6[%parallel_loop3A_241, %parallel_loop3A_242] {strides = array<i32>} : memref<64x768xf32, #tpu.memory_space<vmem>>, vector<16xf32>,
      %parallel_loop3A_244 = arith.mulf %parallel_loop3A_243, %parallel_loop3A_23 : vector<16xf32>
      %parallel_loop3A_245 = arith.index_cast %parallel_loop3A_18 : i32 to index
      %parallel_loop3A_246 = arith.constant 288 : index
      %parallel_loop3A_247 = tpu.vector_load %arg7[%parallel_loop3A_245, %parallel_loop3A_246] {strides = array<i32>} : memref<64x768xf32, #tpu.memory_space<vmem>>, vector<16xf32>,
      %parallel_loop3A_248 = arith.mulf %parallel_loop3A_247, %parallel_loop3A_24 : vector<16xf32>
      %parallel_loop3A_249 = arith.addf %parallel_loop3A_244, %parallel_loop3A_248 : vector<16xf32>
      %parallel_loop3A_250 = arith.index_cast %parallel_loop3A_18 : i32 to index
      %parallel_loop3A_251 = arith.constant 288 : index
      %parallel_loop3A_252 = tpu.vector_load %arg6[%parallel_loop3A_250, %parallel_loop3A_251] {strides = array<i32>} : memref<64x768xf32, #tpu.memory_space<vmem>>, vector<16xf32>,
      tpu.vector_store %arg6[%parallel_loop3A_250, %parallel_loop3A_251], %parallel_loop3A_249 {strides = array<i32>} : memref<64x768xf32, #tpu.memory_space<vmem>>, vector<16xf32>,
      %parallel_loop3A_253 = arith.index_cast %parallel_loop3A_18 : i32 to index
      %parallel_loop3A_254 = arith.constant 304 : index
      %parallel_loop3A_255 = tpu.vector_load %arg6[%parallel_loop3A_253, %parallel_loop3A_254] {strides = array<i32>} : memref<64x768xf32, #tpu.memory_space<vmem>>, vector<16xf32>,
      %parallel_loop3A_256 = arith.mulf %parallel_loop3A_255, %parallel_loop3A_23 : vector<16xf32>
      %parallel_loop3A_257 = arith.index_cast %parallel_loop3A_18 : i32 to index
      %parallel_loop3A_258 = arith.constant 304 : index
      %parallel_loop3A_259 = tpu.vector_load %arg7[%parallel_loop3A_257, %parallel_loop3A_258] {strides = array<i32>} : memref<64x768xf32, #tpu.memory_space<vmem>>, vector<16xf32>,
      %parallel_loop3A_260 = arith.mulf %parallel_loop3A_259, %parallel_loop3A_24 : vector<16xf32>
      %parallel_loop3A_261 = arith.addf %parallel_loop3A_256, %parallel_loop3A_260 : vector<16xf32>
      %parallel_loop3A_262 = arith.index_cast %parallel_loop3A_18 : i32 to index
      %parallel_loop3A_263 = arith.constant 304 : index
      %parallel_loop3A_264 = tpu.vector_load %arg6[%parallel_loop3A_262, %parallel_loop3A_263] {strides = array<i32>} : memref<64x768xf32, #tpu.memory_space<vmem>>, vector<16xf32>,
      tpu.vector_store %arg6[%parallel_loop3A_262, %parallel_loop3A_263], %parallel_loop3A_261 {strides = array<i32>} : memref<64x768xf32, #tpu.memory_space<vmem>>, vector<16xf32>,
      %parallel_loop3A_265 = arith.index_cast %parallel_loop3A_18 : i32 to index
      %parallel_loop3A_266 = arith.constant 320 : index
      %parallel_loop3A_267 = tpu.vector_load %arg6[%parallel_loop3A_265, %parallel_loop3A_266] {strides = array<i32>} : memref<64x768xf32, #tpu.memory_space<vmem>>, vector<16xf32>,
      %parallel_loop3A_268 = arith.mulf %parallel_loop3A_267, %parallel_loop3A_23 : vector<16xf32>
      %parallel_loop3A_269 = arith.index_cast %parallel_loop3A_18 : i32 to index
      %parallel_loop3A_270 = arith.constant 320 : index
      %parallel_loop3A_271 = tpu.vector_load %arg7[%parallel_loop3A_269, %parallel_loop3A_270] {strides = array<i32>} : memref<64x768xf32, #tpu.memory_space<vmem>>, vector<16xf32>,
      %parallel_loop3A_272 = arith.mulf %parallel_loop3A_271, %parallel_loop3A_24 : vector<16xf32>
      %parallel_loop3A_273 = arith.addf %parallel_loop3A_268, %parallel_loop3A_272 : vector<16xf32>
      %parallel_loop3A_274 = arith.index_cast %parallel_loop3A_18 : i32 to index
      %parallel_loop3A_275 = arith.constant 320 : index
      %parallel_loop3A_276 = tpu.vector_load %arg6[%parallel_loop3A_274, %parallel_loop3A_275] {strides = array<i32>} : memref<64x768xf32, #tpu.memory_space<vmem>>, vector<16xf32>,
      tpu.vector_store %arg6[%parallel_loop3A_274, %parallel_loop3A_275], %parallel_loop3A_273 {strides = array<i32>} : memref<64x768xf32, #tpu.memory_space<vmem>>, vector<16xf32>,
      %parallel_loop3A_277 = arith.index_cast %parallel_loop3A_18 : i32 to index
      %parallel_loop3A_278 = arith.constant 336 : index
      %parallel_loop3A_279 = tpu.vector_load %arg6[%parallel_loop3A_277, %parallel_loop3A_278] {strides = array<i32>} : memref<64x768xf32, #tpu.memory_space<vmem>>, vector<16xf32>,
      %parallel_loop3A_280 = arith.mulf %parallel_loop3A_279, %parallel_loop3A_23 : vector<16xf32>
      %parallel_loop3A_281 = arith.index_cast %parallel_loop3A_18 : i32 to index
      %parallel_loop3A_282 = arith.constant 336 : index
      %parallel_loop3A_283 = tpu.vector_load %arg7[%parallel_loop3A_281, %parallel_loop3A_282] {strides = array<i32>} : memref<64x768xf32, #tpu.memory_space<vmem>>, vector<16xf32>,
      %parallel_loop3A_284 = arith.mulf %parallel_loop3A_283, %parallel_loop3A_24 : vector<16xf32>
      %parallel_loop3A_285 = arith.addf %parallel_loop3A_280, %parallel_loop3A_284 : vector<16xf32>
      %parallel_loop3A_286 = arith.index_cast %parallel_loop3A_18 : i32 to index
      %parallel_loop3A_287 = arith.constant 336 : index
      %parallel_loop3A_288 = tpu.vector_load %arg6[%parallel_loop3A_286, %parallel_loop3A_287] {strides = array<i32>} : memref<64x768xf32, #tpu.memory_space<vmem>>, vector<16xf32>,
      tpu.vector_store %arg6[%parallel_loop3A_286, %parallel_loop3A_287], %parallel_loop3A_285 {strides = array<i32>} : memref<64x768xf32, #tpu.memory_space<vmem>>, vector<16xf32>,
      %parallel_loop3A_289 = arith.index_cast %parallel_loop3A_18 : i32 to index
      %parallel_loop3A_290 = arith.constant 352 : index
      %parallel_loop3A_291 = tpu.vector_load %arg6[%parallel_loop3A_289, %parallel_loop3A_290] {strides = array<i32>} : memref<64x768xf32, #tpu.memory_space<vmem>>, vector<16xf32>,
      %parallel_loop3A_292 = arith.mulf %parallel_loop3A_291, %parallel_loop3A_23 : vector<16xf32>
      %parallel_loop3A_293 = arith.index_cast %parallel_loop3A_18 : i32 to index
      %parallel_loop3A_294 = arith.constant 352 : index
      %parallel_loop3A_295 = tpu.vector_load %arg7[%parallel_loop3A_293, %parallel_loop3A_294] {strides = array<i32>} : memref<64x768xf32, #tpu.memory_space<vmem>>, vector<16xf32>,
      %parallel_loop3A_296 = arith.mulf %parallel_loop3A_295, %parallel_loop3A_24 : vector<16xf32>
      %parallel_loop3A_297 = arith.addf %parallel_loop3A_292, %parallel_loop3A_296 : vector<16xf32>
      %parallel_loop3A_298 = arith.index_cast %parallel_loop3A_18 : i32 to index
      %parallel_loop3A_299 = arith.constant 352 : index
      %parallel_loop3A_300 = tpu.vector_load %arg6[%parallel_loop3A_298, %parallel_loop3A_299] {strides = array<i32>} : memref<64x768xf32, #tpu.memory_space<vmem>>, vector<16xf32>,
      tpu.vector_store %arg6[%parallel_loop3A_298, %parallel_loop3A_299], %parallel_loop3A_297 {strides = array<i32>} : memref<64x768xf32, #tpu.memory_space<vmem>>, vector<16xf32>,
      %parallel_loop3A_301 = arith.index_cast %parallel_loop3A_18 : i32 to index
      %parallel_loop3A_302 = arith.constant 368 : index
      %parallel_loop3A_303 = tpu.vector_load %arg6[%parallel_loop3A_301, %parallel_loop3A_302] {strides = array<i32>} : memref<64x768xf32, #tpu.memory_space<vmem>>, vector<16xf32>,
      %parallel_loop3A_304 = arith.mulf %parallel_loop3A_303, %parallel_loop3A_23 : vector<16xf32>
      %parallel_loop3A_305 = arith.index_cast %parallel_loop3A_18 : i32 to index
      %parallel_loop3A_306 = arith.constant 368 : index
      %parallel_loop3A_307 = tpu.vector_load %arg7[%parallel_loop3A_305, %parallel_loop3A_306] {strides = array<i32>} : memref<64x768xf32, #tpu.memory_space<vmem>>, vector<16xf32>,
      %parallel_loop3A_308 = arith.mulf %parallel_loop3A_307, %parallel_loop3A_24 : vector<16xf32>
      %parallel_loop3A_309 = arith.addf %parallel_loop3A_304, %parallel_loop3A_308 : vector<16xf32>
      %parallel_loop3A_310 = arith.index_cast %parallel_loop3A_18 : i32 to index
      %parallel_loop3A_311 = arith.constant 368 : index
      %parallel_loop3A_312 = tpu.vector_load %arg6[%parallel_loop3A_310, %parallel_loop3A_311] {strides = array<i32>} : memref<64x768xf32, #tpu.memory_space<vmem>>, vector<16xf32>,
      tpu.vector_store %arg6[%parallel_loop3A_310, %parallel_loop3A_311], %parallel_loop3A_309 {strides = array<i32>} : memref<64x768xf32, #tpu.memory_space<vmem>>, vector<16xf32>,
      %parallel_loop3A_313 = arith.index_cast %parallel_loop3A_18 : i32 to index
      %parallel_loop3A_314 = arith.constant 384 : index
      %parallel_loop3A_315 = tpu.vector_load %arg6[%parallel_loop3A_313, %parallel_loop3A_314] {strides = array<i32>} : memref<64x768xf32, #tpu.memory_space<vmem>>, vector<16xf32>,
      %parallel_loop3A_316 = arith.mulf %parallel_loop3A_315, %parallel_loop3A_23 : vector<16xf32>
      %parallel_loop3A_317 = arith.index_cast %parallel_loop3A_18 : i32 to index
      %parallel_loop3A_318 = arith.constant 384 : index
      %parallel_loop3A_319 = tpu.vector_load %arg7[%parallel_loop3A_317, %parallel_loop3A_318] {strides = array<i32>} : memref<64x768xf32, #tpu.memory_space<vmem>>, vector<16xf32>,
      %parallel_loop3A_320 = arith.mulf %parallel_loop3A_319, %parallel_loop3A_24 : vector<16xf32>
      %parallel_loop3A_321 = arith.addf %parallel_loop3A_316, %parallel_loop3A_320 : vector<16xf32>
      %parallel_loop3A_322 = arith.index_cast %parallel_loop3A_18 : i32 to index
      %parallel_loop3A_323 = arith.constant 384 : index
      %parallel_loop3A_324 = tpu.vector_load %arg6[%parallel_loop3A_322, %parallel_loop3A_323] {strides = array<i32>} : memref<64x768xf32, #tpu.memory_space<vmem>>, vector<16xf32>,
      tpu.vector_store %arg6[%parallel_loop3A_322, %parallel_loop3A_323], %parallel_loop3A_321 {strides = array<i32>} : memref<64x768xf32, #tpu.memory_space<vmem>>, vector<16xf32>,
      %parallel_loop3A_325 = arith.index_cast %parallel_loop3A_18 : i32 to index
      %parallel_loop3A_326 = arith.constant 400 : index
      %parallel_loop3A_327 = tpu.vector_load %arg6[%parallel_loop3A_325, %parallel_loop3A_326] {strides = array<i32>} : memref<64x768xf32, #tpu.memory_space<vmem>>, vector<16xf32>,
      %parallel_loop3A_328 = arith.mulf %parallel_loop3A_327, %parallel_loop3A_23 : vector<16xf32>
      %parallel_loop3A_329 = arith.index_cast %parallel_loop3A_18 : i32 to index
      %parallel_loop3A_330 = arith.constant 400 : index
      %parallel_loop3A_331 = tpu.vector_load %arg7[%parallel_loop3A_329, %parallel_loop3A_330] {strides = array<i32>} : memref<64x768xf32, #tpu.memory_space<vmem>>, vector<16xf32>,
      %parallel_loop3A_332 = arith.mulf %parallel_loop3A_331, %parallel_loop3A_24 : vector<16xf32>
      %parallel_loop3A_333 = arith.addf %parallel_loop3A_328, %parallel_loop3A_332 : vector<16xf32>
      %parallel_loop3A_334 = arith.index_cast %parallel_loop3A_18 : i32 to index
      %parallel_loop3A_335 = arith.constant 400 : index
      %parallel_loop3A_336 = tpu.vector_load %arg6[%parallel_loop3A_334, %parallel_loop3A_335] {strides = array<i32>} : memref<64x768xf32, #tpu.memory_space<vmem>>, vector<16xf32>,
      tpu.vector_store %arg6[%parallel_loop3A_334, %parallel_loop3A_335], %parallel_loop3A_333 {strides = array<i32>} : memref<64x768xf32, #tpu.memory_space<vmem>>, vector<16xf32>,
      %parallel_loop3A_337 = arith.index_cast %parallel_loop3A_18 : i32 to index
      %parallel_loop3A_338 = arith.constant 416 : index
      %parallel_loop3A_339 = tpu.vector_load %arg6[%parallel_loop3A_337, %parallel_loop3A_338] {strides = array<i32>} : memref<64x768xf32, #tpu.memory_space<vmem>>, vector<16xf32>,
      %parallel_loop3A_340 = arith.mulf %parallel_loop3A_339, %parallel_loop3A_23 : vector<16xf32>
      %parallel_loop3A_341 = arith.index_cast %parallel_loop3A_18 : i32 to index
      %parallel_loop3A_342 = arith.constant 416 : index
      %parallel_loop3A_343 = tpu.vector_load %arg7[%parallel_loop3A_341, %parallel_loop3A_342] {strides = array<i32>} : memref<64x768xf32, #tpu.memory_space<vmem>>, vector<16xf32>,
      %parallel_loop3A_344 = arith.mulf %parallel_loop3A_343, %parallel_loop3A_24 : vector<16xf32>
      %parallel_loop3A_345 = arith.addf %parallel_loop3A_340, %parallel_loop3A_344 : vector<16xf32>
      %parallel_loop3A_346 = arith.index_cast %parallel_loop3A_18 : i32 to index
      %parallel_loop3A_347 = arith.constant 416 : index
      %parallel_loop3A_348 = tpu.vector_load %arg6[%parallel_loop3A_346, %parallel_loop3A_347] {strides = array<i32>} : memref<64x768xf32, #tpu.memory_space<vmem>>, vector<16xf32>,
      tpu.vector_store %arg6[%parallel_loop3A_346, %parallel_loop3A_347], %parallel_loop3A_345 {strides = array<i32>} : memref<64x768xf32, #tpu.memory_space<vmem>>, vector<16xf32>,
      %parallel_loop3A_349 = arith.index_cast %parallel_loop3A_18 : i32 to index
      %parallel_loop3A_350 = arith.constant 432 : index
      %parallel_loop3A_351 = tpu.vector_load %arg6[%parallel_loop3A_349, %parallel_loop3A_350] {strides = array<i32>} : memref<64x768xf32, #tpu.memory_space<vmem>>, vector<16xf32>,
      %parallel_loop3A_352 = arith.mulf %parallel_loop3A_351, %parallel_loop3A_23 : vector<16xf32>
      %parallel_loop3A_353 = arith.index_cast %parallel_loop3A_18 : i32 to index
      %parallel_loop3A_354 = arith.constant 432 : index
      %parallel_loop3A_355 = tpu.vector_load %arg7[%parallel_loop3A_353, %parallel_loop3A_354] {strides = array<i32>} : memref<64x768xf32, #tpu.memory_space<vmem>>, vector<16xf32>,
      %parallel_loop3A_356 = arith.mulf %parallel_loop3A_355, %parallel_loop3A_24 : vector<16xf32>
      %parallel_loop3A_357 = arith.addf %parallel_loop3A_352, %parallel_loop3A_356 : vector<16xf32>
      %parallel_loop3A_358 = arith.index_cast %parallel_loop3A_18 : i32 to index
      %parallel_loop3A_359 = arith.constant 432 : index
      %parallel_loop3A_360 = tpu.vector_load %arg6[%parallel_loop3A_358, %parallel_loop3A_359] {strides = array<i32>} : memref<64x768xf32, #tpu.memory_space<vmem>>, vector<16xf32>,
      tpu.vector_store %arg6[%parallel_loop3A_358, %parallel_loop3A_359], %parallel_loop3A_357 {strides = array<i32>} : memref<64x768xf32, #tpu.memory_space<vmem>>, vector<16xf32>,
      %parallel_loop3A_361 = arith.index_cast %parallel_loop3A_18 : i32 to index
      %parallel_loop3A_362 = arith.constant 448 : index
      %parallel_loop3A_363 = tpu.vector_load %arg6[%parallel_loop3A_361, %parallel_loop3A_362] {strides = array<i32>} : memref<64x768xf32, #tpu.memory_space<vmem>>, vector<16xf32>,
      %parallel_loop3A_364 = arith.mulf %parallel_loop3A_363, %parallel_loop3A_23 : vector<16xf32>
      %parallel_loop3A_365 = arith.index_cast %parallel_loop3A_18 : i32 to index
      %parallel_loop3A_366 = arith.constant 448 : index
      %parallel_loop3A_367 = tpu.vector_load %arg7[%parallel_loop3A_365, %parallel_loop3A_366] {strides = array<i32>} : memref<64x768xf32, #tpu.memory_space<vmem>>, vector<16xf32>,
      %parallel_loop3A_368 = arith.mulf %parallel_loop3A_367, %parallel_loop3A_24 : vector<16xf32>
      %parallel_loop3A_369 = arith.addf %parallel_loop3A_364, %parallel_loop3A_368 : vector<16xf32>
      %parallel_loop3A_370 = arith.index_cast %parallel_loop3A_18 : i32 to index
      %parallel_loop3A_371 = arith.constant 448 : index
      %parallel_loop3A_372 = tpu.vector_load %arg6[%parallel_loop3A_370, %parallel_loop3A_371] {strides = array<i32>} : memref<64x768xf32, #tpu.memory_space<vmem>>, vector<16xf32>,
      tpu.vector_store %arg6[%parallel_loop3A_370, %parallel_loop3A_371], %parallel_loop3A_369 {strides = array<i32>} : memref<64x768xf32, #tpu.memory_space<vmem>>, vector<16xf32>,
      %parallel_loop3A_373 = arith.index_cast %parallel_loop3A_18 : i32 to index
      %parallel_loop3A_374 = arith.constant 464 : index
      %parallel_loop3A_375 = tpu.vector_load %arg6[%parallel_loop3A_373, %parallel_loop3A_374] {strides = array<i32>} : memref<64x768xf32, #tpu.memory_space<vmem>>, vector<16xf32>,
      %parallel_loop3A_376 = arith.mulf %parallel_loop3A_375, %parallel_loop3A_23 : vector<16xf32>
      %parallel_loop3A_377 = arith.index_cast %parallel_loop3A_18 : i32 to index
      %parallel_loop3A_378 = arith.constant 464 : index
      %parallel_loop3A_379 = tpu.vector_load %arg7[%parallel_loop3A_377, %parallel_loop3A_378] {strides = array<i32>} : memref<64x768xf32, #tpu.memory_space<vmem>>, vector<16xf32>,
      %parallel_loop3A_380 = arith.mulf %parallel_loop3A_379, %parallel_loop3A_24 : vector<16xf32>
      %parallel_loop3A_381 = arith.addf %parallel_loop3A_376, %parallel_loop3A_380 : vector<16xf32>
      %parallel_loop3A_382 = arith.index_cast %parallel_loop3A_18 : i32 to index
      %parallel_loop3A_383 = arith.constant 464 : index
      %parallel_loop3A_384 = tpu.vector_load %arg6[%parallel_loop3A_382, %parallel_loop3A_383] {strides = array<i32>} : memref<64x768xf32, #tpu.memory_space<vmem>>, vector<16xf32>,
      tpu.vector_store %arg6[%parallel_loop3A_382, %parallel_loop3A_383], %parallel_loop3A_381 {strides = array<i32>} : memref<64x768xf32, #tpu.memory_space<vmem>>, vector<16xf32>,
      %parallel_loop3A_385 = arith.index_cast %parallel_loop3A_18 : i32 to index
      %parallel_loop3A_386 = arith.constant 480 : index
      %parallel_loop3A_387 = tpu.vector_load %arg6[%parallel_loop3A_385, %parallel_loop3A_386] {strides = array<i32>} : memref<64x768xf32, #tpu.memory_space<vmem>>, vector<16xf32>,
      %parallel_loop3A_388 = arith.mulf %parallel_loop3A_387, %parallel_loop3A_23 : vector<16xf32>
      %parallel_loop3A_389 = arith.index_cast %parallel_loop3A_18 : i32 to index
      %parallel_loop3A_390 = arith.constant 480 : index
      %parallel_loop3A_391 = tpu.vector_load %arg7[%parallel_loop3A_389, %parallel_loop3A_390] {strides = array<i32>} : memref<64x768xf32, #tpu.memory_space<vmem>>, vector<16xf32>,
      %parallel_loop3A_392 = arith.mulf %parallel_loop3A_391, %parallel_loop3A_24 : vector<16xf32>
      %parallel_loop3A_393 = arith.addf %parallel_loop3A_388, %parallel_loop3A_392 : vector<16xf32>
      %parallel_loop3A_394 = arith.index_cast %parallel_loop3A_18 : i32 to index
      %parallel_loop3A_395 = arith.constant 480 : index
      %parallel_loop3A_396 = tpu.vector_load %arg6[%parallel_loop3A_394, %parallel_loop3A_395] {strides = array<i32>} : memref<64x768xf32, #tpu.memory_space<vmem>>, vector<16xf32>,
      tpu.vector_store %arg6[%parallel_loop3A_394, %parallel_loop3A_395], %parallel_loop3A_393 {strides = array<i32>} : memref<64x768xf32, #tpu.memory_space<vmem>>, vector<16xf32>,
      %parallel_loop3A_397 = arith.index_cast %parallel_loop3A_18 : i32 to index
      %parallel_loop3A_398 = arith.constant 496 : index
      %parallel_loop3A_399 = tpu.vector_load %arg6[%parallel_loop3A_397, %parallel_loop3A_398] {strides = array<i32>} : memref<64x768xf32, #tpu.memory_space<vmem>>, vector<16xf32>,
      %parallel_loop3A_400 = arith.mulf %parallel_loop3A_399, %parallel_loop3A_23 : vector<16xf32>
      %parallel_loop3A_401 = arith.index_cast %parallel_loop3A_18 : i32 to index
      %parallel_loop3A_402 = arith.constant 496 : index
      %parallel_loop3A_403 = tpu.vector_load %arg7[%parallel_loop3A_401, %parallel_loop3A_402] {strides = array<i32>} : memref<64x768xf32, #tpu.memory_space<vmem>>, vector<16xf32>,
      %parallel_loop3A_404 = arith.mulf %parallel_loop3A_403, %parallel_loop3A_24 : vector<16xf32>
      %parallel_loop3A_405 = arith.addf %parallel_loop3A_400, %parallel_loop3A_404 : vector<16xf32>
      %parallel_loop3A_406 = arith.index_cast %parallel_loop3A_18 : i32 to index
      %parallel_loop3A_407 = arith.constant 496 : index
      %parallel_loop3A_408 = tpu.vector_load %arg6[%parallel_loop3A_406, %parallel_loop3A_407] {strides = array<i32>} : memref<64x768xf32, #tpu.memory_space<vmem>>, vector<16xf32>,
      tpu.vector_store %arg6[%parallel_loop3A_406, %parallel_loop3A_407], %parallel_loop3A_405 {strides = array<i32>} : memref<64x768xf32, #tpu.memory_space<vmem>>, vector<16xf32>,
      %parallel_loop3A_409 = arith.index_cast %parallel_loop3A_18 : i32 to index
      %parallel_loop3A_410 = arith.constant 512 : index
      %parallel_loop3A_411 = tpu.vector_load %arg6[%parallel_loop3A_409, %parallel_loop3A_410] {strides = array<i32>} : memref<64x768xf32, #tpu.memory_space<vmem>>, vector<16xf32>,
      %parallel_loop3A_412 = arith.mulf %parallel_loop3A_411, %parallel_loop3A_23 : vector<16xf32>
      %parallel_loop3A_413 = arith.index_cast %parallel_loop3A_18 : i32 to index
      %parallel_loop3A_414 = arith.constant 512 : index
      %parallel_loop3A_415 = tpu.vector_load %arg7[%parallel_loop3A_413, %parallel_loop3A_414] {strides = array<i32>} : memref<64x768xf32, #tpu.memory_space<vmem>>, vector<16xf32>,
      %parallel_loop3A_416 = arith.mulf %parallel_loop3A_415, %parallel_loop3A_24 : vector<16xf32>
      %parallel_loop3A_417 = arith.addf %parallel_loop3A_412, %parallel_loop3A_416 : vector<16xf32>
      %parallel_loop3A_418 = arith.index_cast %parallel_loop3A_18 : i32 to index
      %parallel_loop3A_419 = arith.constant 512 : index
      %parallel_loop3A_420 = tpu.vector_load %arg6[%parallel_loop3A_418, %parallel_loop3A_419] {strides = array<i32>} : memref<64x768xf32, #tpu.memory_space<vmem>>, vector<16xf32>,
      tpu.vector_store %arg6[%parallel_loop3A_418, %parallel_loop3A_419], %parallel_loop3A_417 {strides = array<i32>} : memref<64x768xf32, #tpu.memory_space<vmem>>, vector<16xf32>,
      %parallel_loop3A_421 = arith.index_cast %parallel_loop3A_18 : i32 to index
      %parallel_loop3A_422 = arith.constant 528 : index
      %parallel_loop3A_423 = tpu.vector_load %arg6[%parallel_loop3A_421, %parallel_loop3A_422] {strides = array<i32>} : memref<64x768xf32, #tpu.memory_space<vmem>>, vector<16xf32>,
      %parallel_loop3A_424 = arith.mulf %parallel_loop3A_423, %parallel_loop3A_23 : vector<16xf32>
      %parallel_loop3A_425 = arith.index_cast %parallel_loop3A_18 : i32 to index
      %parallel_loop3A_426 = arith.constant 528 : index
      %parallel_loop3A_427 = tpu.vector_load %arg7[%parallel_loop3A_425, %parallel_loop3A_426] {strides = array<i32>} : memref<64x768xf32, #tpu.memory_space<vmem>>, vector<16xf32>,
      %parallel_loop3A_428 = arith.mulf %parallel_loop3A_427, %parallel_loop3A_24 : vector<16xf32>
      %parallel_loop3A_429 = arith.addf %parallel_loop3A_424, %parallel_loop3A_428 : vector<16xf32>
      %parallel_loop3A_430 = arith.index_cast %parallel_loop3A_18 : i32 to index
      %parallel_loop3A_431 = arith.constant 528 : index
      %parallel_loop3A_432 = tpu.vector_load %arg6[%parallel_loop3A_430, %parallel_loop3A_431] {strides = array<i32>} : memref<64x768xf32, #tpu.memory_space<vmem>>, vector<16xf32>,
      tpu.vector_store %arg6[%parallel_loop3A_430, %parallel_loop3A_431], %parallel_loop3A_429 {strides = array<i32>} : memref<64x768xf32, #tpu.memory_space<vmem>>, vector<16xf32>,
      %parallel_loop3A_433 = arith.index_cast %parallel_loop3A_18 : i32 to index
      %parallel_loop3A_434 = arith.constant 544 : index
      %parallel_loop3A_435 = tpu.vector_load %arg6[%parallel_loop3A_433, %parallel_loop3A_434] {strides = array<i32>} : memref<64x768xf32, #tpu.memory_space<vmem>>, vector<16xf32>,
      %parallel_loop3A_436 = arith.mulf %parallel_loop3A_435, %parallel_loop3A_23 : vector<16xf32>
      %parallel_loop3A_437 = arith.index_cast %parallel_loop3A_18 : i32 to index
      %parallel_loop3A_438 = arith.constant 544 : index
      %parallel_loop3A_439 = tpu.vector_load %arg7[%parallel_loop3A_437, %parallel_loop3A_438] {strides = array<i32>} : memref<64x768xf32, #tpu.memory_space<vmem>>, vector<16xf32>,
      %parallel_loop3A_440 = arith.mulf %parallel_loop3A_439, %parallel_loop3A_24 : vector<16xf32>
      %parallel_loop3A_441 = arith.addf %parallel_loop3A_436, %parallel_loop3A_440 : vector<16xf32>
      %parallel_loop3A_442 = arith.index_cast %parallel_loop3A_18 : i32 to index
      %parallel_loop3A_443 = arith.constant 544 : index
      %parallel_loop3A_444 = tpu.vector_load %arg6[%parallel_loop3A_442, %parallel_loop3A_443] {strides = array<i32>} : memref<64x768xf32, #tpu.memory_space<vmem>>, vector<16xf32>,
      tpu.vector_store %arg6[%parallel_loop3A_442, %parallel_loop3A_443], %parallel_loop3A_441 {strides = array<i32>} : memref<64x768xf32, #tpu.memory_space<vmem>>, vector<16xf32>,
      %parallel_loop3A_445 = arith.index_cast %parallel_loop3A_18 : i32 to index
      %parallel_loop3A_446 = arith.constant 560 : index
      %parallel_loop3A_447 = tpu.vector_load %arg6[%parallel_loop3A_445, %parallel_loop3A_446] {strides = array<i32>} : memref<64x768xf32, #tpu.memory_space<vmem>>, vector<16xf32>,
      %parallel_loop3A_448 = arith.mulf %parallel_loop3A_447, %parallel_loop3A_23 : vector<16xf32>
      %parallel_loop3A_449 = arith.index_cast %parallel_loop3A_18 : i32 to index
      %parallel_loop3A_450 = arith.constant 560 : index
      %parallel_loop3A_451 = tpu.vector_load %arg7[%parallel_loop3A_449, %parallel_loop3A_450] {strides = array<i32>} : memref<64x768xf32, #tpu.memory_space<vmem>>, vector<16xf32>,
      %parallel_loop3A_452 = arith.mulf %parallel_loop3A_451, %parallel_loop3A_24 : vector<16xf32>
      %parallel_loop3A_453 = arith.addf %parallel_loop3A_448, %parallel_loop3A_452 : vector<16xf32>
      %parallel_loop3A_454 = arith.index_cast %parallel_loop3A_18 : i32 to index
      %parallel_loop3A_455 = arith.constant 560 : index
      %parallel_loop3A_456 = tpu.vector_load %arg6[%parallel_loop3A_454, %parallel_loop3A_455] {strides = array<i32>} : memref<64x768xf32, #tpu.memory_space<vmem>>, vector<16xf32>,
      tpu.vector_store %arg6[%parallel_loop3A_454, %parallel_loop3A_455], %parallel_loop3A_453 {strides = array<i32>} : memref<64x768xf32, #tpu.memory_space<vmem>>, vector<16xf32>,
      %parallel_loop3A_457 = arith.index_cast %parallel_loop3A_18 : i32 to index
      %parallel_loop3A_458 = arith.constant 576 : index
      %parallel_loop3A_459 = tpu.vector_load %arg6[%parallel_loop3A_457, %parallel_loop3A_458] {strides = array<i32>} : memref<64x768xf32, #tpu.memory_space<vmem>>, vector<16xf32>,
      %parallel_loop3A_460 = arith.mulf %parallel_loop3A_459, %parallel_loop3A_23 : vector<16xf32>
      %parallel_loop3A_461 = arith.index_cast %parallel_loop3A_18 : i32 to index
      %parallel_loop3A_462 = arith.constant 576 : index
      %parallel_loop3A_463 = tpu.vector_load %arg7[%parallel_loop3A_461, %parallel_loop3A_462] {strides = array<i32>} : memref<64x768xf32, #tpu.memory_space<vmem>>, vector<16xf32>,
      %parallel_loop3A_464 = arith.mulf %parallel_loop3A_463, %parallel_loop3A_24 : vector<16xf32>
      %parallel_loop3A_465 = arith.addf %parallel_loop3A_460, %parallel_loop3A_464 : vector<16xf32>
      %parallel_loop3A_466 = arith.index_cast %parallel_loop3A_18 : i32 to index
      %parallel_loop3A_467 = arith.constant 576 : index
      %parallel_loop3A_468 = tpu.vector_load %arg6[%parallel_loop3A_466, %parallel_loop3A_467] {strides = array<i32>} : memref<64x768xf32, #tpu.memory_space<vmem>>, vector<16xf32>,
      tpu.vector_store %arg6[%parallel_loop3A_466, %parallel_loop3A_467], %parallel_loop3A_465 {strides = array<i32>} : memref<64x768xf32, #tpu.memory_space<vmem>>, vector<16xf32>,
      %parallel_loop3A_469 = arith.index_cast %parallel_loop3A_18 : i32 to index
      %parallel_loop3A_470 = arith.constant 592 : index
      %parallel_loop3A_471 = tpu.vector_load %arg6[%parallel_loop3A_469, %parallel_loop3A_470] {strides = array<i32>} : memref<64x768xf32, #tpu.memory_space<vmem>>, vector<16xf32>,
      %parallel_loop3A_472 = arith.mulf %parallel_loop3A_471, %parallel_loop3A_23 : vector<16xf32>
      %parallel_loop3A_473 = arith.index_cast %parallel_loop3A_18 : i32 to index
      %parallel_loop3A_474 = arith.constant 592 : index
      %parallel_loop3A_475 = tpu.vector_load %arg7[%parallel_loop3A_473, %parallel_loop3A_474] {strides = array<i32>} : memref<64x768xf32, #tpu.memory_space<vmem>>, vector<16xf32>,
      %parallel_loop3A_476 = arith.mulf %parallel_loop3A_475, %parallel_loop3A_24 : vector<16xf32>
      %parallel_loop3A_477 = arith.addf %parallel_loop3A_472, %parallel_loop3A_476 : vector<16xf32>
      %parallel_loop3A_478 = arith.index_cast %parallel_loop3A_18 : i32 to index
      %parallel_loop3A_479 = arith.constant 592 : index
      %parallel_loop3A_480 = tpu.vector_load %arg6[%parallel_loop3A_478, %parallel_loop3A_479] {strides = array<i32>} : memref<64x768xf32, #tpu.memory_space<vmem>>, vector<16xf32>,
      tpu.vector_store %arg6[%parallel_loop3A_478, %parallel_loop3A_479], %parallel_loop3A_477 {strides = array<i32>} : memref<64x768xf32, #tpu.memory_space<vmem>>, vector<16xf32>,
      %parallel_loop3A_481 = arith.index_cast %parallel_loop3A_18 : i32 to index
      %parallel_loop3A_482 = arith.constant 608 : index
      %parallel_loop3A_483 = tpu.vector_load %arg6[%parallel_loop3A_481, %parallel_loop3A_482] {strides = array<i32>} : memref<64x768xf32, #tpu.memory_space<vmem>>, vector<16xf32>,
      %parallel_loop3A_484 = arith.mulf %parallel_loop3A_483, %parallel_loop3A_23 : vector<16xf32>
      %parallel_loop3A_485 = arith.index_cast %parallel_loop3A_18 : i32 to index
      %parallel_loop3A_486 = arith.constant 608 : index
      %parallel_loop3A_487 = tpu.vector_load %arg7[%parallel_loop3A_485, %parallel_loop3A_486] {strides = array<i32>} : memref<64x768xf32, #tpu.memory_space<vmem>>, vector<16xf32>,
      %parallel_loop3A_488 = arith.mulf %parallel_loop3A_487, %parallel_loop3A_24 : vector<16xf32>
      %parallel_loop3A_489 = arith.addf %parallel_loop3A_484, %parallel_loop3A_488 : vector<16xf32>
      %parallel_loop3A_490 = arith.index_cast %parallel_loop3A_18 : i32 to index
      %parallel_loop3A_491 = arith.constant 608 : index
      %parallel_loop3A_492 = tpu.vector_load %arg6[%parallel_loop3A_490, %parallel_loop3A_491] {strides = array<i32>} : memref<64x768xf32, #tpu.memory_space<vmem>>, vector<16xf32>,
      tpu.vector_store %arg6[%parallel_loop3A_490, %parallel_loop3A_491], %parallel_loop3A_489 {strides = array<i32>} : memref<64x768xf32, #tpu.memory_space<vmem>>, vector<16xf32>,
      %parallel_loop3A_493 = arith.index_cast %parallel_loop3A_18 : i32 to index
      %parallel_loop3A_494 = arith.constant 624 : index
      %parallel_loop3A_495 = tpu.vector_load %arg6[%parallel_loop3A_493, %parallel_loop3A_494] {strides = array<i32>} : memref<64x768xf32, #tpu.memory_space<vmem>>, vector<16xf32>,
      %parallel_loop3A_496 = arith.mulf %parallel_loop3A_495, %parallel_loop3A_23 : vector<16xf32>
      %parallel_loop3A_497 = arith.index_cast %parallel_loop3A_18 : i32 to index
      %parallel_loop3A_498 = arith.constant 624 : index
      %parallel_loop3A_499 = tpu.vector_load %arg7[%parallel_loop3A_497, %parallel_loop3A_498] {strides = array<i32>} : memref<64x768xf32, #tpu.memory_space<vmem>>, vector<16xf32>,
      %parallel_loop3A_500 = arith.mulf %parallel_loop3A_499, %parallel_loop3A_24 : vector<16xf32>
      %parallel_loop3A_501 = arith.addf %parallel_loop3A_496, %parallel_loop3A_500 : vector<16xf32>
      %parallel_loop3A_502 = arith.index_cast %parallel_loop3A_18 : i32 to index
      %parallel_loop3A_503 = arith.constant 624 : index
      %parallel_loop3A_504 = tpu.vector_load %arg6[%parallel_loop3A_502, %parallel_loop3A_503] {strides = array<i32>} : memref<64x768xf32, #tpu.memory_space<vmem>>, vector<16xf32>,
      tpu.vector_store %arg6[%parallel_loop3A_502, %parallel_loop3A_503], %parallel_loop3A_501 {strides = array<i32>} : memref<64x768xf32, #tpu.memory_space<vmem>>, vector<16xf32>,
      %parallel_loop3A_505 = arith.index_cast %parallel_loop3A_18 : i32 to index
      %parallel_loop3A_506 = arith.constant 640 : index
      %parallel_loop3A_507 = tpu.vector_load %arg6[%parallel_loop3A_505, %parallel_loop3A_506] {strides = array<i32>} : memref<64x768xf32, #tpu.memory_space<vmem>>, vector<16xf32>,
      %parallel_loop3A_508 = arith.mulf %parallel_loop3A_507, %parallel_loop3A_23 : vector<16xf32>
      %parallel_loop3A_509 = arith.index_cast %parallel_loop3A_18 : i32 to index
      %parallel_loop3A_510 = arith.constant 640 : index
      %parallel_loop3A_511 = tpu.vector_load %arg7[%parallel_loop3A_509, %parallel_loop3A_510] {strides = array<i32>} : memref<64x768xf32, #tpu.memory_space<vmem>>, vector<16xf32>,
      %parallel_loop3A_512 = arith.mulf %parallel_loop3A_511, %parallel_loop3A_24 : vector<16xf32>
      %parallel_loop3A_513 = arith.addf %parallel_loop3A_508, %parallel_loop3A_512 : vector<16xf32>
      %parallel_loop3A_514 = arith.index_cast %parallel_loop3A_18 : i32 to index
      %parallel_loop3A_515 = arith.constant 640 : index
      %parallel_loop3A_516 = tpu.vector_load %arg6[%parallel_loop3A_514, %parallel_loop3A_515] {strides = array<i32>} : memref<64x768xf32, #tpu.memory_space<vmem>>, vector<16xf32>,
      tpu.vector_store %arg6[%parallel_loop3A_514, %parallel_loop3A_515], %parallel_loop3A_513 {strides = array<i32>} : memref<64x768xf32, #tpu.memory_space<vmem>>, vector<16xf32>,
      %parallel_loop3A_517 = arith.index_cast %parallel_loop3A_18 : i32 to index
      %parallel_loop3A_518 = arith.constant 656 : index
      %parallel_loop3A_519 = tpu.vector_load %arg6[%parallel_loop3A_517, %parallel_loop3A_518] {strides = array<i32>} : memref<64x768xf32, #tpu.memory_space<vmem>>, vector<16xf32>,
      %parallel_loop3A_520 = arith.mulf %parallel_loop3A_519, %parallel_loop3A_23 : vector<16xf32>
      %parallel_loop3A_521 = arith.index_cast %parallel_loop3A_18 : i32 to index
      %parallel_loop3A_522 = arith.constant 656 : index
      %parallel_loop3A_523 = tpu.vector_load %arg7[%parallel_loop3A_521, %parallel_loop3A_522] {strides = array<i32>} : memref<64x768xf32, #tpu.memory_space<vmem>>, vector<16xf32>,
      %parallel_loop3A_524 = arith.mulf %parallel_loop3A_523, %parallel_loop3A_24 : vector<16xf32>
      %parallel_loop3A_525 = arith.addf %parallel_loop3A_520, %parallel_loop3A_524 : vector<16xf32>
      %parallel_loop3A_526 = arith.index_cast %parallel_loop3A_18 : i32 to index
      %parallel_loop3A_527 = arith.constant 656 : index
      %parallel_loop3A_528 = tpu.vector_load %arg6[%parallel_loop3A_526, %parallel_loop3A_527] {strides = array<i32>} : memref<64x768xf32, #tpu.memory_space<vmem>>, vector<16xf32>,
      tpu.vector_store %arg6[%parallel_loop3A_526, %parallel_loop3A_527], %parallel_loop3A_525 {strides = array<i32>} : memref<64x768xf32, #tpu.memory_space<vmem>>, vector<16xf32>,
      %parallel_loop3A_529 = arith.index_cast %parallel_loop3A_18 : i32 to index
      %parallel_loop3A_530 = arith.constant 672 : index
      %parallel_loop3A_531 = tpu.vector_load %arg6[%parallel_loop3A_529, %parallel_loop3A_530] {strides = array<i32>} : memref<64x768xf32, #tpu.memory_space<vmem>>, vector<16xf32>,
      %parallel_loop3A_532 = arith.mulf %parallel_loop3A_531, %parallel_loop3A_23 : vector<16xf32>
      %parallel_loop3A_533 = arith.index_cast %parallel_loop3A_18 : i32 to index
      %parallel_loop3A_534 = arith.constant 672 : index
      %parallel_loop3A_535 = tpu.vector_load %arg7[%parallel_loop3A_533, %parallel_loop3A_534] {strides = array<i32>} : memref<64x768xf32, #tpu.memory_space<vmem>>, vector<16xf32>,
      %parallel_loop3A_536 = arith.mulf %parallel_loop3A_535, %parallel_loop3A_24 : vector<16xf32>
      %parallel_loop3A_537 = arith.addf %parallel_loop3A_532, %parallel_loop3A_536 : vector<16xf32>
      %parallel_loop3A_538 = arith.index_cast %parallel_loop3A_18 : i32 to index
      %parallel_loop3A_539 = arith.constant 672 : index
      %parallel_loop3A_540 = tpu.vector_load %arg6[%parallel_loop3A_538, %parallel_loop3A_539] {strides = array<i32>} : memref<64x768xf32, #tpu.memory_space<vmem>>, vector<16xf32>,
      tpu.vector_store %arg6[%parallel_loop3A_538, %parallel_loop3A_539], %parallel_loop3A_537 {strides = array<i32>} : memref<64x768xf32, #tpu.memory_space<vmem>>, vector<16xf32>,
      %parallel_loop3A_541 = arith.index_cast %parallel_loop3A_18 : i32 to index
      %parallel_loop3A_542 = arith.constant 688 : index
      %parallel_loop3A_543 = tpu.vector_load %arg6[%parallel_loop3A_541, %parallel_loop3A_542] {strides = array<i32>} : memref<64x768xf32, #tpu.memory_space<vmem>>, vector<16xf32>,
      %parallel_loop3A_544 = arith.mulf %parallel_loop3A_543, %parallel_loop3A_23 : vector<16xf32>
      %parallel_loop3A_545 = arith.index_cast %parallel_loop3A_18 : i32 to index
      %parallel_loop3A_546 = arith.constant 688 : index
      %parallel_loop3A_547 = tpu.vector_load %arg7[%parallel_loop3A_545, %parallel_loop3A_546] {strides = array<i32>} : memref<64x768xf32, #tpu.memory_space<vmem>>, vector<16xf32>,
      %parallel_loop3A_548 = arith.mulf %parallel_loop3A_547, %parallel_loop3A_24 : vector<16xf32>
      %parallel_loop3A_549 = arith.addf %parallel_loop3A_544, %parallel_loop3A_548 : vector<16xf32>
      %parallel_loop3A_550 = arith.index_cast %parallel_loop3A_18 : i32 to index
      %parallel_loop3A_551 = arith.constant 688 : index
      %parallel_loop3A_552 = tpu.vector_load %arg6[%parallel_loop3A_550, %parallel_loop3A_551] {strides = array<i32>} : memref<64x768xf32, #tpu.memory_space<vmem>>, vector<16xf32>,
      tpu.vector_store %arg6[%parallel_loop3A_550, %parallel_loop3A_551], %parallel_loop3A_549 {strides = array<i32>} : memref<64x768xf32, #tpu.memory_space<vmem>>, vector<16xf32>,
      %parallel_loop3A_553 = arith.index_cast %parallel_loop3A_18 : i32 to index
      %parallel_loop3A_554 = arith.constant 704 : index
      %parallel_loop3A_555 = tpu.vector_load %arg6[%parallel_loop3A_553, %parallel_loop3A_554] {strides = array<i32>} : memref<64x768xf32, #tpu.memory_space<vmem>>, vector<16xf32>,
      %parallel_loop3A_556 = arith.mulf %parallel_loop3A_555, %parallel_loop3A_23 : vector<16xf32>
      %parallel_loop3A_557 = arith.index_cast %parallel_loop3A_18 : i32 to index
      %parallel_loop3A_558 = arith.constant 704 : index
      %parallel_loop3A_559 = tpu.vector_load %arg7[%parallel_loop3A_557, %parallel_loop3A_558] {strides = array<i32>} : memref<64x768xf32, #tpu.memory_space<vmem>>, vector<16xf32>,
      %parallel_loop3A_560 = arith.mulf %parallel_loop3A_559, %parallel_loop3A_24 : vector<16xf32>
      %parallel_loop3A_561 = arith.addf %parallel_loop3A_556, %parallel_loop3A_560 : vector<16xf32>
      %parallel_loop3A_562 = arith.index_cast %parallel_loop3A_18 : i32 to index
      %parallel_loop3A_563 = arith.constant 704 : index
      %parallel_loop3A_564 = tpu.vector_load %arg6[%parallel_loop3A_562, %parallel_loop3A_563] {strides = array<i32>} : memref<64x768xf32, #tpu.memory_space<vmem>>, vector<16xf32>,
      tpu.vector_store %arg6[%parallel_loop3A_562, %parallel_loop3A_563], %parallel_loop3A_561 {strides = array<i32>} : memref<64x768xf32, #tpu.memory_space<vmem>>, vector<16xf32>,
      %parallel_loop3A_565 = arith.index_cast %parallel_loop3A_18 : i32 to index
      %parallel_loop3A_566 = arith.constant 720 : index
      %parallel_loop3A_567 = tpu.vector_load %arg6[%parallel_loop3A_565, %parallel_loop3A_566] {strides = array<i32>} : memref<64x768xf32, #tpu.memory_space<vmem>>, vector<16xf32>,
      %parallel_loop3A_568 = arith.mulf %parallel_loop3A_567, %parallel_loop3A_23 : vector<16xf32>
      %parallel_loop3A_569 = arith.index_cast %parallel_loop3A_18 : i32 to index
      %parallel_loop3A_570 = arith.constant 720 : index
      %parallel_loop3A_571 = tpu.vector_load %arg7[%parallel_loop3A_569, %parallel_loop3A_570] {strides = array<i32>} : memref<64x768xf32, #tpu.memory_space<vmem>>, vector<16xf32>,
      %parallel_loop3A_572 = arith.mulf %parallel_loop3A_571, %parallel_loop3A_24 : vector<16xf32>
      %parallel_loop3A_573 = arith.addf %parallel_loop3A_568, %parallel_loop3A_572 : vector<16xf32>
      %parallel_loop3A_574 = arith.index_cast %parallel_loop3A_18 : i32 to index
      %parallel_loop3A_575 = arith.constant 720 : index
      %parallel_loop3A_576 = tpu.vector_load %arg6[%parallel_loop3A_574, %parallel_loop3A_575] {strides = array<i32>} : memref<64x768xf32, #tpu.memory_space<vmem>>, vector<16xf32>,
      tpu.vector_store %arg6[%parallel_loop3A_574, %parallel_loop3A_575], %parallel_loop3A_573 {strides = array<i32>} : memref<64x768xf32, #tpu.memory_space<vmem>>, vector<16xf32>,
      %parallel_loop3A_577 = arith.index_cast %parallel_loop3A_18 : i32 to index
      %parallel_loop3A_578 = arith.constant 736 : index
      %parallel_loop3A_579 = tpu.vector_load %arg6[%parallel_loop3A_577, %parallel_loop3A_578] {strides = array<i32>} : memref<64x768xf32, #tpu.memory_space<vmem>>, vector<16xf32>,
      %parallel_loop3A_580 = arith.mulf %parallel_loop3A_579, %parallel_loop3A_23 : vector<16xf32>
      %parallel_loop3A_581 = arith.index_cast %parallel_loop3A_18 : i32 to index
      %parallel_loop3A_582 = arith.constant 736 : index
      %parallel_loop3A_583 = tpu.vector_load %arg7[%parallel_loop3A_581, %parallel_loop3A_582] {strides = array<i32>} : memref<64x768xf32, #tpu.memory_space<vmem>>, vector<16xf32>,
      %parallel_loop3A_584 = arith.mulf %parallel_loop3A_583, %parallel_loop3A_24 : vector<16xf32>
      %parallel_loop3A_585 = arith.addf %parallel_loop3A_580, %parallel_loop3A_584 : vector<16xf32>
      %parallel_loop3A_586 = arith.index_cast %parallel_loop3A_18 : i32 to index
      %parallel_loop3A_587 = arith.constant 736 : index
      %parallel_loop3A_588 = tpu.vector_load %arg6[%parallel_loop3A_586, %parallel_loop3A_587] {strides = array<i32>} : memref<64x768xf32, #tpu.memory_space<vmem>>, vector<16xf32>,
      tpu.vector_store %arg6[%parallel_loop3A_586, %parallel_loop3A_587], %parallel_loop3A_585 {strides = array<i32>} : memref<64x768xf32, #tpu.memory_space<vmem>>, vector<16xf32>,
      %parallel_loop3A_589 = arith.index_cast %parallel_loop3A_18 : i32 to index
      %parallel_loop3A_590 = arith.constant 752 : index
      %parallel_loop3A_591 = tpu.vector_load %arg6[%parallel_loop3A_589, %parallel_loop3A_590] {strides = array<i32>} : memref<64x768xf32, #tpu.memory_space<vmem>>, vector<16xf32>,
      %parallel_loop3A_592 = arith.mulf %parallel_loop3A_591, %parallel_loop3A_23 : vector<16xf32>
      %parallel_loop3A_593 = arith.index_cast %parallel_loop3A_18 : i32 to index
      %parallel_loop3A_594 = arith.constant 752 : index
      %parallel_loop3A_595 = tpu.vector_load %arg7[%parallel_loop3A_593, %parallel_loop3A_594] {strides = array<i32>} : memref<64x768xf32, #tpu.memory_space<vmem>>, vector<16xf32>,
      %parallel_loop3A_596 = arith.mulf %parallel_loop3A_595, %parallel_loop3A_24 : vector<16xf32>
      %parallel_loop3A_597 = arith.addf %parallel_loop3A_592, %parallel_loop3A_596 : vector<16xf32>
      %parallel_loop3A_598 = arith.index_cast %parallel_loop3A_18 : i32 to index
      %parallel_loop3A_599 = arith.constant 752 : index
      %parallel_loop3A_600 = tpu.vector_load %arg6[%parallel_loop3A_598, %parallel_loop3A_599] {strides = array<i32>} : memref<64x768xf32, #tpu.memory_space<vmem>>, vector<16xf32>,
      tpu.vector_store %arg6[%parallel_loop3A_598, %parallel_loop3A_599], %parallel_loop3A_597 {strides = array<i32>} : memref<64x768xf32, #tpu.memory_space<vmem>>, vector<16xf32>,
    } {sc.loop_unroll_factor = 2 : i64, sc.parallel_access}
    "tpu.region"() ({
      %run_scoped3A_18 = tpu.sem_alloc : memref<!tpu.dma_semaphore, #tpu.memory_space<semaphore_mem>>
      %dma_start3A_19 = arith.constant 0 : i32
      %dma_start3A_20 = tpu.memref_slice %arg5[%mul3A_2, %dma_start3A_19] : memref<2048x768xf32, #tpu.memory_space<hbm>> -> memref<64x768xf32, #tpu.memory_space<hbm>>
      %dma_start3A_21 = arith.constant 0 : i32
      %dma_start3A_22 = tpu.memref_slice %arg5[%mul3A_2, %dma_start3A_21] : memref<2048x768xf32, #tpu.memory_space<hbm>> -> memref<64x768xf32, #tpu.memory_space<hbm>>
      tpu.enqueue_dma source(%arg6 : memref<64x768xf32, #tpu.memory_space<vmem>>) target(%dma_start3A_22 : memref<64x768xf32, #tpu.memory_space<hbm>>) target_semaphore(%run_scoped3A_18 : memref<!tpu.dma_semaphore, #tpu.memory_space<semaphore_mem>>)
      %dma_wait3A_23 = arith.constant 0 : i32
      %dma_wait3A_24 = tpu.memref_slice %arg5[%mul3A_2, %dma_wait3A_23] : memref<2048x768xf32, #tpu.memory_space<hbm>> -> memref<64x768xf32, #tpu.memory_space<hbm>>
      %dma_wait3A_25 = arith.constant 0 : i32
      %dma_wait3A_26 = tpu.memref_slice %arg5[%mul3A_2, %dma_wait3A_25] : memref<2048x768xf32, #tpu.memory_space<hbm>> -> memref<64x768xf32, #tpu.memory_space<hbm>>
      tpu.wait_dma2 semaphore(%run_scoped3A_18 : memref<!tpu.dma_semaphore, #tpu.memory_space<semaphore_mem>>) src(%arg6 : memref<64x768xf32, #tpu.memory_space<vmem>>) dst(%dma_wait3A_26 : memref<64x768xf32, #tpu.memory_space<hbm>>)
      tpu.yield
    }) : () -> ()
    return
  }
}

module attributes {stable_mosaic.version = 14 : i64} {
  func.func @_gmm_body(%arg0: i32, %arg1: memref<95xi32, #tpu.memory_space<smem>>, %arg2: memref<95xi32, #tpu.memory_space<smem>>, %arg3: memref<1xi32, #tpu.memory_space<smem>>, %arg4: memref<128x768xf32, #tpu.memory_space<vmem>>, %arg5: memref<1x768x768xf32, #tpu.memory_space<vmem>>, %arg6: memref<1x1x768xf32, #tpu.memory_space<vmem>>, %arg7: memref<1x768x768xf32, #tpu.memory_space<vmem>>, %arg8: memref<1x1x768xf32, #tpu.memory_space<vmem>>, %arg9: memref<128x768xf32, #tpu.memory_space<vmem>>) attributes {dimension_semantics = [#tpu.dimension_semantics<arbitrary>], iteration_bounds = array<i64: 95>, scalar_prefetch = 3 : i64, scratch_operands = 0 : i64, tpu.core_type = #tpu.core_type<tc>, window_params = [{transform_indices = @transform_0, window_bounds = array<i64: 128, 768>}, {transform_indices = @transform_1, window_bounds = array<i64: 1, 768, 768>}, {transform_indices = @transform_2, window_bounds = array<i64: 1, 1, 768>}, {transform_indices = @transform_3, window_bounds = array<i64: 1, 768, 768>}, {transform_indices = @transform_4, window_bounds = array<i64: 1, 1, 768>}, {transform_indices = @transform_5, window_bounds = array<i64: 128, 768>}]} {
    %get3A = arith.constant 0 : index
    %get3A_0 = memref.load %arg3[%get3A] : memref<1xi32, #tpu.memory_space<smem>>
    %lt3A = arith.cmpi slt, %arg0, %get3A_0 : i32
    %convert_element_type3A = arith.extui %lt3A : i1 to i32
    %cond3A = arith.constant 0 : i32
    %cond3A_1 = arith.cmpi ne, %convert_element_type3A, %cond3A : i32
    scf.if %cond3A_1 {
      %get3A_2 = arith.constant 0 : index
      %get3A_3 = arith.constant 0 : index
      %get3A_4 = vector.load %arg4[%get3A_2, %get3A_3] : memref<128x768xf32, #tpu.memory_space<vmem>>, vector<128x768xf32>
      %convert_element_type3A_5 = arith.truncf %get3A_4 : vector<128x768xf32> to vector<128x768xbf16>
      %get3A_6 = arith.constant 0 : index
      %get3A_7 = arith.constant 0 : index
      %get3A_8 = arith.constant 0 : index
      %get3A_9 = vector.load %arg5[%get3A_6, %get3A_7, %get3A_8] : memref<1x768x768xf32, #tpu.memory_space<vmem>>, vector<1x768x768xf32>
      %get3A_10 = vector.shape_cast %get3A_9 : vector<1x768x768xf32> to vector<768x768xf32>
      %convert_element_type3A_11 = arith.truncf %get3A_10 : vector<768x768xf32> to vector<768x768xbf16>
      %dot_general3A = arith.constant dense<0.000000e+00> : vector<128x768xf32>
      %dot_general3A_12 = tpu.matmul %convert_element_type3A_5, %convert_element_type3A_11, %dot_general3A {dimension_numbers = #tpu.dot_dimension_numbers<[1], [0], [0], [1], [0, 0, 1, 1], [], []>, transpose_lhs_hint = false} : vector<128x768xbf16>, vector<768x768xbf16>, vector<128x768xf32> -> vector<128x768xf32>
      %get3A_13 = arith.constant 0 : index
      %get3A_14 = arith.constant 0 : index
      %get3A_15 = arith.constant 0 : index
      %get3A_16 = vector.load %arg6[%get3A_13, %get3A_14, %get3A_15] : memref<1x1x768xf32, #tpu.memory_space<vmem>>, vector<1x1x768xf32>
      %get3A_17 = vector.shape_cast %get3A_16 : vector<1x1x768xf32> to vector<1x768xf32>
      %add3A = vector.broadcast %get3A_17 : vector<1x768xf32> to vector<128x768xf32>
      %add3A_18 = arith.addf %dot_general3A_12, %add3A : vector<128x768xf32>
      %max3A = arith.constant 0.000000e+00 : f32
      %max3A_19 = vector.broadcast %max3A : f32 to vector<128x768xf32>
      %max3A_20 = arith.maximumf %add3A_18, %max3A_19 : vector<128x768xf32>
      %convert_element_type3A_21 = arith.truncf %max3A_20 : vector<128x768xf32> to vector<128x768xbf16>
      %get3A_22 = arith.constant 0 : index
      %get3A_23 = arith.constant 0 : index
      %get3A_24 = arith.constant 0 : index
      %get3A_25 = vector.load %arg7[%get3A_22, %get3A_23, %get3A_24] : memref<1x768x768xf32, #tpu.memory_space<vmem>>, vector<1x768x768xf32>
      %get3A_26 = vector.shape_cast %get3A_25 : vector<1x768x768xf32> to vector<768x768xf32>
      %convert_element_type3A_27 = arith.truncf %get3A_26 : vector<768x768xf32> to vector<768x768xbf16>
      %dot_general3A_28 = arith.constant dense<0.000000e+00> : vector<128x768xf32>
      %dot_general3A_29 = tpu.matmul %convert_element_type3A_21, %convert_element_type3A_27, %dot_general3A_28 {dimension_numbers = #tpu.dot_dimension_numbers<[1], [0], [0], [1], [0, 0, 1, 1], [], []>, transpose_lhs_hint = false} : vector<128x768xbf16>, vector<768x768xbf16>, vector<128x768xf32> -> vector<128x768xf32>
      %get3A_30 = arith.constant 0 : index
      %get3A_31 = arith.constant 0 : index
      %get3A_32 = arith.constant 0 : index
      %get3A_33 = vector.load %arg8[%get3A_30, %get3A_31, %get3A_32] : memref<1x1x768xf32, #tpu.memory_space<vmem>>, vector<1x1x768xf32>
      %get3A_34 = vector.shape_cast %get3A_33 : vector<1x1x768xf32> to vector<1x768xf32>
      %add3A_35 = vector.broadcast %get3A_34 : vector<1x768xf32> to vector<128x768xf32>
      %add3A_36 = arith.addf %dot_general3A_29, %add3A_35 : vector<128x768xf32>
      %swap3A = arith.constant 0 : index
      %swap3A_37 = arith.constant 0 : index
      %swap3A_38 = vector.load %arg9[%swap3A, %swap3A_37] : memref<128x768xf32, #tpu.memory_space<vmem>>, vector<128x768xf32>
      tpu.vector_store %arg9[%swap3A, %swap3A_37], %add3A_36 {strides = array<i32>} : memref<128x768xf32, #tpu.memory_space<vmem>>, vector<128x768xf32>,
    } else {
    }
    return
  }
  func.func @transform_0(%arg0: i32, %arg1: memref<95xi32, #tpu.memory_space<smem>>, %arg2: memref<95xi32, #tpu.memory_space<smem>>, %arg3: memref<1xi32, #tpu.memory_space<smem>>) -> (i32, i32) {
    %get3A = arith.index_cast %arg0 : i32 to index
    %get3A_0 = memref.load %arg2[%get3A] : memref<95xi32, #tpu.memory_space<smem>>
    %c0_i32 = arith.constant 0 : i32
    %c0_i32_1 = arith.constant 0 : i32
    return %get3A_0, %c0_i32 : i32, i32
  }
  func.func @transform_1(%arg0: i32, %arg1: memref<95xi32, #tpu.memory_space<smem>>, %arg2: memref<95xi32, #tpu.memory_space<smem>>, %arg3: memref<1xi32, #tpu.memory_space<smem>>) -> (i32, i32, i32) {
    %get3A = arith.index_cast %arg0 : i32 to index
    %get3A_0 = memref.load %arg1[%get3A] : memref<95xi32, #tpu.memory_space<smem>>
    %c0_i32 = arith.constant 0 : i32
    %c0_i32_1 = arith.constant 0 : i32
    %c0_i32_2 = arith.constant 0 : i32
    return %get3A_0, %c0_i32, %c0_i32_1 : i32, i32, i32
  }
  func.func @transform_2(%arg0: i32, %arg1: memref<95xi32, #tpu.memory_space<smem>>, %arg2: memref<95xi32, #tpu.memory_space<smem>>, %arg3: memref<1xi32, #tpu.memory_space<smem>>) -> (i32, i32, i32) {
    %get3A = arith.index_cast %arg0 : i32 to index
    %get3A_0 = memref.load %arg1[%get3A] : memref<95xi32, #tpu.memory_space<smem>>
    %c0_i32 = arith.constant 0 : i32
    %c0_i32_1 = arith.constant 0 : i32
    %c0_i32_2 = arith.constant 0 : i32
    return %get3A_0, %c0_i32, %c0_i32_1 : i32, i32, i32
  }
  func.func @transform_3(%arg0: i32, %arg1: memref<95xi32, #tpu.memory_space<smem>>, %arg2: memref<95xi32, #tpu.memory_space<smem>>, %arg3: memref<1xi32, #tpu.memory_space<smem>>) -> (i32, i32, i32) {
    %get3A = arith.index_cast %arg0 : i32 to index
    %get3A_0 = memref.load %arg1[%get3A] : memref<95xi32, #tpu.memory_space<smem>>
    %c0_i32 = arith.constant 0 : i32
    %c0_i32_1 = arith.constant 0 : i32
    %c0_i32_2 = arith.constant 0 : i32
    return %get3A_0, %c0_i32, %c0_i32_1 : i32, i32, i32
  }
  func.func @transform_4(%arg0: i32, %arg1: memref<95xi32, #tpu.memory_space<smem>>, %arg2: memref<95xi32, #tpu.memory_space<smem>>, %arg3: memref<1xi32, #tpu.memory_space<smem>>) -> (i32, i32, i32) {
    %get3A = arith.index_cast %arg0 : i32 to index
    %get3A_0 = memref.load %arg1[%get3A] : memref<95xi32, #tpu.memory_space<smem>>
    %c0_i32 = arith.constant 0 : i32
    %c0_i32_1 = arith.constant 0 : i32
    %c0_i32_2 = arith.constant 0 : i32
    return %get3A_0, %c0_i32, %c0_i32_1 : i32, i32, i32
  }
  func.func @transform_5(%arg0: i32, %arg1: memref<95xi32, #tpu.memory_space<smem>>, %arg2: memref<95xi32, #tpu.memory_space<smem>>, %arg3: memref<1xi32, #tpu.memory_space<smem>>) -> (i32, i32) {
    %get3A = arith.index_cast %arg0 : i32 to index
    %get3A_0 = memref.load %arg2[%get3A] : memref<95xi32, #tpu.memory_space<smem>>
    %c0_i32 = arith.constant 0 : i32
    %c0_i32_1 = arith.constant 0 : i32
    return %get3A_0, %c0_i32 : i32, i32
  }
}

module attributes {stable_mosaic.version = 14 : i64} {
  func.func @_router_body(%arg0: memref<2048x768xf32, #tpu.memory_space<vmem>>, %arg1: memref<768x64xf32, #tpu.memory_space<vmem>>, %arg2: memref<1x64xf32, #tpu.memory_space<vmem>>, %arg3: memref<8x2048xi32, #tpu.memory_space<vmem>>, %arg4: memref<8x2048xf32, #tpu.memory_space<vmem>>, %arg5: memref<8x128xi32, #tpu.memory_space<vmem>>, %arg6: memref<8x128xi32, #tpu.memory_space<vmem>>, %arg7: memref<8x128xi32, #tpu.memory_space<vmem>>) attributes {dimension_semantics = [], scalar_prefetch = 0 : i64, scratch_operands = 0 : i64, tpu.core_type = #tpu.core_type<tc>} {
    %get3A = arith.constant 0 : index
    %get3A_0 = arith.constant 0 : index
    %get3A_1 = vector.load %arg0[%get3A, %get3A_0] : memref<2048x768xf32, #tpu.memory_space<vmem>>, vector<2048x768xf32>
    %get3A_2 = arith.constant 0 : index
    %get3A_3 = arith.constant 0 : index
    %get3A_4 = vector.load %arg1[%get3A_2, %get3A_3] : memref<768x64xf32, #tpu.memory_space<vmem>>, vector<768x64xf32>
    %dot_general3A = arith.constant dense<0.000000e+00> : vector<2048x64xf32>
    %dot_general3A_5 = tpu.matmul %get3A_1, %get3A_4, %dot_general3A {dimension_numbers = #tpu.dot_dimension_numbers<[1], [0], [0], [1], [0, 0, 1, 1], [], []>, transpose_lhs_hint = false} : vector<2048x768xf32>, vector<768x64xf32>, vector<2048x64xf32> -> vector<2048x64xf32>
    %get3A_6 = arith.constant 0 : index
    %get3A_7 = arith.constant 0 : index
    %get3A_8 = vector.load %arg2[%get3A_6, %get3A_7] : memref<1x64xf32, #tpu.memory_space<vmem>>, vector<1x64xf32>
    %add3A = vector.broadcast %get3A_8 : vector<1x64xf32> to vector<2048x64xf32>
    %add3A_9 = arith.addf %dot_general3A_5, %add3A : vector<2048x64xf32>
    %iota3A = tpu.iota {dimensions = array<i32: 1>} : vector<2048x64xi32>
    %reduce_max3A = arith.constant dense<0xFF800000> : vector<2048xf32>
    %reduce_max3A_10 = vector.multi_reduction <maximumf>, %add3A_9, %reduce_max3A [1] : vector<2048x64xf32> to vector<2048xf32>
    %broadcast_in_dim3A = vector.shape_cast %reduce_max3A_10 : vector<2048xf32> to vector<2048x1xf32>
    %eq3A = vector.broadcast %broadcast_in_dim3A : vector<2048x1xf32> to vector<2048x64xf32>
    %eq3A_11 = arith.cmpf oeq, %add3A_9, %eq3A : vector<2048x64xf32>
    %jit3A = arith.constant 64 : i32
    %broadcast_in_dim3A_12 = vector.broadcast %jit3A : i32 to vector<2048x64xi32>
    %select_n3A = arith.select %eq3A_11, %iota3A, %broadcast_in_dim3A_12 : vector<2048x64xi1>, vector<2048x64xi32>
    %reduce_min3A = arith.constant dense<2147483647> : vector<2048xi32>
    %reduce_min3A_13 = vector.multi_reduction <minsi>, %select_n3A, %reduce_min3A [1] : vector<2048x64xi32> to vector<2048xi32>
    %broadcast_in_dim3A_14 = vector.shape_cast %reduce_min3A_13 : vector<2048xi32> to vector<2048x1xi32>
    %eq3A_15 = vector.broadcast %broadcast_in_dim3A_14 : vector<2048x1xi32> to vector<2048x64xi32>
    %eq3A_16 = arith.cmpi eq, %iota3A, %eq3A_15 : vector<2048x64xi32>
    %convert_element_type3A = arith.extui %eq3A_16 : vector<2048x64xi1> to vector<2048x64xi32>
    %convert_element_type3A_17 = arith.sitofp %convert_element_type3A : vector<2048x64xi32> to vector<2048x64xf32>
    %broadcast_in_dim3A_18 = vector.shape_cast %reduce_min3A_13 : vector<2048xi32> to vector<2048x1xi32>
    %eq3A_19 = vector.broadcast %broadcast_in_dim3A_18 : vector<2048x1xi32> to vector<2048x64xi32>
    %eq3A_20 = arith.cmpi eq, %iota3A, %eq3A_19 : vector<2048x64xi32>
    %jit3A_21 = arith.constant 0xFF800000 : f32
    %broadcast_in_dim3A_22 = vector.broadcast %jit3A_21 : f32 to vector<2048x64xf32>
    %select_n3A_23 = arith.select %eq3A_20, %broadcast_in_dim3A_22, %add3A_9 : vector<2048x64xi1>, vector<2048x64xf32>
    %reduce_max3A_24 = arith.constant dense<0xFF800000> : vector<2048xf32>
    %reduce_max3A_25 = vector.multi_reduction <maximumf>, %select_n3A_23, %reduce_max3A_24 [1] : vector<2048x64xf32> to vector<2048xf32>
    %broadcast_in_dim3A_26 = vector.shape_cast %reduce_max3A_25 : vector<2048xf32> to vector<2048x1xf32>
    %eq3A_27 = vector.broadcast %broadcast_in_dim3A_26 : vector<2048x1xf32> to vector<2048x64xf32>
    %eq3A_28 = arith.cmpf oeq, %select_n3A_23, %eq3A_27 : vector<2048x64xf32>
    %jit3A_29 = arith.constant 64 : i32
    %broadcast_in_dim3A_30 = vector.broadcast %jit3A_29 : i32 to vector<2048x64xi32>
    %select_n3A_31 = arith.select %eq3A_28, %iota3A, %broadcast_in_dim3A_30 : vector<2048x64xi1>, vector<2048x64xi32>
    %reduce_min3A_32 = arith.constant dense<2147483647> : vector<2048xi32>
    %reduce_min3A_33 = vector.multi_reduction <minsi>, %select_n3A_31, %reduce_min3A_32 [1] : vector<2048x64xi32> to vector<2048xi32>
    %broadcast_in_dim3A_34 = vector.shape_cast %reduce_min3A_33 : vector<2048xi32> to vector<2048x1xi32>
    %eq3A_35 = vector.broadcast %broadcast_in_dim3A_34 : vector<2048x1xi32> to vector<2048x64xi32>
    %eq3A_36 = arith.cmpi eq, %iota3A, %eq3A_35 : vector<2048x64xi32>
    %convert_element_type3A_37 = arith.extui %eq3A_36 : vector<2048x64xi1> to vector<2048x64xi32>
    %convert_element_type3A_38 = arith.sitofp %convert_element_type3A_37 : vector<2048x64xi32> to vector<2048x64xf32>
    %sub3A = arith.subf %broadcast_in_dim3A_26, %broadcast_in_dim3A : vector<2048x1xf32>
    %exp3A = math.exp %sub3A : vector<2048x1xf32>
    %add3A_39 = arith.constant 1.000000e+00 : f32
    %add3A_40 = vector.broadcast %add3A_39 : f32 to vector<2048x1xf32>
    %add3A_41 = arith.addf %add3A_40, %exp3A : vector<2048x1xf32>
    %div3A = arith.constant 1.000000e+00 : f32
    %div3A_42 = vector.broadcast %div3A : f32 to vector<2048x1xf32>
    %div3A_43 = arith.divf %div3A_42, %add3A_41 : vector<2048x1xf32>
    %mul3A = arith.mulf %exp3A, %div3A_43 : vector<2048x1xf32>
    %reduce_sum3A = arith.constant dense<0.000000e+00> : vector<64xf32>
    %reduce_sum3A_44 = vector.multi_reduction <add>, %convert_element_type3A_17, %reduce_sum3A [0] : vector<2048x64xf32> to vector<64xf32>
    %broadcast_in_dim3A_45 = vector.shape_cast %reduce_sum3A_44 : vector<64xf32> to vector<1x64xf32>
    %reduce_sum3A_46 = arith.constant dense<0.000000e+00> : vector<64xf32>
    %reduce_sum3A_47 = vector.multi_reduction <add>, %convert_element_type3A_38, %reduce_sum3A_46 [0] : vector<2048x64xf32> to vector<64xf32>
    %broadcast_in_dim3A_48 = vector.shape_cast %reduce_sum3A_47 : vector<64xf32> to vector<1x64xf32>
    %add3A_49 = arith.addf %broadcast_in_dim3A_45, %broadcast_in_dim3A_48 : vector<1x64xf32>
    %iota3A_50 = tpu.iota {dimensions = array<i32: 1>} : vector<64x64xi32>
    %iota3A_51 = tpu.iota {dimensions = array<i32: 0>} : vector<64x64xi32>
    %lt3A = arith.cmpi slt, %iota3A_50, %iota3A_51 : vector<64x64xi32>
    %convert_element_type3A_52 = arith.extui %lt3A : vector<64x64xi1> to vector<64x64xi32>
    %convert_element_type3A_53 = arith.sitofp %convert_element_type3A_52 : vector<64x64xi32> to vector<64x64xf32>
    %le3A = arith.cmpi sle, %iota3A_50, %iota3A_51 : vector<64x64xi32>
    %convert_element_type3A_54 = arith.extui %le3A : vector<64x64xi1> to vector<64x64xi32>
    %convert_element_type3A_55 = arith.sitofp %convert_element_type3A_54 : vector<64x64xi32> to vector<64x64xf32>
    %add3A_56 = arith.constant 1.270000e+02 : f32
    %add3A_57 = vector.broadcast %add3A_56 : f32 to vector<1x64xf32>
    %add3A_58 = arith.addf %add3A_49, %add3A_57 : vector<1x64xf32>
    %mul3A_59 = arith.constant 7.812500e-03 : f32
    %mul3A_60 = vector.broadcast %mul3A_59 : f32 to vector<1x64xf32>
    %mul3A_61 = arith.mulf %add3A_58, %mul3A_60 : vector<1x64xf32>
    %floor3A = math.floor %mul3A_61 : vector<1x64xf32>
    %mul3A_62 = arith.constant 1.280000e+02 : f32
    %mul3A_63 = vector.broadcast %mul3A_62 : f32 to vector<1x64xf32>
    %mul3A_64 = arith.mulf %floor3A, %mul3A_63 : vector<1x64xf32>
    %reshape3A = vector.shape_cast %mul3A_64 : vector<1x64xf32> to vector<64x1xf32>
    %dot_general3A_65 = arith.constant dense<0.000000e+00> : vector<64x1xf32>
    %dot_general3A_66 = tpu.matmul %convert_element_type3A_53, %reshape3A, %dot_general3A_65 {dimension_numbers = #tpu.dot_dimension_numbers<[1], [0], [0], [1], [0, 0, 1, 1], [], []>, transpose_lhs_hint = false} : vector<64x64xf32>, vector<64x1xf32>, vector<64x1xf32> -> vector<64x1xf32>
    %reshape3A_67 = vector.shape_cast %dot_general3A_66 : vector<64x1xf32> to vector<1x64xf32>
    %reshape3A_68 = vector.shape_cast %floor3A : vector<1x64xf32> to vector<64x1xf32>
    %dot_general3A_69 = arith.constant dense<0.000000e+00> : vector<64x1xf32>
    %dot_general3A_70 = tpu.matmul %convert_element_type3A_55, %reshape3A_68, %dot_general3A_69 {dimension_numbers = #tpu.dot_dimension_numbers<[1], [0], [0], [1], [0, 0, 1, 1], [], []>, transpose_lhs_hint = false} : vector<64x64xf32>, vector<64x1xf32>, vector<64x1xf32> -> vector<64x1xf32>
    %reshape3A_71 = vector.shape_cast %dot_general3A_70 : vector<64x1xf32> to vector<1x64xf32>
    %sub3A_72 = arith.subf %reshape3A_71, %floor3A : vector<1x64xf32>
    %reduce_max3A_73 = vector.shape_cast %reshape3A_71 : vector<1x64xf32> to vector<1x1x64xf32>
    %reduce_max3A_74 = arith.constant dense<0xFF800000> : vector<1xf32>
    %reduce_max3A_75 = vector.multi_reduction <maximumf>, %reduce_max3A_73, %reduce_max3A_74 [1, 2] : vector<1x1x64xf32> to vector<1xf32>
    %reduce_max3A_76 = vector.shape_cast %reduce_max3A_75 : vector<1xf32> to vector<1x1x1xf32>
    %reduce_max3A_77 = vector.extract %reduce_max3A_76[0, 0, 0] : f32 from vector<1x1x1xf32>
    %iota3A_78 = tpu.iota {dimensions = array<i32: 0>} : vector<128x64xi32>
    %convert_element_type3A_79 = arith.sitofp %iota3A_78 : vector<128x64xi32> to vector<128x64xf32>
    %sub3A_80 = arith.constant 1.000000e+00 : f32
    %sub3A_81 = arith.subf %reduce_max3A_77, %sub3A_80 : f32
    %min3A = vector.broadcast %sub3A_81 : f32 to vector<128x64xf32>
    %min3A_82 = arith.minimumf %convert_element_type3A_79, %min3A : vector<128x64xf32>
    %le3A_83 = vector.broadcast %reshape3A_71 : vector<1x64xf32> to vector<128x64xf32>
    %le3A_84 = arith.cmpf ole, %le3A_83, %min3A_82 : vector<128x64xf32>
    %convert_element_type3A_85 = arith.extui %le3A_84 : vector<128x64xi1> to vector<128x64xi32>
    %convert_element_type3A_86 = arith.sitofp %convert_element_type3A_85 : vector<128x64xi32> to vector<128x64xf32>
    %reduce_sum3A_87 = arith.constant dense<0.000000e+00> : vector<128xf32>
    %reduce_sum3A_88 = vector.multi_reduction <add>, %convert_element_type3A_86, %reduce_sum3A_87 [1] : vector<128x64xf32> to vector<128xf32>
    %broadcast_in_dim3A_89 = vector.shape_cast %reduce_sum3A_88 : vector<128xf32> to vector<128x1xf32>
    %iota3A_90 = tpu.iota {dimensions = array<i32: 1>} : vector<128x64xi32>
    %convert_element_type3A_91 = arith.sitofp %iota3A_90 : vector<128x64xi32> to vector<128x64xf32>
    %eq3A_92 = vector.broadcast %broadcast_in_dim3A_89 : vector<128x1xf32> to vector<128x64xf32>
    %eq3A_93 = arith.cmpf oeq, %convert_element_type3A_91, %eq3A_92 : vector<128x64xf32>
    %convert_element_type3A_94 = arith.extui %eq3A_93 : vector<128x64xi1> to vector<128x64xi32>
    %convert_element_type3A_95 = arith.sitofp %convert_element_type3A_94 : vector<128x64xi32> to vector<128x64xf32>
    %mul3A_96 = vector.broadcast %reshape3A_67 : vector<1x64xf32> to vector<128x64xf32>
    %mul3A_97 = arith.mulf %convert_element_type3A_95, %mul3A_96 : vector<128x64xf32>
    %reduce_sum3A_98 = arith.constant dense<0.000000e+00> : vector<128xf32>
    %reduce_sum3A_99 = vector.multi_reduction <add>, %mul3A_97, %reduce_sum3A_98 [1] : vector<128x64xf32> to vector<128xf32>
    %broadcast_in_dim3A_100 = vector.shape_cast %reduce_sum3A_99 : vector<128xf32> to vector<128x1xf32>
    %mul3A_101 = vector.broadcast %sub3A_72 : vector<1x64xf32> to vector<128x64xf32>
    %mul3A_102 = arith.mulf %convert_element_type3A_95, %mul3A_101 : vector<128x64xf32>
    %reduce_sum3A_103 = arith.constant dense<0.000000e+00> : vector<128xf32>
    %reduce_sum3A_104 = vector.multi_reduction <add>, %mul3A_102, %reduce_sum3A_103 [1] : vector<128x64xf32> to vector<128xf32>
    %broadcast_in_dim3A_105 = vector.shape_cast %reduce_sum3A_104 : vector<128xf32> to vector<128x1xf32>
    %mul3A_106 = arith.constant 7.812500e-03 : f32
    %mul3A_107 = vector.broadcast %mul3A_106 : f32 to vector<128x1xf32>
    %mul3A_108 = arith.mulf %broadcast_in_dim3A_100, %mul3A_107 : vector<128x1xf32>
    %slice3A = vector.extract_strided_slice %min3A_82 {offsets = [0, 0], sizes = [128, 1], strides = [1, 1]} : vector<128x64xf32> to vector<128x1xf32>
    %sub3A_109 = arith.subf %slice3A, %broadcast_in_dim3A_105 : vector<128x1xf32>
    %add3A_110 = arith.addf %mul3A_108, %sub3A_109 : vector<128x1xf32>
    %reshape3A_111 = vector.shape_cast %broadcast_in_dim3A_89 : vector<128x1xf32> to vector<1x128xf32>
    %convert_element_type3A_112 = arith.fptosi %reshape3A_111 : vector<1x128xf32> to vector<1x128xi32>
    %broadcast_in_dim3A_113 = vector.shape_cast %convert_element_type3A_112 : vector<1x128xi32> to vector<1x128xi32>
    %broadcast_in_dim3A_114 = vector.broadcast %broadcast_in_dim3A_113 : vector<1x128xi32> to vector<8x128xi32>
    %swap3A = arith.constant 0 : index
    %swap3A_115 = arith.constant 0 : index
    %swap3A_116 = vector.load %arg5[%swap3A, %swap3A_115] : memref<8x128xi32, #tpu.memory_space<vmem>>, vector<8x128xi32>
    tpu.vector_store %arg5[%swap3A, %swap3A_115], %broadcast_in_dim3A_114 {strides = array<i32>} : memref<8x128xi32, #tpu.memory_space<vmem>>, vector<8x128xi32>,
    %reshape3A_117 = vector.shape_cast %add3A_110 : vector<128x1xf32> to vector<1x128xf32>
    %convert_element_type3A_118 = arith.fptosi %reshape3A_117 : vector<1x128xf32> to vector<1x128xi32>
    %broadcast_in_dim3A_119 = vector.shape_cast %convert_element_type3A_118 : vector<1x128xi32> to vector<1x128xi32>
    %broadcast_in_dim3A_120 = vector.broadcast %broadcast_in_dim3A_119 : vector<1x128xi32> to vector<8x128xi32>
    %swap3A_121 = arith.constant 0 : index
    %swap3A_122 = arith.constant 0 : index
    %swap3A_123 = vector.load %arg6[%swap3A_121, %swap3A_122] : memref<8x128xi32, #tpu.memory_space<vmem>>, vector<8x128xi32>
    tpu.vector_store %arg6[%swap3A_121, %swap3A_122], %broadcast_in_dim3A_120 {strides = array<i32>} : memref<8x128xi32, #tpu.memory_space<vmem>>, vector<8x128xi32>,
    %convert_element_type3A_124 = arith.fptosi %reduce_max3A_77 : f32 to i32
    %broadcast_in_dim3A_125 = vector.broadcast %convert_element_type3A_124 : i32 to vector<8x128xi32>
    %swap3A_126 = arith.constant 0 : index
    %swap3A_127 = arith.constant 0 : index
    %swap3A_128 = vector.load %arg7[%swap3A_126, %swap3A_127] : memref<8x128xi32, #tpu.memory_space<vmem>>, vector<8x128xi32>
    tpu.vector_store %arg7[%swap3A_126, %swap3A_127], %broadcast_in_dim3A_125 {strides = array<i32>} : memref<8x128xi32, #tpu.memory_space<vmem>>, vector<8x128xi32>,
    %iota3A_129 = tpu.iota {dimensions = array<i32: 0>} : vector<2048x2048xi32>
    %iota3A_130 = tpu.iota {dimensions = array<i32: 1>} : vector<2048x2048xi32>
    %lt3A_131 = arith.cmpi slt, %iota3A_130, %iota3A_129 : vector<2048x2048xi32>
    %convert_element_type3A_132 = arith.extui %lt3A_131 : vector<2048x2048xi1> to vector<2048x2048xi32>
    %convert_element_type3A_133 = arith.sitofp %convert_element_type3A_132 : vector<2048x2048xi32> to vector<2048x2048xf32>
    %convert_element_type3A_134 = arith.truncf %convert_element_type3A_133 : vector<2048x2048xf32> to vector<2048x2048xbf16>
    %concatenate3A = tpu.concatenate %convert_element_type3A_17, %convert_element_type3A_38 in 1 : vector<2048x64xf32>, vector<2048x64xf32> -> vector<2048x128xf32>
    %convert_element_type3A_135 = arith.truncf %concatenate3A : vector<2048x128xf32> to vector<2048x128xbf16>
    %dot_general3A_136 = arith.constant dense<0.000000e+00> : vector<2048x128xf32>
    %dot_general3A_137 = tpu.matmul %convert_element_type3A_134, %convert_element_type3A_135, %dot_general3A_136 {dimension_numbers = #tpu.dot_dimension_numbers<[1], [0], [0], [1], [0, 0, 1, 1], [], []>, transpose_lhs_hint = false} : vector<2048x2048xbf16>, vector<2048x128xbf16>, vector<2048x128xf32> -> vector<2048x128xf32>
    %reduce_sum3A_138 = arith.constant dense<0.000000e+00> : vector<64xf32>
    %reduce_sum3A_139 = vector.multi_reduction <add>, %convert_element_type3A_17, %reduce_sum3A_138 [0] : vector<2048x64xf32> to vector<64xf32>
    %broadcast_in_dim3A_140 = vector.shape_cast %reduce_sum3A_139 : vector<64xf32> to vector<1x64xf32>
    %slice3A_141 = vector.extract_strided_slice %dot_general3A_137 {offsets = [0, 0], sizes = [2048, 64], strides = [1, 1]} : vector<2048x128xf32> to vector<2048x64xf32>
    %mul3A_142 = arith.mulf %slice3A_141, %convert_element_type3A_17 : vector<2048x64xf32>
    %reduce_sum3A_143 = arith.constant dense<0.000000e+00> : vector<2048xf32>
    %reduce_sum3A_144 = vector.multi_reduction <add>, %mul3A_142, %reduce_sum3A_143 [1] : vector<2048x64xf32> to vector<2048xf32>
    %slice3A_145 = vector.extract_strided_slice %dot_general3A_137 {offsets = [0, 64], sizes = [2048, 64], strides = [1, 1]} : vector<2048x128xf32> to vector<2048x64xf32>
    %add3A_146 = vector.broadcast %broadcast_in_dim3A_140 : vector<1x64xf32> to vector<2048x64xf32>
    %add3A_147 = arith.addf %slice3A_145, %add3A_146 : vector<2048x64xf32>
    %mul3A_148 = arith.mulf %add3A_147, %convert_element_type3A_38 : vector<2048x64xf32>
    %reduce_sum3A_149 = arith.constant dense<0.000000e+00> : vector<2048xf32>
    %reduce_sum3A_150 = vector.multi_reduction <add>, %mul3A_148, %reduce_sum3A_149 [1] : vector<2048x64xf32> to vector<2048xf32>
    %mul3A_151 = vector.broadcast %reshape3A_67 : vector<1x64xf32> to vector<2048x64xf32>
    %mul3A_152 = arith.mulf %convert_element_type3A_17, %mul3A_151 : vector<2048x64xf32>
    %reduce_sum3A_153 = arith.constant dense<0.000000e+00> : vector<2048xf32>
    %reduce_sum3A_154 = vector.multi_reduction <add>, %mul3A_152, %reduce_sum3A_153 [1] : vector<2048x64xf32> to vector<2048xf32>
    %mul3A_155 = vector.broadcast %reshape3A_67 : vector<1x64xf32> to vector<2048x64xf32>
    %mul3A_156 = arith.mulf %convert_element_type3A_38, %mul3A_155 : vector<2048x64xf32>
    %reduce_sum3A_157 = arith.constant dense<0.000000e+00> : vector<2048xf32>
    %reduce_sum3A_158 = vector.multi_reduction <add>, %mul3A_156, %reduce_sum3A_157 [1] : vector<2048x64xf32> to vector<2048xf32>
    %add3A_159 = arith.addf %reduce_sum3A_154, %reduce_sum3A_144 : vector<2048xf32>
    %convert_element_type3A_160 = arith.fptosi %add3A_159 : vector<2048xf32> to vector<2048xi32>
    %add3A_161 = arith.addf %reduce_sum3A_158, %reduce_sum3A_150 : vector<2048xf32>
    %convert_element_type3A_162 = arith.fptosi %add3A_161 : vector<2048xf32> to vector<2048xi32>
    %iota3A_163 = tpu.iota {dimensions = array<i32: 0>} : vector<8x2048xi32>
    %eq3A_164 = arith.constant 0 : i32
    %eq3A_165 = vector.broadcast %eq3A_164 : i32 to vector<8x2048xi32>
    %eq3A_166 = arith.cmpi eq, %iota3A_163, %eq3A_165 : vector<8x2048xi32>
    %broadcast_in_dim3A_167 = vector.shape_cast %convert_element_type3A_160 : vector<2048xi32> to vector<1x2048xi32>
    %eq3A_168 = arith.constant 1 : i32
    %eq3A_169 = vector.broadcast %eq3A_168 : i32 to vector<8x2048xi32>
    %eq3A_170 = arith.cmpi eq, %iota3A_163, %eq3A_169 : vector<8x2048xi32>
    %broadcast_in_dim3A_171 = vector.shape_cast %convert_element_type3A_162 : vector<2048xi32> to vector<1x2048xi32>
    %jit3A_172 = arith.constant 0 : i32
    %broadcast_in_dim3A_173 = vector.shape_cast %broadcast_in_dim3A_171 : vector<1x2048xi32> to vector<1x2048xi32>
    %broadcast_in_dim3A_174 = vector.broadcast %broadcast_in_dim3A_173 : vector<1x2048xi32> to vector<8x2048xi32>
    %broadcast_in_dim3A_175 = vector.broadcast %jit3A_172 : i32 to vector<8x2048xi32>
    %select_n3A_176 = arith.select %eq3A_170, %broadcast_in_dim3A_174, %broadcast_in_dim3A_175 : vector<8x2048xi1>, vector<8x2048xi32>
    %broadcast_in_dim3A_177 = vector.shape_cast %broadcast_in_dim3A_167 : vector<1x2048xi32> to vector<1x2048xi32>
    %broadcast_in_dim3A_178 = vector.broadcast %broadcast_in_dim3A_177 : vector<1x2048xi32> to vector<8x2048xi32>
    %select_n3A_179 = arith.select %eq3A_166, %broadcast_in_dim3A_178, %select_n3A_176 : vector<8x2048xi1>, vector<8x2048xi32>
    %swap3A_180 = arith.constant 0 : index
    %swap3A_181 = arith.constant 0 : index
    %swap3A_182 = vector.load %arg3[%swap3A_180, %swap3A_181] : memref<8x2048xi32, #tpu.memory_space<vmem>>, vector<8x2048xi32>
    tpu.vector_store %arg3[%swap3A_180, %swap3A_181], %select_n3A_179 {strides = array<i32>} : memref<8x2048xi32, #tpu.memory_space<vmem>>, vector<8x2048xi32>,
    %eq3A_183 = arith.constant 0 : i32
    %eq3A_184 = vector.broadcast %eq3A_183 : i32 to vector<8x2048xi32>
    %eq3A_185 = arith.cmpi eq, %iota3A_163, %eq3A_184 : vector<8x2048xi32>
    %squeeze3A = vector.shape_cast %div3A_43 : vector<2048x1xf32> to vector<2048xf32>
    %broadcast_in_dim3A_186 = vector.shape_cast %squeeze3A : vector<2048xf32> to vector<1x2048xf32>
    %eq3A_187 = arith.constant 1 : i32
    %eq3A_188 = vector.broadcast %eq3A_187 : i32 to vector<8x2048xi32>
    %eq3A_189 = arith.cmpi eq, %iota3A_163, %eq3A_188 : vector<8x2048xi32>
    %squeeze3A_190 = vector.shape_cast %mul3A : vector<2048x1xf32> to vector<2048xf32>
    %broadcast_in_dim3A_191 = vector.shape_cast %squeeze3A_190 : vector<2048xf32> to vector<1x2048xf32>
    %jit3A_192 = arith.constant 0.000000e+00 : f32
    %broadcast_in_dim3A_193 = vector.shape_cast %broadcast_in_dim3A_191 : vector<1x2048xf32> to vector<1x2048xf32>
    %broadcast_in_dim3A_194 = vector.broadcast %broadcast_in_dim3A_193 : vector<1x2048xf32> to vector<8x2048xf32>
    %broadcast_in_dim3A_195 = vector.broadcast %jit3A_192 : f32 to vector<8x2048xf32>
    %select_n3A_196 = arith.select %eq3A_189, %broadcast_in_dim3A_194, %broadcast_in_dim3A_195 : vector<8x2048xi1>, vector<8x2048xf32>
    %broadcast_in_dim3A_197 = vector.shape_cast %broadcast_in_dim3A_186 : vector<1x2048xf32> to vector<1x2048xf32>
    %broadcast_in_dim3A_198 = vector.broadcast %broadcast_in_dim3A_197 : vector<1x2048xf32> to vector<8x2048xf32>
    %select_n3A_199 = arith.select %eq3A_185, %broadcast_in_dim3A_198, %select_n3A_196 : vector<8x2048xi1>, vector<8x2048xf32>
    %swap3A_200 = arith.constant 0 : index
    %swap3A_201 = arith.constant 0 : index
    %swap3A_202 = vector.load %arg4[%swap3A_200, %swap3A_201] : memref<8x2048xf32, #tpu.memory_space<vmem>>, vector<8x2048xf32>
    tpu.vector_store %arg4[%swap3A_200, %swap3A_201], %select_n3A_199 {strides = array<i32>} : memref<8x2048xf32, #tpu.memory_space<vmem>>, vector<8x2048xf32>,
    return
  }
}

</mosaic_0001>

<sc_bundles>
// kernel: kernel.6.cloned.1.call-start
scs
__scs_entry_jumppad:
0x0: {  	(pc) =	sbr.rel $0x88, $3  }
0x1: {  	(tag) =	ssettag $0x0;
	lr =	simm.s32 $0x1  }
0x2: {  	[smem:$0x3F9A] =	sst lr;
	_ =	strace $0xD0000000  }
0x3: {  	_ = 	snop  }
0x4: {  	_ = 	snop  }
0x5: {  	_ = 	snop  }
0x6: {  	_ = 	snop  }
0x7: {  	_ = 	snop  }
__scs_overlays_trampoline_lowered:
0x8: {  	[smem:$0x3FA9] =	sst s0  }
0x9: {  	[smem:$0x3FAA] =	sst s1  }
0xa: {  	[smem:$0x3FAB] =	sst s2  }
0xb: {  	[smem:$0x3FAC] =	sst s3  }
0xc: {  	[smem:$0x3FAD] =	sst s4  }
0xd: {  	[smem:$0x3FAE] =	sst s5  }
0xe: {  	[smem:$0x3FAF] =	sst s6  }
0xf: {  	[smem:$0x3FB0] =	sst s7  }
0x10: {  	[smem:$0x3FB1] =	sst s8  }
0x11: {  	[smem:$0x3FB2] =	sst s9;
	s0 =	simm.s32 @!p0 $0x0  }
0x12: {  	s1 =	sld [smem:$0x3F98];
	s0 =	simm.s32 @p0 $0x1  }
0x13: {  	[smem:$0x3FB3] =	sst s0;
	s0 =	simm.s32 @!p1 $0x0  }
0x14: {  	s2 =	sld [smem:$0x3F97];
	s0 =	simm.s32 @p1 $0x1  }
0x15: {  	[smem:$0x3FB4] =	sst s0;
	s0 =	simm.s32 @!p2 $0x0  }
0x16: {  	s3 =	sld [smem:$0x3FDB];
	s0 =	simm.s32 @p2 $0x1  }
0x17: {  	s4 =	simm.s32 $0x1BF5;
	[smem:$0x3FB6] =	sst s0  }
0x18: {  	s0 =	sld [smem:$0x3F99];
	_ =	swait.ge [sflag:s4], $0x0  }
0x19: {  	s7 =	sld [smem:$0x3F9A]  }
0x1a: {  	s8 =	sadd.s32 $0xFFFFE003, lr  }
0x1b: {  	s9 =	sadd.s32 $0xFFFFFEF7, lr;
	s5 =	simm.s32 $0xFFFFFFFF;
	p2 =	slt.u32 s8, $0xFFFFF086  }
0x1c: {  	p1 =	slt.u32 s9, $0xF7A;
	s5 =	simm.s32 @!p2 $0x0  }
0x1d: {  	s5 =	simm.s32 @p1 $0x1;
	p0 =	seq.s32 s7, s2  }
0x1e: {  	s7 =	smul.u32 @!p0 $0xF7A, s2;
	p2 =	seq.s32 @!p0 s5, $0x0  }
0x1f: {  	s9 =	smul.u32 $0xF7A, s1;
	s8 =	simm.s32 @!p0 $0x1BF5;
	p2 =	por !p2, p0  }
0x20: {  	[sflag:s8] =	ssyncset.s32 @!p0 $0xFFFFF086;
	s6 =	sadd.s32 @!p0 s3, s7;
	s7 =	simm.s32 @!p0 $0x108  }
0x21: {  	s3 =	sadd.s32 s3, s9;
	s6 =	sadd.s32 @!p0 $0x88, s6;
	s7 =	simm.s32 @p2 $0x1082  }
0x22: {  	[simem:s7], [sflag:s8] =	dma.local @!p0 [hbm:s6], $0xF7A  }
0x23: {  	s9 =	sor.u32 $0xD0000000, s2;
	s6 =	simm.s32 $0x108;
	_ =	swait.ge @!p0 [sflag:s8], $0x0  }
0x24: {  	s3 =	sadd.s32 $0x88, s3;
	s6 =	simm.s32 @!p1 $0x1082;
	[sflag:s4] =	ssyncset.s32 $0xFFFFF086  }
0x25: {  	[simem:s6], [sflag:s4] =	dma.local [hbm:s3], $0xF7A  }
0x26: {  	[smem:$0x3F9A] =	sst s1;
	(tag) =	ssettag s2;
	_ =	strace s9  }
0x27: {  	s1 =	sld [smem:$0x3FAA]  }
0x28: {  	s2 =	sld [smem:$0x3FAB]  }
0x29: {  	s4 =	sld [smem:$0x3FAD]  }
0x2a: {  	p0 =	seq.s32 s5, $0x0;
	s5 =	sld [smem:$0x3FAE]  }
0x2b: {  	s6 =	sld [smem:$0x3FAF]  }
0x2c: {  	s7 =	sld [smem:$0x3FB0]  }
0x2d: {  	s3 =	simm.s32 $0x108;
	s8 =	sld [smem:$0x3FB1]  }
0x2e: {  	s3 =	simm.s32 @!p0 $0x1082;
	s9 =	sld [smem:$0x3FB2]  }
0x2f: {  	lr =	sadd.s32 s0, s3;
	s0 =	sld [smem:$0x3FA9]  }
0x30: {  	s3 =	sld [smem:$0x3FAC]  }
0x31: {  	[smem:$0x3FB5] =	sst s10  }
0x32: {  	s10 =	sld [smem:$0x3FB3];
	_ =	sdelay $0x3  }
0x33: {  	p0 =	seq.s32 s10, $0x1;
	s10 =	sld [smem:$0x3FB5];
	_ =	sdelay $0x3  }
0x34: {  	[smem:$0x3FB5] =	sst s10  }
0x35: {  	s10 =	sld [smem:$0x3FB4];
	_ =	sdelay $0x3  }
0x36: {  	p1 =	seq.s32 s10, $0x1;
	s10 =	sld [smem:$0x3FB5];
	_ =	sdelay $0x3  }
0x37: {  	[smem:$0x3FB5] =	sst s10  }
0x38: {  	s10 =	sld [smem:$0x3FB6]  }
0x39: {  	_ = 	snop;
	(pc) =	sbr.ind lr, $3  }
0x3a: {  	_ = 	snop  }
0x3b: {  	_ = 	snop  }
0x3c: {  	p2 =	seq.s32 s10, $0x1;
	s10 =	sld [smem:$0x3FB5]  }
0x3d: {  	_ =	shalt  }
0x3e: {  	_ =	shalt  }
0x3f: {  	_ =	shalt  }
0x40: {  	_ =	shalt  }
0x41: {  	_ =	shalt  }
0x42: {  	_ =	shalt  }
0x43: {  	_ =	shalt  }
0x44: {  	_ =	shalt  }
0x45: {  	_ =	shalt  }
0x46: {  	_ =	shalt  }
0x47: {  	_ =	shalt  }
0x48: {  	_ =	shalt  }
0x49: {  	_ =	shalt  }
0x4a: {  	_ =	shalt  }
0x4b: {  	_ =	shalt  }
0x4c: {  	_ =	shalt  }
0x4d: {  	_ =	shalt  }
0x4e: {  	_ =	shalt  }
0x4f: {  	_ =	shalt  }
0x50: {  	_ =	shalt  }
0x51: {  	_ =	shalt  }
0x52: {  	_ =	shalt  }
0x53: {  	_ =	shalt  }
0x54: {  	_ =	shalt  }
0x55: {  	_ =	shalt  }
0x56: {  	_ =	shalt  }
0x57: {  	_ =	shalt  }
0x58: {  	_ =	shalt  }
0x59: {  	_ =	shalt  }
0x5a: {  	_ =	shalt  }
0x5b: {  	_ =	shalt  }
0x5c: {  	_ =	shalt  }
0x5d: {  	_ =	shalt  }
0x5e: {  	_ =	shalt  }
0x5f: {  	_ =	shalt  }
0x60: {  	_ =	shalt  }
0x61: {  	_ =	shalt  }
0x62: {  	_ =	shalt  }
0x63: {  	_ =	shalt  }
0x64: {  	_ =	shalt  }
0x65: {  	_ =	shalt  }
0x66: {  	_ =	shalt  }
0x67: {  	_ =	shalt  }
0x68: {  	_ =	shalt  }
0x69: {  	_ =	shalt  }
0x6a: {  	_ =	shalt  }
0x6b: {  	_ =	shalt  }
0x6c: {  	_ =	shalt  }
0x6d: {  	_ =	shalt  }
0x6e: {  	_ =	shalt  }
0x6f: {  	_ =	shalt  }
0x70: {  	_ =	shalt  }
0x71: {  	_ =	shalt  }
0x72: {  	_ =	shalt  }
0x73: {  	_ =	shalt  }
0x74: {  	_ =	shalt  }
0x75: {  	_ =	shalt  }
0x76: {  	_ =	shalt  }
0x77: {  	_ =	shalt  }
0x78: {  	_ =	shalt  }
0x79: {  	_ =	shalt  }
0x7a: {  	_ =	shalt  }
0x7b: {  	_ =	shalt  }
0x7c: {  	_ =	shalt  }
0x7d: {  	_ =	shalt  }
0x7e: {  	_ =	shalt  }
0x7f: {  	_ =	shalt  }
0x80: {  	_ =	shalt  }
0x81: {  	_ =	shalt  }
0x82: {  	_ =	shalt  }
0x83: {  	_ =	shalt  }
0x84: {  	_ =	shalt  }
0x85: {  	_ =	shalt  }
0x86: {  	_ =	shalt  }
0x87: {  	_ =	shalt  }
.Lfunc_end0:
.L_simem_size_0:
called_computation_lowered:
.L_overlay_start_0:
0x88: {  	s2 =	sld [smem:$0x3FD9]  }
0x89: {  	s3 =	sld [smem:$0x3FFE];
	_ =	sdelay $0x1  }
0x8a: {  	s1 =	srdreg.scid  }
0x8b: {  	s0 =	sand.u32 $0x1, s1  }
0x8c: {  	s17 =	sshll.u32 s0, $0xA;
	s2 =	sadd.s32 s3, s2  }
0x8d: {  	s2 =	sadd.s32 s2, s17  }
0x8e: {  	[smem:$0x3FC1] =	sst s2  }
0x8f: {  	_ = 	snop  }
0x90: {  	s2 =	sld [smem:$0x3FC9];
	(tm) =	ssettm $0x1  }
0x91: {  	s18 =	sld [smem:$0x3FFB];
	_ =	sdelay $0x3  }
0x92: {  	_ =	strace s18  }
0x93: {  	s3 =	sld [smem:$0x3FFC];
	_ =	sdelay $0x3  }
0x94: {  	_ =	strace s3  }
0x95: {  	s3 =	sld [smem:$0x3FFD];
	_ =	sdelay $0x3  }
0x96: {  	_ =	strace s3  }
0x97: {  	_ =	strace $0x8FFFFFFF  }
0x98: {  	s19 =	sld [smem:$0x3FDB];
	_ =	sdelay $0x1  }
0x99: {  	s4 =	simm.s32 $_scs_section_size  }
0x9a: {  	s5 =	simm.s32 $_size__tile_overlayer_lowered;
	s6 =	simm.s32 $_tile_overlayer_lowered  }
0x9b: {  	s22 =	simm.s32 $0x1BFF;
	s21 =	sshll.u32 s6, $0x1;
	s3 =	sadd.s32 s4, s19  }
0x9c: {  	s7 =	simm.s32 $0x0;
	s20 =	sshll.u32 s5, $0x1;
	s5 =	sadd.s32 s21, s3  }
0x9d: {  	[timem:s7], [sflag:s22] =	dma.local [hbm:s5], s20  }
0x9e: {  	_ =	swait.ge [sflag:s22], s20  }
0x9f: {  	s4 =	ssub.s32 $0x0, s20;
	[sflag:s22] =	ssyncset.done $0x0  }
0xa0: {  	[sflag:s22] =	ssyncadd.s32 s4;
	_ =	sdelay $0x1  }
0xa1: {  	s23 =	simm.s32 $0x1B8B  }
0xa2: {  	_ =	swait.ge [sflag:s23], $0x1  }
0xa3: {  	[sflag:s23] =	ssyncset.done $0x0  }
0xa4: {  	s25 =	simm.s32 $0x1B8E;
	s24 =	sld [smem:$0x3FFE];
	[sflag:s23] =	ssyncadd.s32 $0xFFFFFFFF  }
0xa5: {  	s26 =	simm.s32 $execute0_lowered;
	[smem:$0x3FD2] =	sst s25  }
0xa6: {  	s5 =	sshll.u32 s26, $0x1;
	_ =	strace $0x80000046;
	[dreg:$0x1] =	wrdreg $0xFFFFFFFF  }
0xa7: {  	s28 =	simm.s32 $_size_execute0_lowered;
	s3 =	sadd.s32 s3, s5;
	[dreg:$0x0] =	wrdreg $0x0  }
0xa8: {  	s5 =	sshll.u32 s28, $0x1;
	[dreg:$0x2] =	wrdreg s3  }
0xa9: {  	[dreg:$0x3] =	wrdreg s5  }
0xaa: {  	[dreg:$0x4] =	wrdreg $0xC0  }
0xab: {  	_ =	task [dreg:s7], $0x5FFFF  }
0xac: {  	[dreg:$0x1] =	wrdreg $0xFFFFFFFF  }
0xad: {  	[dreg:$0x0] =	wrdreg $0x60  }
0xae: {  	[dreg:$0x2] =	wrdreg s2  }
0xaf: {  	[dreg:$0x3] =	wrdreg s24  }
0xb0: {  	[dreg:$0x4] =	wrdreg $0x9  }
0xb1: {  	_ =	task.clear_ibuf [dreg:s7], $0x5FFFF;
	_ =	strace $0x90000046  }
0xb2: {  	s29 =	simm.s32 $0x9;
	_ =	strace $0x80000048  }
0xb3: {  	_ =	swait.ge [sflag:s29], $0x1  }
0xb4: {  	[sflag:s29] =	ssyncadd.s32 $0xFFFFFFFF  }
0xb5: {  	_ =	strace $0x90000048  }
0xb6: {  	_ =	sfence  }
0xb7: {  	s30 =	sld [smem:$0x0];
	_ =	sdelay $0x2  }
0xb8: {  	s31 =	sshll.u32 s1, $0xD;
	s1 =	sshrl.u32 s1, $0x2  }
0xb9: {  	s3 =	sand.u32 $0x4000, s31;
	s1 =	sadd.s32 s1, s30  }
0xba: {  	s0 =	sor.u32 s3, s0;
	s1 =	sshll.u32 s1, $0x11  }
0xbb: {  	s0 =	sor.u32 s1, s0  }
0xbc: {  	s0 =	sadd.s32 $0x8F2B, s0  }
0xbd: {  	[sflag:s0] =	ssyncadd.remote.s32 $0x1  }
0xbe: {  	_ =	sfence.sel $0xFFFF  }
0xbf: {  	[dreg:$0x0] =	wrdreg $0xFFFFFFFF;
	(pc) =	sbr.abs _section_cstart, $3  }
0xc0: {  	[dreg:$0x1] =	wrdreg $0xFFFFFFFF  }
0xc1: {  	_ =	task.clear_ibuf [dreg:s7], $0x2FFFF;
	_ =	strace $0x9FFFFFFF  }
0xc2: {  	(tm) =	ssettm $0x7FFFFFFF  }
0xc3: {  	_ =	shalt  }
tec
execute0_lowered:
.L_overlay_start_1:
0x0: {  	(tag) =	ssettag $0x1  }
0x1: {  	s1 =	srdreg.scid;
	s4 =	rddreg [dreg:$0x0]  }
0x2: {  	s0 =	stileid.u32;
	s5 =	rddreg [dreg:$0x1]  }
0x3: {  	s26 =	simm.s32 $0xC000;
	s8 =	simm.s32 $0xC080;
	s9 =	simm.s32 $0x1000  }
0x4: {  	s10 =	simm.s32 $0x1800;
	s11 =	simm.s32 $0x2000;
	s12 =	simm.s32 $0x2800  }
0x5: {  	s13 =	simm.s32 $0x3000;
	s14 =	simm.s32 $0x3800;
	s15 =	simm.s32 $0x4000  }
0x6: {  	s16 =	simm.s32 $0x4800;
	s17 =	simm.s32 $0x5000;
	s18 =	simm.s32 $0x5800  }
0x7: {  	s19 =	simm.s32 $0x6000;
	s20 =	simm.s32 $0x6800;
	s28 =	simm.s32 $0xA000  }
0x8: {  	s29 =	simm.s32 $0xA800;
	s30 =	simm.s32 $0xB000;
	s1 =	sand.u32 $0x1, s1  }
0x9: {  	s31 =	simm.s32 $0xB800;
	s2 =	sshll.u32 s0, $0x7;
	s3 =	sshll.u32 s1, $0x6  }
0xa: {  	s6 =	sshll.u32 s0, $0xA;
	s1 =	ssub.s32 $0x2, s1;
	s7 =	sor.u32 s3, s2  }
0xb: {  	s2 =	simm.s32 $0x0;
	s3 =	sor.u32 s3, s6;
	s23 =	sshrl.u32 s1, $0x1  }
0xc: {  	s21 =	sshrl.u32 s7, $0x3;
	[smem:$0x7FF] =	sst s2;
	s3 =	sshrl.u32 s3, $0x3  }
0xd: {  	s1 =	ssub.s32 s1, s23;
	s7 =	simm.s32 $0x2;
	s23 =	simm.s32 $0x8000  }
0xe: {  	s6 =	smul.u32 $0x300, s21;
	_ =	strace $0x80000047;
	[dreg:$0x6] =	wrdreg s26  }
0xf: {  	s22 =	sadd.s32 s3, s5;
	s3 =	sadd.s32 $0x2800, s5;
	[dreg:$0x7] =	wrdreg s8  }
0x10: {  	s21 =	simm.s32 $0x7000;
	s26 =	simm.s32 $0x9800;
	s24 =	sadd.s32 $0x1800, s22  }
0x11: {  	s25 =	sadd.s32 $0x1810, s22;
	s22 =	simm.s32 $0x7800;
	[dreg:$0x4] =	wrdreg s24  }
0x12: {  	v2 =	vlaneseq.u32;
	s4 =	sadd.s32 s4, s6;
	[dreg:$0x5] =	wrdreg s25;
	s6 =	smax.u32 s1, $0x1  }
0x13: {  	vm0 =	vmmov $0xffff;
	v1 =	vshrl.u32 v2, $0x3;
	s24 =	simm.s32 $0x8800;
	s25 =	simm.s32 $0x9000;
	s1 =	simm.s32 $0x1  }
0x14: {  	v0 =	vand.u32 $0x7, v2;
	v2 =	vor.u32 $0x8, v2;
	v1 =	vmul.u32 $0x8, v1;
	[dreg:$0x3] =	wrdreg s4;
	s4 =	sadd.s32 $0x2900, s5;
	s5 =	sadd.s32 $0x2A00, s5  }
.LBB2_1:
0x15: {  	s0 =	rddreg [dreg:$0x3]  }
0x16: {  	[tilespmem:s2], [sflag:$0x2] =	stream.linear.gather [hbm4b:s0+s2], $0xC000, $0x38;
	[tilespmem:$0xC100] =	vst v63  }
0x17: {  	_ =	swait.ge [sflag:s7], $0xC000  }
0x18: {  	s0 =	rddreg [dreg:$0x4];
	[sflag:s7] =	ssyncset.done $0x0  }
0x19: {  	s8 =	rddreg [dreg:$0x6];
	[sflag:s7] =	ssyncadd.s32 $0xFFFF4000  }
0x1a: {  	[tilespmem:s8], [sflag:$0x2] =	stream.linear.gather [hbm4b:s0+s2], $0x40, $0x38;
	[tilespmem:$0xC100] =	vst v63  }
0x1b: {  	_ =	swait.ge [sflag:s7], $0x40  }
0x1c: {  	s0 =	rddreg [dreg:$0x5];
	[sflag:s7] =	ssyncset.done $0x0  }
0x1d: {  	s8 =	rddreg [dreg:$0x7];
	[sflag:s7] =	ssyncadd.s32 $0xFFFFFFC0  }
0x1e: {  	[tilespmem:s8], [sflag:$0x2] =	stream.linear.gather [hbm4b:s0+s2], $0x40, $0x38;
	[tilespmem:$0xC100] =	vst v63  }
0x1f: {  	_ =	swait.ge [sflag:s7], $0x40  }
0x20: {  	[sflag:s7] =	ssyncset.done $0x0  }
0x21: {  	[sflag:s7] =	ssyncadd.s32 $0xFFFFFFC0  }
0x22: {  	v3 =	vld [tilespmem:$0xC000];
	_ =	sdelay $0x4  }
0x23: {  	v4 =	vshrl.u32 v3, $0x3  }
0x24: {  	v4 =	vmul.u32 $0x30, v4  }
0x25: {  	v3 =	vand.u32 $0x7, v3  }
0x26: {  	v3 =	vor.u32 v3, v4  }
0x27: {  	v4 =	vperm.xlane v3, v0;
	_ =	sdelay $0x1  }
0x28: {  	v4 =	vadd.s32 v1, v4;
	_ =	sdelay $0x3  }
0x29: {  	v3 =	vperm.xlane v3, v2  }
0x2a: {  	[hbm4b:s3+s2] =	stream.indirect_vreg.scatter [tilespmem:s2], [sflag:$0x1], $0x80, v4, vm0, $0xb8;
	[tilespmem:$0xC100] =	vst v63  }
0x2b: {  	s8 =	simm.s32 $0x800;
	v3 =	vadd.s32 v1, v3  }
0x2c: {  	[hbm4b:s4+s2] =	stream.indirect_vreg.scatter [tilespmem:s8], [sflag:$0x1], $0x80, v4, vm0, $0xb8;
	[tilespmem:$0xC100] =	vst v63  }
0x2d: {  	_ = 	snop  }
0x2e: {  	[hbm4b:s5+s2] =	stream.indirect_vreg.scatter [tilespmem:s9], [sflag:$0x1], $0x80, v4, vm0, $0xb8;
	[tilespmem:$0xC100] =	vst v63  }
0x2f: {  	_ = 	snop  }
0x30: {  	[hbm4b:s3+s2] =	stream.indirect_vreg.scatter [tilespmem:s10], [sflag:$0x1], $0x80, v3, vm0, $0xb8;
	[tilespmem:$0xC100] =	vst v63  }
0x31: {  	_ = 	snop  }
0x32: {  	[hbm4b:s4+s2] =	stream.indirect_vreg.scatter [tilespmem:s11], [sflag:$0x1], $0x80, v3, vm0, $0xb8;
	[tilespmem:$0xC100] =	vst v63  }
0x33: {  	_ = 	snop  }
0x34: {  	[hbm4b:s5+s2] =	stream.indirect_vreg.scatter [tilespmem:s12], [sflag:$0x1], $0x80, v3, vm0, $0xb8;
	[tilespmem:$0xC100] =	vst v63  }
0x35: {  	v3 =	vld [tilespmem:$0xC010];
	_ =	sdelay $0x4  }
0x36: {  	v57 =	vshrl.u32 v3, $0x3  }
0x37: {  	v4 =	vmul.u32 $0x30, v57  }
0x38: {  	v3 =	vand.u32 $0x7, v3  }
0x39: {  	v3 =	vor.u32 v3, v4  }
0x3a: {  	v4 =	vperm.xlane v3, v0;
	_ =	sdelay $0x1  }
0x3b: {  	v4 =	vadd.s32 v1, v4;
	_ =	sdelay $0x3  }
0x3c: {  	v3 =	vperm.xlane v3, v2  }
0x3d: {  	[hbm4b:s3+s2] =	stream.indirect_vreg.scatter [tilespmem:s13], [sflag:$0x1], $0x80, v4, vm0, $0xb8;
	[tilespmem:$0xC100] =	vst v63  }
0x3e: {  	v3 =	vadd.s32 v1, v3  }
0x3f: {  	[hbm4b:s4+s2] =	stream.indirect_vreg.scatter [tilespmem:s14], [sflag:$0x1], $0x80, v4, vm0, $0xb8;
	[tilespmem:$0xC100] =	vst v63  }
0x40: {  	_ = 	snop  }
0x41: {  	[hbm4b:s5+s2] =	stream.indirect_vreg.scatter [tilespmem:s15], [sflag:$0x1], $0x80, v4, vm0, $0xb8;
	[tilespmem:$0xC100] =	vst v63  }
0x42: {  	_ = 	snop  }
0x43: {  	[hbm4b:s3+s2] =	stream.indirect_vreg.scatter [tilespmem:s16], [sflag:$0x1], $0x80, v3, vm0, $0xb8;
	[tilespmem:$0xC100] =	vst v63  }
0x44: {  	_ = 	snop  }
0x45: {  	[hbm4b:s4+s2] =	stream.indirect_vreg.scatter [tilespmem:s17], [sflag:$0x1], $0x80, v3, vm0, $0xb8;
	[tilespmem:$0xC100] =	vst v63  }
0x46: {  	_ = 	snop  }
0x47: {  	[hbm4b:s5+s2] =	stream.indirect_vreg.scatter [tilespmem:s18], [sflag:$0x1], $0x80, v3, vm0, $0xb8;
	[tilespmem:$0xC100] =	vst v63  }
0x48: {  	v3 =	vld [tilespmem:$0xC020];
	_ =	sdelay $0x4  }
0x49: {  	v58 =	vshrl.u32 v3, $0x3  }
0x4a: {  	v4 =	vmul.u32 $0x30, v58  }
0x4b: {  	v3 =	vand.u32 $0x7, v3  }
0x4c: {  	v3 =	vor.u32 v3, v4  }
0x4d: {  	v4 =	vperm.xlane v3, v0;
	_ =	sdelay $0x1  }
0x4e: {  	v4 =	vadd.s32 v1, v4;
	_ =	sdelay $0x3  }
0x4f: {  	v3 =	vperm.xlane v3, v2  }
0x50: {  	[hbm4b:s3+s2] =	stream.indirect_vreg.scatter [tilespmem:s19], [sflag:$0x1], $0x80, v4, vm0, $0xb8;
	[tilespmem:$0xC100] =	vst v63  }
0x51: {  	v3 =	vadd.s32 v1, v3  }
0x52: {  	[hbm4b:s4+s2] =	stream.indirect_vreg.scatter [tilespmem:s20], [sflag:$0x1], $0x80, v4, vm0, $0xb8;
	[tilespmem:$0xC100] =	vst v63  }
0x53: {  	_ = 	snop  }
0x54: {  	[hbm4b:s5+s2] =	stream.indirect_vreg.scatter [tilespmem:s21], [sflag:$0x1], $0x80, v4, vm0, $0xb8;
	[tilespmem:$0xC100] =	vst v63  }
0x55: {  	_ = 	snop  }
0x56: {  	[hbm4b:s3+s2] =	stream.indirect_vreg.scatter [tilespmem:s22], [sflag:$0x1], $0x80, v3, vm0, $0xb8;
	[tilespmem:$0xC100] =	vst v63  }
0x57: {  	_ = 	snop  }
0x58: {  	[hbm4b:s4+s2] =	stream.indirect_vreg.scatter [tilespmem:s23], [sflag:$0x1], $0x80, v3, vm0, $0xb8;
	[tilespmem:$0xC100] =	vst v63  }
0x59: {  	_ = 	snop  }
0x5a: {  	[hbm4b:s5+s2] =	stream.indirect_vreg.scatter [tilespmem:s24], [sflag:$0x1], $0x80, v3, vm0, $0xb8;
	[tilespmem:$0xC100] =	vst v63  }
0x5b: {  	v3 =	vld [tilespmem:$0xC030];
	_ =	sdelay $0x4  }
0x5c: {  	v59 =	vshrl.u32 v3, $0x3  }
0x5d: {  	v4 =	vmul.u32 $0x30, v59  }
0x5e: {  	v3 =	vand.u32 $0x7, v3  }
0x5f: {  	v3 =	vor.u32 v3, v4  }
0x60: {  	v4 =	vperm.xlane v3, v0;
	_ =	sdelay $0x1  }
0x61: {  	v4 =	vadd.s32 v1, v4;
	_ =	sdelay $0x3  }
0x62: {  	v3 =	vperm.xlane v3, v2  }
0x63: {  	[hbm4b:s3+s2] =	stream.indirect_vreg.scatter [tilespmem:s25], [sflag:$0x1], $0x80, v4, vm0, $0xb8;
	[tilespmem:$0xC100] =	vst v63  }
0x64: {  	v3 =	vadd.s32 v1, v3  }
0x65: {  	[hbm4b:s4+s2] =	stream.indirect_vreg.scatter [tilespmem:s26], [sflag:$0x1], $0x80, v4, vm0, $0xb8;
	[tilespmem:$0xC100] =	vst v63  }
0x66: {  	_ = 	snop  }
0x67: {  	[hbm4b:s5+s2] =	stream.indirect_vreg.scatter [tilespmem:s28], [sflag:$0x1], $0x80, v4, vm0, $0xb8;
	[tilespmem:$0xC100] =	vst v63  }
0x68: {  	_ = 	snop  }
0x69: {  	[hbm4b:s3+s2] =	stream.indirect_vreg.scatter [tilespmem:s29], [sflag:$0x1], $0x80, v3, vm0, $0xb8;
	[tilespmem:$0xC100] =	vst v63  }
0x6a: {  	_ = 	snop  }
0x6b: {  	[hbm4b:s4+s2] =	stream.indirect_vreg.scatter [tilespmem:s30], [sflag:$0x1], $0x80, v3, vm0, $0xb8;
	[tilespmem:$0xC100] =	vst v63  }
0x6c: {  	_ = 	snop  }
0x6d: {  	[hbm4b:s5+s2] =	stream.indirect_vreg.scatter [tilespmem:s31], [sflag:$0x1], $0x80, v3, vm0, $0xb8;
	[tilespmem:$0xC100] =	vst v63  }
0x6e: {  	v3 =	vld [tilespmem:$0xC080];
	_ =	sdelay $0x4  }
0x6f: {  	v60 =	vshrl.u32 v3, $0x3  }
0x70: {  	v4 =	vmul.u32 $0x30, v60  }
0x71: {  	v3 =	vand.u32 $0x7, v3  }
0x72: {  	v3 =	vor.u32 v3, v4  }
0x73: {  	v4 =	vperm.xlane v3, v0;
	_ =	sdelay $0x1  }
0x74: {  	v4 =	vadd.s32 v1, v4;
	_ =	sdelay $0x3  }
0x75: {  	v3 =	vperm.xlane v3, v2  }
0x76: {  	[hbm4b:s3+s2] =	stream.indirect_vreg.scatter [tilespmem:s2], [sflag:$0x1], $0x80, v4, vm0, $0xb8;
	[tilespmem:$0xC100] =	vst v63  }
0x77: {  	v3 =	vadd.s32 v1, v3  }
0x78: {  	[hbm4b:s4+s2] =	stream.indirect_vreg.scatter [tilespmem:s8], [sflag:$0x1], $0x80, v4, vm0, $0xb8;
	[tilespmem:$0xC100] =	vst v63  }
0x79: {  	_ = 	snop  }
0x7a: {  	[hbm4b:s5+s2] =	stream.indirect_vreg.scatter [tilespmem:s9], [sflag:$0x1], $0x80, v4, vm0, $0xb8;
	[tilespmem:$0xC100] =	vst v63  }
0x7b: {  	_ = 	snop  }
0x7c: {  	[hbm4b:s3+s2] =	stream.indirect_vreg.scatter [tilespmem:s10], [sflag:$0x1], $0x80, v3, vm0, $0xb8;
	[tilespmem:$0xC100] =	vst v63  }
0x7d: {  	_ = 	snop  }
0x7e: {  	[hbm4b:s4+s2] =	stream.indirect_vreg.scatter [tilespmem:s11], [sflag:$0x1], $0x80, v3, vm0, $0xb8;
	[tilespmem:$0xC100] =	vst v63  }
0x7f: {  	_ = 	snop  }
0x80: {  	[hbm4b:s5+s2] =	stream.indirect_vreg.scatter [tilespmem:s12], [sflag:$0x1], $0x80, v3, vm0, $0xb8;
	[tilespmem:$0xC100] =	vst v63  }
0x81: {  	v3 =	vld [tilespmem:$0xC090];
	_ =	sdelay $0x4  }
0x82: {  	v61 =	vshrl.u32 v3, $0x3  }
0x83: {  	v4 =	vmul.u32 $0x30, v61  }
0x84: {  	v3 =	vand.u32 $0x7, v3  }
0x85: {  	v3 =	vor.u32 v3, v4  }
0x86: {  	v4 =	vperm.xlane v3, v0;
	_ =	sdelay $0x1  }
0x87: {  	v4 =	vadd.s32 v1, v4;
	_ =	sdelay $0x3  }
0x88: {  	v3 =	vperm.xlane v3, v2  }
0x89: {  	[hbm4b:s3+s2] =	stream.indirect_vreg.scatter [tilespmem:s13], [sflag:$0x1], $0x80, v4, vm0, $0xb8;
	[tilespmem:$0xC100] =	vst v63  }
0x8a: {  	v3 =	vadd.s32 v1, v3  }
0x8b: {  	[hbm4b:s4+s2] =	stream.indirect_vreg.scatter [tilespmem:s14], [sflag:$0x1], $0x80, v4, vm0, $0xb8;
	[tilespmem:$0xC100] =	vst v63  }
0x8c: {  	_ = 	snop  }
0x8d: {  	[hbm4b:s5+s2] =	stream.indirect_vreg.scatter [tilespmem:s15], [sflag:$0x1], $0x80, v4, vm0, $0xb8;
	[tilespmem:$0xC100] =	vst v63  }
0x8e: {  	_ = 	snop  }
0x8f: {  	[hbm4b:s3+s2] =	stream.indirect_vreg.scatter [tilespmem:s16], [sflag:$0x1], $0x80, v3, vm0, $0xb8;
	[tilespmem:$0xC100] =	vst v63  }
0x90: {  	_ = 	snop  }
0x91: {  	[hbm4b:s4+s2] =	stream.indirect_vreg.scatter [tilespmem:s17], [sflag:$0x1], $0x80, v3, vm0, $0xb8;
	[tilespmem:$0xC100] =	vst v63  }
0x92: {  	_ = 	snop  }
0x93: {  	[hbm4b:s5+s2] =	stream.indirect_vreg.scatter [tilespmem:s18], [sflag:$0x1], $0x80, v3, vm0, $0xb8;
	[tilespmem:$0xC100] =	vst v63  }
0x94: {  	v3 =	vld [tilespmem:$0xC0A0];
	_ =	sdelay $0x4  }
0x95: {  	v62 =	vshrl.u32 v3, $0x3  }
0x96: {  	v4 =	vmul.u32 $0x30, v62  }
0x97: {  	v3 =	vand.u32 $0x7, v3  }
0x98: {  	v3 =	vor.u32 v3, v4  }
0x99: {  	v4 =	vperm.xlane v3, v0;
	_ =	sdelay $0x1  }
0x9a: {  	v4 =	vadd.s32 v1, v4;
	_ =	sdelay $0x3  }
0x9b: {  	v3 =	vperm.xlane v3, v2  }
0x9c: {  	[hbm4b:s3+s2] =	stream.indirect_vreg.scatter [tilespmem:s19], [sflag:$0x1], $0x80, v4, vm0, $0xb8;
	[tilespmem:$0xC100] =	vst v63  }
0x9d: {  	v3 =	vadd.s32 v1, v3  }
0x9e: {  	[hbm4b:s4+s2] =	stream.indirect_vreg.scatter [tilespmem:s20], [sflag:$0x1], $0x80, v4, vm0, $0xb8;
	[tilespmem:$0xC100] =	vst v63  }
0x9f: {  	_ = 	snop  }
0xa0: {  	[hbm4b:s5+s2] =	stream.indirect_vreg.scatter [tilespmem:s21], [sflag:$0x1], $0x80, v4, vm0, $0xb8;
	[tilespmem:$0xC100] =	vst v63  }
0xa1: {  	_ = 	snop  }
0xa2: {  	[hbm4b:s3+s2] =	stream.indirect_vreg.scatter [tilespmem:s22], [sflag:$0x1], $0x80, v3, vm0, $0xb8;
	[tilespmem:$0xC100] =	vst v63  }
0xa3: {  	_ = 	snop  }
0xa4: {  	[hbm4b:s4+s2] =	stream.indirect_vreg.scatter [tilespmem:s23], [sflag:$0x1], $0x80, v3, vm0, $0xb8;
	[tilespmem:$0xC100] =	vst v63  }
0xa5: {  	_ = 	snop  }
0xa6: {  	[hbm4b:s5+s2] =	stream.indirect_vreg.scatter [tilespmem:s24], [sflag:$0x1], $0x80, v3, vm0, $0xb8;
	[tilespmem:$0xC100] =	vst v63  }
0xa7: {  	v3 =	vld [tilespmem:$0xC0B0];
	_ =	sdelay $0x4  }
0xa8: {  	v63 =	vshrl.u32 v3, $0x3  }
0xa9: {  	v4 =	vmul.u32 $0x30, v63  }
0xaa: {  	v3 =	vand.u32 $0x7, v3  }
0xab: {  	v3 =	vor.u32 v3, v4  }
0xac: {  	v4 =	vperm.xlane v3, v0;
	_ =	sdelay $0x1  }
0xad: {  	v4 =	vadd.s32 v1, v4;
	_ =	sdelay $0x3  }
0xae: {  	v3 =	vperm.xlane v3, v2  }
0xaf: {  	[hbm4b:s3+s2] =	stream.indirect_vreg.scatter [tilespmem:s25], [sflag:$0x1], $0x80, v4, vm0, $0xb8;
	[tilespmem:$0xC100] =	vst v63  }
0xb0: {  	v3 =	vadd.s32 v1, v3  }
0xb1: {  	[hbm4b:s4+s2] =	stream.indirect_vreg.scatter [tilespmem:s26], [sflag:$0x1], $0x80, v4, vm0, $0xb8;
	[tilespmem:$0xC100] =	vst v63  }
0xb2: {  	_ = 	snop  }
0xb3: {  	[hbm4b:s5+s2] =	stream.indirect_vreg.scatter [tilespmem:s28], [sflag:$0x1], $0x80, v4, vm0, $0xb8;
	[tilespmem:$0xC100] =	vst v63  }
0xb4: {  	_ = 	snop  }
0xb5: {  	[hbm4b:s3+s2] =	stream.indirect_vreg.scatter [tilespmem:s29], [sflag:$0x1], $0x80, v3, vm0, $0xb8;
	[tilespmem:$0xC100] =	vst v63  }
0xb6: {  	_ = 	snop  }
0xb7: {  	[hbm4b:s4+s2] =	stream.indirect_vreg.scatter [tilespmem:s30], [sflag:$0x1], $0x80, v3, vm0, $0xb8;
	[tilespmem:$0xC100] =	vst v63  }
0xb8: {  	_ = 	snop  }
0xb9: {  	[hbm4b:s5+s2] =	stream.indirect_vreg.scatter [tilespmem:s31], [sflag:$0x1], $0x80, v3, vm0, $0xb8;
	[tilespmem:$0xC100] =	vst v63  }
0xba: {  	p0 =	sne.s32 s6, $0x1;
	_ =	swait.ge [sflag:s1], $0xC000  }
.Ltmp0:
0xbb: {  	[sflag:s1] =	ssyncset.done $0x0;
	(pc) =	sbr.rel @p0 .LBB2_1-.Ltmp0, $4  }
0xbc: {  	[sflag:s1] =	ssyncadd.s32 $0xFFFF4000  }
0xbd: {  	_ =	swait.ge [sflag:s1], $0xC000  }
0xbe: {  	[sflag:s1] =	ssyncset.done $0x0  }
0xbf: {  	s6 =	sadd.s32 $0xFFFFFFFF, s6;
	[sflag:s1] =	ssyncadd.s32 $0xFFFF4000  }
0xc0: {  	_ =	sfence.sel $0x180000  }
0xc1: {  	[bflag:$0x0] =	sbarrier.arrive $0xFFFF  }
0xc2: {  	_ =	strace $0x90000047  }
0xc3: {  	s0 =	stileid.u32;
	[bflag:$0x2] =	sbarrier.arrive $0xFFFF  }
0xc4: {  	p0 =	sne.s32 s0, $0x0;
	s0 =	rddreg [dreg:$0x2]  }
0xc5: {  	s0 =	sadd.s32 @!p0 $0x100000, s0  }
0xc6: {  	[sflag:s0] =	ssyncadd.tile.s32 @!p0 $0x1;
	_ =	shalt  }
.Lfunc_end2:
_tile_overlayer_lowered:
.L_overlay_start_2:
0xc7: {  	(tag) =	ssettag $0x2  }
0xc8: {  	s0 =	rddreg [dreg:$0x0];
	s2 =	stileid.u32  }
0xc9: {  	s1 =	rddreg [dreg:$0x1];
	p0 =	sne.s32 s2, $0x0  }
0xca: {  	s3 =	rddreg [dreg:$0x2];
	[bflag:$0x3] =	sbarrier.arrive $0xFFFF;
	s2 =	simm.s32 @!p0 $0x1C02  }
0xcb: {  	[timem:s3], [sflag:s2] =	dma.local @!p0 [hbm:s0], s1  }
0xcc: {  	s0 =	simm.s32 @!p0 $0x2  }
0xcd: {  	_ =	swait.ge @!p0 [sflag:s0], s1  }
0xce: {  	s1 =	ssub.s32 @!p0 $0x0, s1;
	[sflag:s0] =	ssyncset.done @!p0 $0x0  }
0xcf: {  	[sflag:s0] =	ssyncadd.s32 @!p0 s1  }
0xd0: {  	[bflag:$0x3] =	sbarrier.arrive $0xFFFF  }
0xd1: {  	_ =	shalt  }

// kernel: kernel.9.cloned.1.call-start
scs
__scs_entry_jumppad:
0x0: {  	(pc) =	sbr.rel $0x88, $3  }
0x1: {  	(tag) =	ssettag $0x0;
	lr =	simm.s32 $0x1  }
0x2: {  	[smem:$0x3F9A] =	sst lr;
	_ =	strace $0xD0000000  }
0x3: {  	_ = 	snop  }
0x4: {  	_ = 	snop  }
0x5: {  	_ = 	snop  }
0x6: {  	_ = 	snop  }
0x7: {  	_ = 	snop  }
__scs_overlays_trampoline_lowered:
0x8: {  	[smem:$0x3FA9] =	sst s0  }
0x9: {  	[smem:$0x3FAA] =	sst s1  }
0xa: {  	[smem:$0x3FAB] =	sst s2  }
0xb: {  	[smem:$0x3FAC] =	sst s3  }
0xc: {  	[smem:$0x3FAD] =	sst s4  }
0xd: {  	[smem:$0x3FAE] =	sst s5  }
0xe: {  	[smem:$0x3FAF] =	sst s6  }
0xf: {  	[smem:$0x3FB0] =	sst s7  }
0x10: {  	[smem:$0x3FB1] =	sst s8  }
0x11: {  	[smem:$0x3FB2] =	sst s9;
	s0 =	simm.s32 @!p0 $0x0  }
0x12: {  	s1 =	sld [smem:$0x3F98];
	s0 =	simm.s32 @p0 $0x1  }
0x13: {  	[smem:$0x3FB3] =	sst s0;
	s0 =	simm.s32 @!p1 $0x0  }
0x14: {  	s2 =	sld [smem:$0x3F97];
	s0 =	simm.s32 @p1 $0x1  }
0x15: {  	[smem:$0x3FB4] =	sst s0;
	s0 =	simm.s32 @!p2 $0x0  }
0x16: {  	s3 =	sld [smem:$0x3FDB];
	s0 =	simm.s32 @p2 $0x1  }
0x17: {  	s4 =	simm.s32 $0x1BF5;
	[smem:$0x3FB6] =	sst s0  }
0x18: {  	s0 =	sld [smem:$0x3F99];
	_ =	swait.ge [sflag:s4], $0x0  }
0x19: {  	s7 =	sld [smem:$0x3F9A]  }
0x1a: {  	s8 =	sadd.s32 $0xFFFFE003, lr  }
0x1b: {  	s9 =	sadd.s32 $0xFFFFFEF7, lr;
	s5 =	simm.s32 $0xFFFFFFFF;
	p2 =	slt.u32 s8, $0xFFFFF086  }
0x1c: {  	p1 =	slt.u32 s9, $0xF7A;
	s5 =	simm.s32 @!p2 $0x0  }
0x1d: {  	s5 =	simm.s32 @p1 $0x1;
	p0 =	seq.s32 s7, s2  }
0x1e: {  	s7 =	smul.u32 @!p0 $0xF7A, s2;
	p2 =	seq.s32 @!p0 s5, $0x0  }
0x1f: {  	s9 =	smul.u32 $0xF7A, s1;
	s8 =	simm.s32 @!p0 $0x1BF5;
	p2 =	por !p2, p0  }
0x20: {  	[sflag:s8] =	ssyncset.s32 @!p0 $0xFFFFF086;
	s6 =	sadd.s32 @!p0 s3, s7;
	s7 =	simm.s32 @!p0 $0x108  }
0x21: {  	s3 =	sadd.s32 s3, s9;
	s6 =	sadd.s32 @!p0 $0x88, s6;
	s7 =	simm.s32 @p2 $0x1082  }
0x22: {  	[simem:s7], [sflag:s8] =	dma.local @!p0 [hbm:s6], $0xF7A  }
0x23: {  	s9 =	sor.u32 $0xD0000000, s2;
	s6 =	simm.s32 $0x108;
	_ =	swait.ge @!p0 [sflag:s8], $0x0  }
0x24: {  	s3 =	sadd.s32 $0x88, s3;
	s6 =	simm.s32 @!p1 $0x1082;
	[sflag:s4] =	ssyncset.s32 $0xFFFFF086  }
0x25: {  	[simem:s6], [sflag:s4] =	dma.local [hbm:s3], $0xF7A  }
0x26: {  	[smem:$0x3F9A] =	sst s1;
	(tag) =	ssettag s2;
	_ =	strace s9  }
0x27: {  	s1 =	sld [smem:$0x3FAA]  }
0x28: {  	s2 =	sld [smem:$0x3FAB]  }
0x29: {  	s4 =	sld [smem:$0x3FAD]  }
0x2a: {  	p0 =	seq.s32 s5, $0x0;
	s5 =	sld [smem:$0x3FAE]  }
0x2b: {  	s6 =	sld [smem:$0x3FAF]  }
0x2c: {  	s7 =	sld [smem:$0x3FB0]  }
0x2d: {  	s3 =	simm.s32 $0x108;
	s8 =	sld [smem:$0x3FB1]  }
0x2e: {  	s3 =	simm.s32 @!p0 $0x1082;
	s9 =	sld [smem:$0x3FB2]  }
0x2f: {  	lr =	sadd.s32 s0, s3;
	s0 =	sld [smem:$0x3FA9]  }
0x30: {  	s3 =	sld [smem:$0x3FAC]  }
0x31: {  	[smem:$0x3FB5] =	sst s10  }
0x32: {  	s10 =	sld [smem:$0x3FB3];
	_ =	sdelay $0x3  }
0x33: {  	p0 =	seq.s32 s10, $0x1;
	s10 =	sld [smem:$0x3FB5];
	_ =	sdelay $0x3  }
0x34: {  	[smem:$0x3FB5] =	sst s10  }
0x35: {  	s10 =	sld [smem:$0x3FB4];
	_ =	sdelay $0x3  }
0x36: {  	p1 =	seq.s32 s10, $0x1;
	s10 =	sld [smem:$0x3FB5];
	_ =	sdelay $0x3  }
0x37: {  	[smem:$0x3FB5] =	sst s10  }
0x38: {  	s10 =	sld [smem:$0x3FB6]  }
0x39: {  	_ = 	snop;
	(pc) =	sbr.ind lr, $3  }
0x3a: {  	_ = 	snop  }
0x3b: {  	_ = 	snop  }
0x3c: {  	p2 =	seq.s32 s10, $0x1;
	s10 =	sld [smem:$0x3FB5]  }
0x3d: {  	_ =	shalt  }
0x3e: {  	_ =	shalt  }
0x3f: {  	_ =	shalt  }
0x40: {  	_ =	shalt  }
0x41: {  	_ =	shalt  }
0x42: {  	_ =	shalt  }
0x43: {  	_ =	shalt  }
0x44: {  	_ =	shalt  }
0x45: {  	_ =	shalt  }
0x46: {  	_ =	shalt  }
0x47: {  	_ =	shalt  }
0x48: {  	_ =	shalt  }
0x49: {  	_ =	shalt  }
0x4a: {  	_ =	shalt  }
0x4b: {  	_ =	shalt  }
0x4c: {  	_ =	shalt  }
0x4d: {  	_ =	shalt  }
0x4e: {  	_ =	shalt  }
0x4f: {  	_ =	shalt  }
0x50: {  	_ =	shalt  }
0x51: {  	_ =	shalt  }
0x52: {  	_ =	shalt  }
0x53: {  	_ =	shalt  }
0x54: {  	_ =	shalt  }
0x55: {  	_ =	shalt  }
0x56: {  	_ =	shalt  }
0x57: {  	_ =	shalt  }
0x58: {  	_ =	shalt  }
0x59: {  	_ =	shalt  }
0x5a: {  	_ =	shalt  }
0x5b: {  	_ =	shalt  }
0x5c: {  	_ =	shalt  }
0x5d: {  	_ =	shalt  }
0x5e: {  	_ =	shalt  }
0x5f: {  	_ =	shalt  }
0x60: {  	_ =	shalt  }
0x61: {  	_ =	shalt  }
0x62: {  	_ =	shalt  }
0x63: {  	_ =	shalt  }
0x64: {  	_ =	shalt  }
0x65: {  	_ =	shalt  }
0x66: {  	_ =	shalt  }
0x67: {  	_ =	shalt  }
0x68: {  	_ =	shalt  }
0x69: {  	_ =	shalt  }
0x6a: {  	_ =	shalt  }
0x6b: {  	_ =	shalt  }
0x6c: {  	_ =	shalt  }
0x6d: {  	_ =	shalt  }
0x6e: {  	_ =	shalt  }
0x6f: {  	_ =	shalt  }
0x70: {  	_ =	shalt  }
0x71: {  	_ =	shalt  }
0x72: {  	_ =	shalt  }
0x73: {  	_ =	shalt  }
0x74: {  	_ =	shalt  }
0x75: {  	_ =	shalt  }
0x76: {  	_ =	shalt  }
0x77: {  	_ =	shalt  }
0x78: {  	_ =	shalt  }
0x79: {  	_ =	shalt  }
0x7a: {  	_ =	shalt  }
0x7b: {  	_ =	shalt  }
0x7c: {  	_ =	shalt  }
0x7d: {  	_ =	shalt  }
0x7e: {  	_ =	shalt  }
0x7f: {  	_ =	shalt  }
0x80: {  	_ =	shalt  }
0x81: {  	_ =	shalt  }
0x82: {  	_ =	shalt  }
0x83: {  	_ =	shalt  }
0x84: {  	_ =	shalt  }
0x85: {  	_ =	shalt  }
0x86: {  	_ =	shalt  }
0x87: {  	_ =	shalt  }
.Lfunc_end0:
.L_simem_size_0:
called_computation.1_lowered:
.L_overlay_start_0:
0x88: {  	s2 =	sld [smem:$0x3FD9]  }
0x89: {  	s3 =	sld [smem:$0x3FFE];
	_ =	sdelay $0x1  }
0x8a: {  	s1 =	srdreg.scid  }
0x8b: {  	s0 =	sand.u32 $0x1, s1  }
0x8c: {  	s17 =	sshll.u32 s0, $0xA;
	s2 =	sadd.s32 s3, s2  }
0x8d: {  	s2 =	sadd.s32 s2, s17  }
0x8e: {  	[smem:$0x3FC1] =	sst s2  }
0x8f: {  	_ = 	snop  }
0x90: {  	s2 =	sld [smem:$0x3FD0];
	(tm) =	ssettm $0x1  }
0x91: {  	s18 =	sld [smem:$0x3FFB];
	_ =	sdelay $0x3  }
0x92: {  	_ =	strace s18  }
0x93: {  	s3 =	sld [smem:$0x3FFC];
	_ =	sdelay $0x3  }
0x94: {  	_ =	strace s3  }
0x95: {  	s3 =	sld [smem:$0x3FFD];
	_ =	sdelay $0x3  }
0x96: {  	_ =	strace s3  }
0x97: {  	_ =	strace $0x8FFFFFFF  }
0x98: {  	s19 =	sld [smem:$0x3FDB];
	_ =	sdelay $0x1  }
0x99: {  	s4 =	simm.s32 $_scs_section_size  }
0x9a: {  	s5 =	simm.s32 $_size__tile_overlayer_lowered;
	s6 =	simm.s32 $_tile_overlayer_lowered  }
0x9b: {  	s22 =	simm.s32 $0x1BFF;
	s21 =	sshll.u32 s6, $0x1;
	s3 =	sadd.s32 s4, s19  }
0x9c: {  	s7 =	simm.s32 $0x0;
	s20 =	sshll.u32 s5, $0x1;
	s5 =	sadd.s32 s21, s3  }
0x9d: {  	[timem:s7], [sflag:s22] =	dma.local [hbm:s5], s20  }
0x9e: {  	_ =	swait.ge [sflag:s22], s20  }
0x9f: {  	s4 =	ssub.s32 $0x0, s20;
	[sflag:s22] =	ssyncset.done $0x0  }
0xa0: {  	[sflag:s22] =	ssyncadd.s32 s4;
	_ =	sdelay $0x1  }
0xa1: {  	s23 =	simm.s32 $0x1B8B  }
0xa2: {  	_ =	swait.ge [sflag:s23], $0x1  }
0xa3: {  	[sflag:s23] =	ssyncset.done $0x0  }
0xa4: {  	s25 =	simm.s32 $0x1B8E;
	s24 =	sld [smem:$0x3FFE];
	[sflag:s23] =	ssyncadd.s32 $0xFFFFFFFF  }
0xa5: {  	s26 =	simm.s32 $execute0_lowered;
	[smem:$0x3FD2] =	sst s25  }
0xa6: {  	s5 =	sshll.u32 s26, $0x1;
	_ =	strace $0x80000049;
	[dreg:$0x1] =	wrdreg $0xFFFFFFFF  }
0xa7: {  	s28 =	simm.s32 $_size_execute0_lowered;
	s3 =	sadd.s32 s3, s5;
	[dreg:$0x0] =	wrdreg $0x0  }
0xa8: {  	s5 =	sshll.u32 s28, $0x1;
	[dreg:$0x2] =	wrdreg s3  }
0xa9: {  	[dreg:$0x3] =	wrdreg s5  }
0xaa: {  	[dreg:$0x4] =	wrdreg $0xC0  }
0xab: {  	_ =	task [dreg:s7], $0x5FFFF  }
0xac: {  	[dreg:$0x1] =	wrdreg $0xFFFFFFFF  }
0xad: {  	[dreg:$0x0] =	wrdreg $0x60  }
0xae: {  	[dreg:$0x2] =	wrdreg s24  }
0xaf: {  	[dreg:$0x3] =	wrdreg s2  }
0xb0: {  	[dreg:$0x4] =	wrdreg $0x9  }
0xb1: {  	_ =	task.clear_ibuf [dreg:s7], $0x5FFFF;
	_ =	strace $0x90000049  }
0xb2: {  	s29 =	simm.s32 $0x9;
	_ =	strace $0x8000004B  }
0xb3: {  	_ =	swait.ge [sflag:s29], $0x1  }
0xb4: {  	[sflag:s29] =	ssyncadd.s32 $0xFFFFFFFF  }
0xb5: {  	_ =	strace $0x9000004B  }
0xb6: {  	_ =	sfence  }
0xb7: {  	s30 =	sld [smem:$0x0];
	_ =	sdelay $0x2  }
0xb8: {  	s31 =	sshll.u32 s1, $0xD;
	s1 =	sshrl.u32 s1, $0x2  }
0xb9: {  	s3 =	sand.u32 $0x4000, s31;
	s1 =	sadd.s32 s1, s30  }
0xba: {  	s0 =	sor.u32 s3, s0;
	s1 =	sshll.u32 s1, $0x11  }
0xbb: {  	s0 =	sor.u32 s1, s0  }
0xbc: {  	s0 =	sadd.s32 $0x8F2B, s0  }
0xbd: {  	[sflag:s0] =	ssyncadd.remote.s32 $0x1  }
0xbe: {  	_ =	sfence.sel $0xFFFF  }
0xbf: {  	[dreg:$0x0] =	wrdreg $0xFFFFFFFF;
	(pc) =	sbr.abs _section_cstart, $3  }
0xc0: {  	[dreg:$0x1] =	wrdreg $0xFFFFFFFF  }
0xc1: {  	_ =	task.clear_ibuf [dreg:s7], $0x2FFFF;
	_ =	strace $0x9FFFFFFF  }
0xc2: {  	(tm) =	ssettm $0x7FFFFFFF  }
0xc3: {  	_ =	shalt  }
tec
execute0_lowered:
.L_overlay_start_1:
0x0: {  	(tag) =	ssettag $0x1  }
0x1: {  	s0 =	rddreg [dreg:$0x0]  }
0x2: {  	s2 =	rddreg [dreg:$0x1];
	s1 =	simm.s32 $0x0;
	s4 =	srdreg.scid  }
0x3: {  	s9 =	stileid.u32;
	s13 =	simm.s32 $0x2;
	s15 =	simm.s32 $0x18100  }
0x4: {  	s16 =	simm.s32 $0x18180;
	s24 =	simm.s32 $0x16000;
	s25 =	simm.s32 $0x16800  }
0x5: {  	s28 =	simm.s32 $0x17800;
	s29 =	simm.s32 $0x1;
	s30 =	simm.s32 $0x0  }
0x6: {  	[smem:$0x7FF] =	sst s1;
	s3 =	sadd.s32 $0x122800, s0;
	s5 =	sadd.s32 $0x1800, s0  }
0x7: {  	s4 =	sand.u32 $0x1, s4;
	s7 =	sadd.s32 $0x2000, s0;
	s8 =	sshll.u32 s9, $0xA  }
0x8: {  	s9 =	sshll.u32 s9, $0x7;
	s6 =	sshll.u32 s4, $0x6;
	s4 =	ssub.s32 $0x2, s4  }
0x9: {  	_ =	strace $0x8000004A;
	s8 =	sor.u32 s6, s8;
	s10 =	sshrl.u32 s4, $0x1  }
0xa: {  	s6 =	sor.u32 s6, s9;
	s9 =	sadd.s32 $0x122A00, s0;
	s8 =	sshrl.u32 s8, $0x3  }
0xb: {  	s11 =	ssub.s32 s4, s10;
	s6 =	sshrl.u32 s6, $0x3;
	s26 =	sor.u32 $0x10, s8  }
0xc: {  	v2 =	vlaneseq.u32;
	s4 =	sadd.s32 s5, s8;
	s31 =	smul.u32 $0x300, s6;
	s6 =	sadd.s32 s7, s8  }
0xd: {  	vm0 =	vmmov $0xffff;
	v1 =	vshrl.u32 v2, $0x3;
	s8 =	sadd.s32 $0x122900, s0;
	s11 =	smax.u32 s11, $0x1;
	s5 =	sadd.s32 s5, s26  }
0xe: {  	v0 =	vand.u32 $0x7, v2;
	v2 =	vor.u32 $0x8, v2;
	v1 =	vmul.u32 $0x8, v1;
	s7 =	sadd.s32 s7, s26;
	s26 =	simm.s32 $0x17000;
	s10 =	sadd.s32 s2, s31  }
.LBB2_1:
0xf: {  	s0 =	simm.s32 $0x18000  }
0x10: {  	[tilespmem:s0], [sflag:$0x2] =	stream.linear.gather [hbm4b:s4+s1], $0x40, $0x38;
	[tilespmem:$0x18200] =	vst v63  }
0x11: {  	_ =	swait.ge [sflag:s13], $0x40  }
0x12: {  	[sflag:s13] =	ssyncset.done $0x0  }
0x13: {  	s2 =	simm.s32 $0x18080;
	[sflag:s13] =	ssyncadd.s32 $0xFFFFFFC0  }
0x14: {  	[tilespmem:s2], [sflag:$0x2] =	stream.linear.gather [hbm4b:s5+s1], $0x40, $0x38;
	[tilespmem:$0x18200] =	vst v63  }
0x15: {  	_ =	swait.ge [sflag:s13], $0x40  }
0x16: {  	[sflag:s13] =	ssyncset.done $0x0  }
0x17: {  	[sflag:s13] =	ssyncadd.s32 $0xFFFFFFC0  }
0x18: {  	[tilespmem:s15], [sflag:$0x2] =	stream.linear.gather [hbm4b:s6+s1], $0x40, $0x38;
	[tilespmem:$0x18200] =	vst v63  }
0x19: {  	_ =	swait.ge [sflag:s13], $0x40  }
0x1a: {  	[sflag:s13] =	ssyncset.done $0x0  }
0x1b: {  	[sflag:s13] =	ssyncadd.s32 $0xFFFFFFC0  }
0x1c: {  	[tilespmem:s16], [sflag:$0x2] =	stream.linear.gather [hbm4b:s7+s1], $0x40, $0x38;
	[tilespmem:$0x18200] =	vst v63  }
0x1d: {  	_ =	swait.ge [sflag:s13], $0x40  }
0x1e: {  	[sflag:s13] =	ssyncset.done $0x0  }
0x1f: {  	[sflag:s13] =	ssyncadd.s32 $0xFFFFFFC0  }
0x20: {  	v3 =	vld [tilespmem:$0x18000];
	_ =	sdelay $0x4  }
0x21: {  	v4 =	vshrl.u32 v3, $0x3  }
0x22: {  	v4 =	vmul.u32 $0x30, v4  }
0x23: {  	v3 =	vand.u32 $0x7, v3  }
0x24: {  	v3 =	vor.u32 v3, v4  }
0x25: {  	v4 =	vperm.xlane v3, v0;
	_ =	sdelay $0x1  }
0x26: {  	v4 =	vadd.s32 v1, v4;
	_ =	sdelay $0x3  }
0x27: {  	v3 =	vperm.xlane v3, v2  }
0x28: {  	[tilespmem:s1], [sflag:$0x1] =	stream.indirect_vreg.gather [hbm4b:s3+s1], $0x80, v4, vm0, $0xb8;
	[tilespmem:$0x18200] =	vst v63  }
0x29: {  	s12 =	simm.s32 $0x800;
	v3 =	vadd.s32 v1, v3  }
0x2a: {  	[tilespmem:s12], [sflag:$0x1] =	stream.indirect_vreg.gather [hbm4b:s8+s1], $0x80, v4, vm0, $0xb8;
	[tilespmem:$0x18200] =	vst v63  }
0x2b: {  	s14 =	simm.s32 $0x1000  }
0x2c: {  	[tilespmem:s14], [sflag:$0x1] =	stream.indirect_vreg.gather [hbm4b:s9+s1], $0x80, v4, vm0, $0xb8;
	[tilespmem:$0x18200] =	vst v63  }
0x2d: {  	s17 =	simm.s32 $0x1800  }
0x2e: {  	[tilespmem:s17], [sflag:$0x1] =	stream.indirect_vreg.gather [hbm4b:s3+s1], $0x80, v3, vm0, $0xb8;
	[tilespmem:$0x18200] =	vst v63  }
0x2f: {  	s18 =	simm.s32 $0x2000  }
0x30: {  	[tilespmem:s18], [sflag:$0x1] =	stream.indirect_vreg.gather [hbm4b:s8+s1], $0x80, v3, vm0, $0xb8;
	[tilespmem:$0x18200] =	vst v63  }
0x31: {  	s19 =	simm.s32 $0x2800  }
0x32: {  	[tilespmem:s19], [sflag:$0x1] =	stream.indirect_vreg.gather [hbm4b:s9+s1], $0x80, v3, vm0, $0xb8;
	[tilespmem:$0x18200] =	vst v63  }
0x33: {  	v3 =	vld [tilespmem:$0x18010];
	_ =	sdelay $0x4  }
0x34: {  	v4 =	vshrl.u32 v3, $0x3  }
0x35: {  	v4 =	vmul.u32 $0x30, v4  }
0x36: {  	v3 =	vand.u32 $0x7, v3  }
0x37: {  	v3 =	vor.u32 v3, v4  }
0x38: {  	v4 =	vperm.xlane v3, v0;
	_ =	sdelay $0x1  }
0x39: {  	v4 =	vadd.s32 v1, v4;
	_ =	sdelay $0x3  }
0x3a: {  	s20 =	simm.s32 $0x3000;
	v3 =	vperm.xlane v3, v2  }
0x3b: {  	[tilespmem:s20], [sflag:$0x1] =	stream.indirect_vreg.gather [hbm4b:s3+s1], $0x80, v4, vm0, $0xb8;
	[tilespmem:$0x18200] =	vst v63  }
0x3c: {  	s21 =	simm.s32 $0x3800;
	v3 =	vadd.s32 v1, v3  }
0x3d: {  	[tilespmem:s21], [sflag:$0x1] =	stream.indirect_vreg.gather [hbm4b:s8+s1], $0x80, v4, vm0, $0xb8;
	[tilespmem:$0x18200] =	vst v63  }
0x3e: {  	s22 =	simm.s32 $0x4000  }
0x3f: {  	[tilespmem:s22], [sflag:$0x1] =	stream.indirect_vreg.gather [hbm4b:s9+s1], $0x80, v4, vm0, $0xb8;
	[tilespmem:$0x18200] =	vst v63  }
0x40: {  	s23 =	simm.s32 $0x4800  }
0x41: {  	[tilespmem:s23], [sflag:$0x1] =	stream.indirect_vreg.gather [hbm4b:s3+s1], $0x80, v3, vm0, $0xb8;
	[tilespmem:$0x18200] =	vst v63  }
0x42: {  	s2 =	simm.s32 $0x5000  }
0x43: {  	[tilespmem:s2], [sflag:$0x1] =	stream.indirect_vreg.gather [hbm4b:s8+s1], $0x80, v3, vm0, $0xb8;
	[tilespmem:$0x18200] =	vst v63  }
0x44: {  	s12 =	simm.s32 $0x5800  }
0x45: {  	[tilespmem:s12], [sflag:$0x1] =	stream.indirect_vreg.gather [hbm4b:s9+s1], $0x80, v3, vm0, $0xb8;
	[tilespmem:$0x18200] =	vst v63  }
0x46: {  	v3 =	vld [tilespmem:$0x18020];
	_ =	sdelay $0x4  }
0x47: {  	v4 =	vshrl.u32 v3, $0x3  }
0x48: {  	v4 =	vmul.u32 $0x30, v4  }
0x49: {  	v3 =	vand.u32 $0x7, v3  }
0x4a: {  	v3 =	vor.u32 v3, v4  }
0x4b: {  	v4 =	vperm.xlane v3, v0;
	_ =	sdelay $0x1  }
0x4c: {  	v4 =	vadd.s32 v1, v4;
	_ =	sdelay $0x3  }
0x4d: {  	s14 =	simm.s32 $0x6000;
	v3 =	vperm.xlane v3, v2  }
0x4e: {  	[tilespmem:s14], [sflag:$0x1] =	stream.indirect_vreg.gather [hbm4b:s3+s1], $0x80, v4, vm0, $0xb8;
	[tilespmem:$0x18200] =	vst v63  }
0x4f: {  	s17 =	simm.s32 $0x6800;
	v3 =	vadd.s32 v1, v3  }
0x50: {  	[tilespmem:s17], [sflag:$0x1] =	stream.indirect_vreg.gather [hbm4b:s8+s1], $0x80, v4, vm0, $0xb8;
	[tilespmem:$0x18200] =	vst v63  }
0x51: {  	s18 =	simm.s32 $0x7000  }
0x52: {  	[tilespmem:s18], [sflag:$0x1] =	stream.indirect_vreg.gather [hbm4b:s9+s1], $0x80, v4, vm0, $0xb8;
	[tilespmem:$0x18200] =	vst v63  }
0x53: {  	s19 =	simm.s32 $0x7800  }
0x54: {  	[tilespmem:s19], [sflag:$0x1] =	stream.indirect_vreg.gather [hbm4b:s3+s1], $0x80, v3, vm0, $0xb8;
	[tilespmem:$0x18200] =	vst v63  }
0x55: {  	s20 =	simm.s32 $0x8000  }
0x56: {  	[tilespmem:s20], [sflag:$0x1] =	stream.indirect_vreg.gather [hbm4b:s8+s1], $0x80, v3, vm0, $0xb8;
	[tilespmem:$0x18200] =	vst v63  }
0x57: {  	s21 =	simm.s32 $0x8800  }
0x58: {  	[tilespmem:s21], [sflag:$0x1] =	stream.indirect_vreg.gather [hbm4b:s9+s1], $0x80, v3, vm0, $0xb8;
	[tilespmem:$0x18200] =	vst v63  }
0x59: {  	v3 =	vld [tilespmem:$0x18030];
	_ =	sdelay $0x4  }
0x5a: {  	v4 =	vshrl.u32 v3, $0x3  }
0x5b: {  	v4 =	vmul.u32 $0x30, v4  }
0x5c: {  	v3 =	vand.u32 $0x7, v3  }
0x5d: {  	v3 =	vor.u32 v3, v4  }
0x5e: {  	v4 =	vperm.xlane v3, v0;
	_ =	sdelay $0x1  }
0x5f: {  	v4 =	vadd.s32 v1, v4;
	_ =	sdelay $0x3  }
0x60: {  	s22 =	simm.s32 $0x9000;
	v3 =	vperm.xlane v3, v2  }
0x61: {  	[tilespmem:s22], [sflag:$0x1] =	stream.indirect_vreg.gather [hbm4b:s3+s1], $0x80, v4, vm0, $0xb8;
	[tilespmem:$0x18200] =	vst v63  }
0x62: {  	s23 =	simm.s32 $0x9800;
	v3 =	vadd.s32 v1, v3  }
0x63: {  	[tilespmem:s23], [sflag:$0x1] =	stream.indirect_vreg.gather [hbm4b:s8+s1], $0x80, v4, vm0, $0xb8;
	[tilespmem:$0x18200] =	vst v63  }
0x64: {  	s2 =	simm.s32 $0xA000  }
0x65: {  	[tilespmem:s2], [sflag:$0x1] =	stream.indirect_vreg.gather [hbm4b:s9+s1], $0x80, v4, vm0, $0xb8;
	[tilespmem:$0x18200] =	vst v63  }
0x66: {  	s12 =	simm.s32 $0xA800  }
0x67: {  	[tilespmem:s12], [sflag:$0x1] =	stream.indirect_vreg.gather [hbm4b:s3+s1], $0x80, v3, vm0, $0xb8;
	[tilespmem:$0x18200] =	vst v63  }
0x68: {  	s14 =	simm.s32 $0xB000  }
0x69: {  	[tilespmem:s14], [sflag:$0x1] =	stream.indirect_vreg.gather [hbm4b:s8+s1], $0x80, v3, vm0, $0xb8;
	[tilespmem:$0x18200] =	vst v63  }
0x6a: {  	s17 =	simm.s32 $0xB800  }
0x6b: {  	[tilespmem:s17], [sflag:$0x1] =	stream.indirect_vreg.gather [hbm4b:s9+s1], $0x80, v3, vm0, $0xb8;
	[tilespmem:$0x18200] =	vst v63  }
0x6c: {  	v3 =	vld [tilespmem:$0x18080];
	_ =	sdelay $0x4  }
0x6d: {  	v4 =	vshrl.u32 v3, $0x3  }
0x6e: {  	v4 =	vmul.u32 $0x30, v4  }
0x6f: {  	v3 =	vand.u32 $0x7, v3  }
0x70: {  	v3 =	vor.u32 v3, v4  }
0x71: {  	v4 =	vperm.xlane v3, v0;
	_ =	sdelay $0x1  }
0x72: {  	v4 =	vadd.s32 v1, v4;
	_ =	sdelay $0x3  }
0x73: {  	s18 =	simm.s32 $0xC000;
	v3 =	vperm.xlane v3, v2  }
0x74: {  	[tilespmem:s18], [sflag:$0x1] =	stream.indirect_vreg.gather [hbm4b:s3+s1], $0x80, v4, vm0, $0xb8;
	[tilespmem:$0x18200] =	vst v63  }
0x75: {  	s19 =	simm.s32 $0xC800;
	v3 =	vadd.s32 v1, v3  }
0x76: {  	[tilespmem:s19], [sflag:$0x1] =	stream.indirect_vreg.gather [hbm4b:s8+s1], $0x80, v4, vm0, $0xb8;
	[tilespmem:$0x18200] =	vst v63  }
0x77: {  	s20 =	simm.s32 $0xD000  }
0x78: {  	[tilespmem:s20], [sflag:$0x1] =	stream.indirect_vreg.gather [hbm4b:s9+s1], $0x80, v4, vm0, $0xb8;
	[tilespmem:$0x18200] =	vst v63  }
0x79: {  	s21 =	simm.s32 $0xD800  }
0x7a: {  	[tilespmem:s21], [sflag:$0x1] =	stream.indirect_vreg.gather [hbm4b:s3+s1], $0x80, v3, vm0, $0xb8;
	[tilespmem:$0x18200] =	vst v63  }
0x7b: {  	s22 =	simm.s32 $0xE000  }
0x7c: {  	[tilespmem:s22], [sflag:$0x1] =	stream.indirect_vreg.gather [hbm4b:s8+s1], $0x80, v3, vm0, $0xb8;
	[tilespmem:$0x18200] =	vst v63  }
0x7d: {  	s23 =	simm.s32 $0xE800  }
0x7e: {  	[tilespmem:s23], [sflag:$0x1] =	stream.indirect_vreg.gather [hbm4b:s9+s1], $0x80, v3, vm0, $0xb8;
	[tilespmem:$0x18200] =	vst v63  }
0x7f: {  	v3 =	vld [tilespmem:$0x18090];
	_ =	sdelay $0x4  }
0x80: {  	v4 =	vshrl.u32 v3, $0x3  }
0x81: {  	v4 =	vmul.u32 $0x30, v4  }
0x82: {  	v3 =	vand.u32 $0x7, v3  }
0x83: {  	v3 =	vor.u32 v3, v4  }
0x84: {  	v4 =	vperm.xlane v3, v0;
	_ =	sdelay $0x1  }
0x85: {  	v4 =	vadd.s32 v1, v4;
	_ =	sdelay $0x3  }
0x86: {  	s2 =	simm.s32 $0xF000;
	v3 =	vperm.xlane v3, v2  }
0x87: {  	[tilespmem:s2], [sflag:$0x1] =	stream.indirect_vreg.gather [hbm4b:s3+s1], $0x80, v4, vm0, $0xb8;
	[tilespmem:$0x18200] =	vst v63  }
0x88: {  	s12 =	simm.s32 $0xF800;
	v3 =	vadd.s32 v1, v3  }
0x89: {  	[tilespmem:s12], [sflag:$0x1] =	stream.indirect_vreg.gather [hbm4b:s8+s1], $0x80, v4, vm0, $0xb8;
	[tilespmem:$0x18200] =	vst v63  }
0x8a: {  	s14 =	simm.s32 $0x10000  }
0x8b: {  	[tilespmem:s14], [sflag:$0x1] =	stream.indirect_vreg.gather [hbm4b:s9+s1], $0x80, v4, vm0, $0xb8;
	[tilespmem:$0x18200] =	vst v63  }
0x8c: {  	s17 =	simm.s32 $0x10800  }
0x8d: {  	[tilespmem:s17], [sflag:$0x1] =	stream.indirect_vreg.gather [hbm4b:s3+s1], $0x80, v3, vm0, $0xb8;
	[tilespmem:$0x18200] =	vst v63  }
0x8e: {  	s18 =	simm.s32 $0x11000  }
0x8f: {  	[tilespmem:s18], [sflag:$0x1] =	stream.indirect_vreg.gather [hbm4b:s8+s1], $0x80, v3, vm0, $0xb8;
	[tilespmem:$0x18200] =	vst v63  }
0x90: {  	s19 =	simm.s32 $0x11800  }
0x91: {  	[tilespmem:s19], [sflag:$0x1] =	stream.indirect_vreg.gather [hbm4b:s9+s1], $0x80, v3, vm0, $0xb8;
	[tilespmem:$0x18200] =	vst v63  }
0x92: {  	v3 =	vld [tilespmem:$0x180A0];
	_ =	sdelay $0x4  }
0x93: {  	v4 =	vshrl.u32 v3, $0x3  }
0x94: {  	v4 =	vmul.u32 $0x30, v4  }
0x95: {  	v3 =	vand.u32 $0x7, v3  }
0x96: {  	v3 =	vor.u32 v3, v4  }
0x97: {  	v4 =	vperm.xlane v3, v0;
	_ =	sdelay $0x1  }
0x98: {  	v4 =	vadd.s32 v1, v4;
	_ =	sdelay $0x3  }
0x99: {  	s20 =	simm.s32 $0x12000;
	v3 =	vperm.xlane v3, v2  }
0x9a: {  	[tilespmem:s20], [sflag:$0x1] =	stream.indirect_vreg.gather [hbm4b:s3+s1], $0x80, v4, vm0, $0xb8;
	[tilespmem:$0x18200] =	vst v63  }
0x9b: {  	s21 =	simm.s32 $0x12800;
	v3 =	vadd.s32 v1, v3  }
0x9c: {  	[tilespmem:s21], [sflag:$0x1] =	stream.indirect_vreg.gather [hbm4b:s8+s1], $0x80, v4, vm0, $0xb8;
	[tilespmem:$0x18200] =	vst v63  }
0x9d: {  	s22 =	simm.s32 $0x13000  }
0x9e: {  	[tilespmem:s22], [sflag:$0x1] =	stream.indirect_vreg.gather [hbm4b:s9+s1], $0x80, v4, vm0, $0xb8;
	[tilespmem:$0x18200] =	vst v63  }
0x9f: {  	s23 =	simm.s32 $0x13800  }
0xa0: {  	[tilespmem:s23], [sflag:$0x1] =	stream.indirect_vreg.gather [hbm4b:s3+s1], $0x80, v3, vm0, $0xb8;
	[tilespmem:$0x18200] =	vst v63  }
0xa1: {  	s2 =	simm.s32 $0x14000  }
0xa2: {  	[tilespmem:s2], [sflag:$0x1] =	stream.indirect_vreg.gather [hbm4b:s8+s1], $0x80, v3, vm0, $0xb8;
	[tilespmem:$0x18200] =	vst v63  }
0xa3: {  	s12 =	simm.s32 $0x14800  }
0xa4: {  	[tilespmem:s12], [sflag:$0x1] =	stream.indirect_vreg.gather [hbm4b:s9+s1], $0x80, v3, vm0, $0xb8;
	[tilespmem:$0x18200] =	vst v63  }
0xa5: {  	v3 =	vld [tilespmem:$0x180B0];
	_ =	sdelay $0x4  }
0xa6: {  	v4 =	vshrl.u32 v3, $0x3  }
0xa7: {  	v4 =	vmul.u32 $0x30, v4  }
0xa8: {  	v3 =	vand.u32 $0x7, v3  }
0xa9: {  	v3 =	vor.u32 v3, v4  }
0xaa: {  	v4 =	vperm.xlane v3, v0;
	_ =	sdelay $0x1  }
0xab: {  	v4 =	vadd.s32 v1, v4;
	_ =	sdelay $0x3  }
0xac: {  	s14 =	simm.s32 $0x15000;
	v3 =	vperm.xlane v3, v2  }
0xad: {  	[tilespmem:s14], [sflag:$0x1] =	stream.indirect_vreg.gather [hbm4b:s3+s1], $0x80, v4, vm0, $0xb8;
	[tilespmem:$0x18200] =	vst v63  }
0xae: {  	s17 =	simm.s32 $0x15800;
	v3 =	vadd.s32 v1, v3  }
0xaf: {  	[tilespmem:s17], [sflag:$0x1] =	stream.indirect_vreg.gather [hbm4b:s8+s1], $0x80, v4, vm0, $0xb8;
	[tilespmem:$0x18200] =	vst v63  }
0xb0: {  	_ = 	snop  }
0xb1: {  	[tilespmem:s24], [sflag:$0x1] =	stream.indirect_vreg.gather [hbm4b:s9+s1], $0x80, v4, vm0, $0xb8;
	[tilespmem:$0x18200] =	vst v63  }
0xb2: {  	_ = 	snop  }
0xb3: {  	[tilespmem:s25], [sflag:$0x1] =	stream.indirect_vreg.gather [hbm4b:s3+s1], $0x80, v3, vm0, $0xb8;
	[tilespmem:$0x18200] =	vst v63  }
0xb4: {  	_ = 	snop  }
0xb5: {  	[tilespmem:s26], [sflag:$0x1] =	stream.indirect_vreg.gather [hbm4b:s8+s1], $0x80, v3, vm0, $0xb8;
	[tilespmem:$0x18200] =	vst v63  }
0xb6: {  	_ = 	snop  }
0xb7: {  	[tilespmem:s28], [sflag:$0x1] =	stream.indirect_vreg.gather [hbm4b:s9+s1], $0x80, v3, vm0, $0xb8;
	[tilespmem:$0x18200] =	vst v63  }
0xb8: {  	s18 =	simm.s32 $0x1;
	_ =	swait.ge [sflag:s29], $0xC000  }
0xb9: {  	v4 =	vmov s18;
	[sflag:s29] =	ssyncset.done $0x0  }
0xba: {  	[sflag:s29] =	ssyncadd.s32 $0xFFFF4000  }
0xbb: {  	_ =	swait.ge [sflag:s29], $0xC000  }
0xbc: {  	s19 =	simm.s32 $0x0;
	[sflag:s29] =	ssyncset.done $0x0  }
0xbd: {  	s20 =	simm.s32 $0x0;
	s12 =	smul.u32 $0x1800, s19;
	[sflag:s29] =	ssyncadd.s32 $0xFFFF4000  }
0xbe: {  	s2 =	sand.u32 $0x300, s20;
	v3 =	vld.idx.msk [tilespmem:v4+s15+$0x0], $0xffff  }
0xbf: {  	s18 =	sor.u32 s2, s12;
	v4 =	vld.idx.msk [tilespmem:v4+s16+$0x0], $0xffff  }
0xc0: {  	v5 =	vld [tilespmem:s18+$0x0]  }
0xc1: {  	v6 =	vld [tilespmem:s18+$0xC000]  }
0xc2: {  	v7 =	vld [tilespmem:s18+$0x10]  }
0xc3: {  	v8 =	vld [tilespmem:s18+$0xC010]  }
0xc4: {  	v11 =	vld [tilespmem:s18+$0x20]  }
0xc5: {  	v12 =	vld [tilespmem:s18+$0xC020]  }
0xc6: {  	v13 =	vld [tilespmem:s18+$0x30]  }
0xc7: {  	v14 =	vld [tilespmem:s18+$0xC030]  }
0xc8: {  	v9 =	vmov s1;
	v15 =	vld [tilespmem:s18+$0x40]  }
0xc9: {  	v9 =	vand.u32 $0xFFFFFFFE, v9;
	v16 =	vld [tilespmem:s18+$0xC040]  }
0xca: {  	v10 =	vbroadcast v9, $0x0;
	v17 =	vld [tilespmem:s18+$0x50]  }
0xcb: {  	v18 =	vld [tilespmem:s18+$0xC050]  }
0xcc: {  	v19 =	vld [tilespmem:s18+$0x60]  }
0xcd: {  	v20 =	vld [tilespmem:s18+$0xC060]  }
0xce: {  	v21 =	vld [tilespmem:s18+$0x70]  }
0xcf: {  	v22 =	vld [tilespmem:s18+$0xC070]  }
0xd0: {  	v9 =	vld.idx.msk [tilespmem:v10+s15+$0x0], $0xffff  }
0xd1: {  	v10 =	vld.idx.msk [tilespmem:v10+s16+$0x0], $0xffff  }
0xd2: {  	v23 =	vld [tilespmem:s18+$0x400]  }
0xd3: {  	v24 =	vld [tilespmem:s18+$0xC400]  }
0xd4: {  	v25 =	vld [tilespmem:s18+$0x410]  }
0xd5: {  	v26 =	vld [tilespmem:s18+$0xC410]  }
0xd6: {  	v27 =	vld [tilespmem:s18+$0x420]  }
0xd7: {  	s21 =	simm.s32 $0x80;
	v28 =	vld [tilespmem:s18+$0xC420]  }
0xd8: {  	s0 =	sand.u32 $0x380, s21;
	v29 =	vld [tilespmem:s18+$0x430]  }
0xd9: {  	s14 =	sor.u32 s12, s0;
	v54 =	vld [tilespmem:s18+$0xC470]  }
0xda: {  	v37 =	vld [tilespmem:s14+$0xC070];
	v5 =	vmul.f32 v5, v9;
	v6 =	vmul.f32 v6, v10  }
0xdb: {  	v47 =	vld [tilespmem:s14+$0x400];
	v7 =	vmul.f32 v7, v9;
	v8 =	vmul.f32 v8, v10  }
0xdc: {  	v49 =	vld [tilespmem:s14+$0xC400];
	v5 =	vadd.f32 v6, v5;
	v6 =	vmul.f32 v11, v9;
	v11 =	vmul.f32 v12, v10  }
0xdd: {  	v12 =	vld [tilespmem:s18+$0xC430];
	v7 =	vadd.f32 v8, v7;
	v8 =	vmul.f32 v13, v9;
	v13 =	vmul.f32 v14, v10  }
0xde: {  	v14 =	vld [tilespmem:s18+$0x440];
	[tilespmem:s18+$0x0] =	vst v5;
	v5 =	vadd.f32 v11, v6;
	v6 =	vmul.f32 v15, v9;
	v11 =	vmul.f32 v16, v10  }
0xdf: {  	v15 =	vld [tilespmem:s18+$0xC440];
	[tilespmem:s18+$0x10] =	vst v7;
	v7 =	vadd.f32 v13, v8;
	v8 =	vmul.f32 v17, v9;
	v13 =	vmul.f32 v18, v10  }
0xe0: {  	v16 =	vld [tilespmem:s18+$0x450];
	[tilespmem:s18+$0x20] =	vst v5;
	v5 =	vadd.f32 v11, v6;
	v6 =	vmul.f32 v19, v9;
	v11 =	vmul.f32 v20, v10  }
0xe1: {  	v17 =	vld [tilespmem:s18+$0xC450];
	[tilespmem:s18+$0x30] =	vst v7;
	v7 =	vadd.f32 v13, v8;
	v8 =	vmul.f32 v21, v9;
	v13 =	vmul.f32 v22, v10  }
0xe2: {  	v18 =	vld [tilespmem:s18+$0x460];
	[tilespmem:s18+$0x40] =	vst v5;
	v5 =	vadd.f32 v11, v6;
	v6 =	vmul.f32 v23, v9;
	v11 =	vmul.f32 v24, v10  }
0xe3: {  	v19 =	vld [tilespmem:s18+$0xC460];
	[tilespmem:s18+$0x50] =	vst v7;
	v7 =	vadd.f32 v13, v8;
	v8 =	vmul.f32 v25, v9;
	v13 =	vmul.f32 v26, v10  }
0xe4: {  	v20 =	vld [tilespmem:s18+$0x470];
	[tilespmem:s18+$0x60] =	vst v5;
	v5 =	vadd.f32 v11, v6;
	v6 =	vmul.f32 v27, v9;
	v11 =	vmul.f32 v28, v10  }
0xe5: {  	v52 =	vld [tilespmem:s14+$0x410];
	v12 =	vmul.f32 v12, v10;
	[tilespmem:s18+$0x70] =	vst v7;
	v7 =	vadd.f32 v13, v8;
	v8 =	vmul.f32 v29, v9  }
0xe6: {  	v38 =	vld [tilespmem:s14+$0xC460];
	v13 =	vmul.f32 v15, v10;
	[tilespmem:s18+$0x400] =	vst v5;
	v6 =	vadd.f32 v11, v6;
	v11 =	vmul.f32 v14, v9  }
0xe7: {  	v21 =	vld [tilespmem:s14+$0x40];
	[tilespmem:s18+$0x410] =	vst v7;
	v7 =	vadd.f32 v12, v8;
	v8 =	vmul.f32 v16, v9;
	v12 =	vmul.f32 v17, v10  }
0xe8: {  	v22 =	vld [tilespmem:s14+$0xC040];
	v14 =	vmul.f32 v19, v10;
	[tilespmem:s18+$0x420] =	vst v6;
	v11 =	vadd.f32 v13, v11;
	v13 =	vmul.f32 v18, v9  }
0xe9: {  	v23 =	vld [tilespmem:s14+$0x50];
	v15 =	vmul.f32 v20, v9;
	v16 =	vmul.f32 v54, v10;
	[tilespmem:s18+$0x430] =	vst v7;
	v12 =	vadd.f32 v12, v8  }
0xea: {  	v28 =	vld [tilespmem:s14+$0x30];
	[tilespmem:s18+$0x440] =	vst v11;
	v13 =	vadd.f32 v14, v13  }
0xeb: {  	v5 =	vld [tilespmem:s14+$0x0];
	[tilespmem:s18+$0x450] =	vst v12;
	v14 =	vadd.f32 v16, v15  }
0xec: {  	s17 =	sadd.s32 $0x800, s12;
	v54 =	vld [tilespmem:s14+$0xC410];
	[tilespmem:s18+$0x460] =	vst v13  }
0xed: {  	s19 =	sor.u32 s2, s17;
	v6 =	vld [tilespmem:s14+$0xC000];
	[tilespmem:s18+$0x470] =	vst v14  }
0xee: {  	v13 =	vld [tilespmem:s19+$0x0]  }
0xef: {  	v14 =	vld [tilespmem:s19+$0xC000]  }
0xf0: {  	v15 =	vld [tilespmem:s19+$0x10]  }
0xf1: {  	v16 =	vld [tilespmem:s19+$0xC010]  }
0xf2: {  	v17 =	vld [tilespmem:s19+$0x20]  }
0xf3: {  	v18 =	vld [tilespmem:s19+$0xC020]  }
0xf4: {  	v19 =	vld [tilespmem:s19+$0x30]  }
0xf5: {  	v20 =	vld [tilespmem:s19+$0xC030]  }
0xf6: {  	v55 =	vld [tilespmem:s19+$0x40]  }
0xf7: {  	v56 =	vld [tilespmem:s19+$0xC040]  }
0xf8: {  	v57 =	vld [tilespmem:s19+$0x50]  }
0xf9: {  	v58 =	vld [tilespmem:s19+$0xC050]  }
0xfa: {  	v59 =	vld [tilespmem:s19+$0x60]  }
0xfb: {  	v60 =	vld [tilespmem:s19+$0xC060];
	v13 =	vmul.f32 v13, v9;
	v14 =	vmul.f32 v14, v10  }
0xfc: {  	v61 =	vld [tilespmem:s19+$0x70];
	v15 =	vmul.f32 v15, v9;
	v16 =	vmul.f32 v16, v10  }
0xfd: {  	v13 =	vadd.f32 v14, v13;
	v14 =	vmul.f32 v17, v9;
	v17 =	vmul.f32 v18, v10;
	v18 =	vld [tilespmem:s19+$0xC070]  }
0xfe: {  	v7 =	vld [tilespmem:s14+$0x10];
	v15 =	vadd.f32 v16, v15;
	v16 =	vmul.f32 v19, v9;
	v19 =	vmul.f32 v20, v10  }
0xff: {  	v8 =	vld [tilespmem:s14+$0xC010];
	[tilespmem:s19+$0x0] =	vst v13;
	v13 =	vadd.f32 v17, v14;
	v14 =	vmul.f32 v55, v9;
	v17 =	vmul.f32 v56, v10  }
0x100: {  	v11 =	vld [tilespmem:s14+$0x20];
	[tilespmem:s19+$0x10] =	vst v15;
	v15 =	vadd.f32 v19, v16;
	v16 =	vmul.f32 v57, v9;
	v19 =	vmul.f32 v58, v10  }
0x101: {  	v12 =	vld [tilespmem:s14+$0xC020];
	[tilespmem:s19+$0x20] =	vst v13;
	v13 =	vadd.f32 v17, v14;
	v14 =	vmul.f32 v59, v9;
	v17 =	vmul.f32 v60, v10  }
0x102: {  	v20 =	vld [tilespmem:s14+$0xC030];
	[tilespmem:s19+$0x30] =	vst v15;
	v15 =	vadd.f32 v19, v16;
	v16 =	vmul.f32 v61, v9;
	v18 =	vmul.f32 v18, v10  }
0x103: {  	v56 =	vld [tilespmem:s14+$0x420];
	[tilespmem:s19+$0x40] =	vst v13;
	v13 =	vadd.f32 v17, v14  }
0x104: {  	v57 =	vld [tilespmem:s14+$0x430];
	[tilespmem:s19+$0x50] =	vst v15;
	v15 =	vadd.f32 v18, v16  }
0x105: {  	s18 =	sadd.s32 $0xC00, s12;
	v19 =	vld [tilespmem:s14+$0xC050];
	[tilespmem:s19+$0x60] =	vst v13  }
0x106: {  	s21 =	sor.u32 s2, s18;
	v14 =	vld [tilespmem:s14+$0x60];
	[tilespmem:s19+$0x70] =	vst v15  }
0x107: {  	v15 =	vld [tilespmem:s21+$0x0]  }
0x108: {  	v17 =	vld [tilespmem:s21+$0xC000]  }
0x109: {  	v18 =	vld [tilespmem:s21+$0x10]  }
0x10a: {  	v62 =	vld [tilespmem:s21+$0xC010]  }
0x10b: {  	v63 =	vld [tilespmem:s21+$0x20]  }
0x10c: {  	v40 =	vld [tilespmem:s21+$0xC020]  }
0x10d: {  	v5 =	vmul.f32 v5, v3;
	v6 =	vmul.f32 v6, v4;
	v41 =	vld [tilespmem:s21+$0x30]  }
0x10e: {  	v7 =	vmul.f32 v7, v3;
	v8 =	vmul.f32 v8, v4;
	v42 =	vld [tilespmem:s21+$0xC030]  }
0x10f: {  	v5 =	vadd.f32 v6, v5;
	v6 =	vmul.f32 v11, v3;
	v11 =	vmul.f32 v12, v4;
	v30 =	vld [tilespmem:s21+$0x40]  }
0x110: {  	v7 =	vadd.f32 v8, v7;
	v8 =	vmul.f32 v28, v3;
	v20 =	vmul.f32 v20, v4;
	v31 =	vld [tilespmem:s21+$0xC040]  }
0x111: {  	[tilespmem:s14+$0x0] =	vst v5;
	v5 =	vadd.f32 v11, v6;
	v6 =	vmul.f32 v21, v3;
	v11 =	vmul.f32 v22, v4;
	v32 =	vld [tilespmem:s21+$0x50]  }
0x112: {  	[tilespmem:s14+$0x10] =	vst v7;
	v7 =	vadd.f32 v20, v8;
	v8 =	vmul.f32 v23, v3;
	v33 =	vld [tilespmem:s21+$0xC050]  }
0x113: {  	[tilespmem:s14+$0x20] =	vst v5;
	v5 =	vadd.f32 v11, v6;
	v19 =	vmul.f32 v19, v4;
	v34 =	vld [tilespmem:s21+$0x60];
	v6 =	vmul.f32 v14, v3  }
0x114: {  	v35 =	vld [tilespmem:s21+$0xC060];
	v15 =	vmul.f32 v15, v9;
	v17 =	vmul.f32 v17, v10  }
0x115: {  	[tilespmem:s14+$0x30] =	vst v7;
	v36 =	vld [tilespmem:s21+$0x70];
	v7 =	vadd.f32 v19, v8;
	v18 =	vmul.f32 v18, v9;
	v24 =	vmul.f32 v62, v10  }
0x116: {  	v44 =	vld [tilespmem:s21+$0xC070];
	v43 =	vmul.f32 v40, v10;
	v15 =	vadd.f32 v17, v15;
	v17 =	vmul.f32 v63, v9  }
0x117: {  	v16 =	vld [tilespmem:s14+$0xC060];
	v45 =	vmul.f32 v41, v9;
	v46 =	vmul.f32 v42, v10;
	v18 =	vadd.f32 v24, v18  }
0x118: {  	v20 =	vld [tilespmem:s14+$0xC440];
	v48 =	vmul.f32 v31, v10;
	[tilespmem:s21+$0x0] =	vst v15;
	v15 =	vadd.f32 v43, v17;
	v17 =	vmul.f32 v30, v9  }
0x119: {  	v13 =	vld [tilespmem:s14+$0x70];
	v50 =	vmul.f32 v32, v9;
	v51 =	vmul.f32 v33, v10;
	[tilespmem:s21+$0x10] =	vst v18;
	v18 =	vadd.f32 v46, v45  }
0x11a: {  	v14 =	vld [tilespmem:s14+$0x450];
	v53 =	vmul.f32 v35, v10;
	[tilespmem:s21+$0x20] =	vst v15;
	v15 =	vadd.f32 v48, v17;
	v17 =	vmul.f32 v34, v9  }
0x11b: {  	v19 =	vld [tilespmem:s14+$0x460];
	v55 =	vmul.f32 v36, v9;
	v26 =	vmul.f32 v44, v10;
	[tilespmem:s21+$0x30] =	vst v18;
	v18 =	vadd.f32 v51, v50  }
0x11c: {  	v11 =	vmul.f32 v16, v4;
	v16 =	vld [tilespmem:s14+$0xC450];
	[tilespmem:s21+$0x40] =	vst v15;
	v15 =	vadd.f32 v53, v17  }
0x11d: {  	v36 =	vld [tilespmem:s14+$0x440];
	[tilespmem:s21+$0x50] =	vst v18;
	v18 =	vadd.f32 v26, v55  }
0x11e: {  	s19 =	sadd.s32 $0x1000, s12;
	v17 =	vld [tilespmem:s14+$0xC420];
	[tilespmem:s21+$0x60] =	vst v15  }
0x11f: {  	s20 =	sor.u32 s2, s19;
	v15 =	vld [tilespmem:s14+$0xC430];
	[tilespmem:s21+$0x70] =	vst v18  }
0x120: {  	v18 =	vld [tilespmem:s20+$0x0]  }
0x121: {  	v58 =	vld [tilespmem:s20+$0xC000]  }
0x122: {  	v59 =	vld [tilespmem:s20+$0x10]  }
0x123: {  	v60 =	vld [tilespmem:s20+$0xC010]  }
0x124: {  	v61 =	vld [tilespmem:s20+$0x20]  }
0x125: {  	v8 =	vmul.f32 v13, v3;
	v13 =	vmul.f32 v37, v4;
	v62 =	vld [tilespmem:s20+$0xC020]  }
0x126: {  	[tilespmem:s14+$0x40] =	vst v5;
	v5 =	vadd.f32 v11, v6;
	v6 =	vmul.f32 v47, v3;
	v11 =	vmul.f32 v49, v4;
	v12 =	vld [tilespmem:s20+$0x30]  }
0x127: {  	[tilespmem:s14+$0x50] =	vst v7;
	v7 =	vadd.f32 v13, v8;
	v8 =	vmul.f32 v52, v3;
	v13 =	vmul.f32 v54, v4;
	v63 =	vld [tilespmem:s20+$0x40]  }
0x128: {  	[tilespmem:s14+$0x60] =	vst v5;
	v5 =	vadd.f32 v11, v6;
	v6 =	vmul.f32 v56, v3;
	v11 =	vmul.f32 v17, v4;
	v17 =	vld [tilespmem:s14+$0x470]  }
0x129: {  	[tilespmem:s14+$0x70] =	vst v7;
	v7 =	vadd.f32 v13, v8;
	v8 =	vmul.f32 v57, v3;
	v13 =	vmul.f32 v15, v4;
	v15 =	vld [tilespmem:s14+$0xC470]  }
0x12a: {  	v20 =	vmul.f32 v20, v4;
	[tilespmem:s14+$0x400] =	vst v5;
	v5 =	vadd.f32 v11, v6;
	v6 =	vld [tilespmem:s20+$0xC040];
	v11 =	vmul.f32 v36, v3  }
0x12b: {  	[tilespmem:s14+$0x410] =	vst v7;
	v7 =	vadd.f32 v13, v8;
	v8 =	vld [tilespmem:s20+$0x50]  }
0x12c: {  	v13 =	vmul.f32 v14, v3;
	v14 =	vmul.f32 v16, v4;
	[tilespmem:s14+$0x420] =	vst v5;
	v5 =	vld [tilespmem:s20+$0xC050];
	v11 =	vadd.f32 v20, v11  }
0x12d: {  	v16 =	vmul.f32 v19, v3;
	v19 =	vmul.f32 v38, v4;
	[tilespmem:s14+$0x430] =	vst v7;
	v7 =	vld [tilespmem:s20+$0x60]  }
0x12e: {  	v13 =	vadd.f32 v14, v13;
	v14 =	vld [tilespmem:s20+$0xC060];
	[tilespmem:s14+$0x440] =	vst v11;
	v11 =	vmul.f32 v17, v3;
	v15 =	vmul.f32 v15, v4  }
0x12f: {  	v16 =	vadd.f32 v19, v16;
	v17 =	vld [tilespmem:s20+$0x70]  }
0x130: {  	[tilespmem:s14+$0x450] =	vst v13;
	v13 =	vld [tilespmem:s20+$0xC070];
	v11 =	vadd.f32 v15, v11  }
0x131: {  	s22 =	sor.u32 s0, s17;
	[tilespmem:s14+$0x460] =	vst v16;
	v16 =	vld [tilespmem:s20+$0xC030]  }
0x132: {  	v15 =	vld [tilespmem:s22+$0x30];
	[tilespmem:s14+$0x470] =	vst v11  }
0x133: {  	v11 =	vld [tilespmem:s22+$0x0]  }
0x134: {  	v18 =	vmul.f32 v18, v9;
	v19 =	vld [tilespmem:s22+$0xC000]  }
0x135: {  	v39 =	vmul.f32 v58, v10;
	v41 =	vmul.f32 v59, v9;
	v20 =	vld [tilespmem:s22+$0x10]  }
0x136: {  	v42 =	vmul.f32 v60, v10;
	v44 =	vmul.f32 v61, v9;
	v40 =	vld [tilespmem:s22+$0xC010]  }
0x137: {  	v45 =	vmul.f32 v62, v10;
	v47 =	vmul.f32 v63, v9;
	v43 =	vld [tilespmem:s22+$0x20]  }
0x138: {  	v12 =	vmul.f32 v12, v9;
	v18 =	vadd.f32 v39, v18;
	v6 =	vmul.f32 v6, v10;
	v46 =	vld [tilespmem:s22+$0xC020]  }
0x139: {  	v23 =	vadd.f32 v42, v41;
	v8 =	vmul.f32 v8, v9;
	v5 =	vmul.f32 v5, v10;
	v48 =	vld [tilespmem:s22+$0xC030]  }
0x13a: {  	[tilespmem:s20+$0x0] =	vst v18;
	v18 =	vadd.f32 v45, v44;
	v6 =	vadd.f32 v6, v47;
	v7 =	vmul.f32 v7, v9;
	v49 =	vld [tilespmem:s22+$0x40]  }
0x13b: {  	[tilespmem:s20+$0x10] =	vst v23;
	v14 =	vmul.f32 v14, v10;
	v5 =	vadd.f32 v5, v8;
	v8 =	vmul.f32 v17, v9;
	v50 =	vld [tilespmem:s22+$0xC040]  }
0x13c: {  	[tilespmem:s20+$0x20] =	vst v18;
	v17 =	vld [tilespmem:s22+$0x50];
	v13 =	vmul.f32 v13, v10;
	v16 =	vmul.f32 v16, v10  }
0x13d: {  	[tilespmem:s20+$0x40] =	vst v6;
	v18 =	vld [tilespmem:s22+$0x70];
	v6 =	vadd.f32 v14, v7  }
0x13e: {  	v7 =	vld [tilespmem:s22+$0xC050];
	[tilespmem:s20+$0x50] =	vst v5;
	v5 =	vadd.f32 v13, v8;
	v12 =	vadd.f32 v16, v12;
	v8 =	vmul.f32 v11, v3  }
0x13f: {  	v13 =	vld [tilespmem:s22+$0x60];
	[tilespmem:s20+$0x60] =	vst v6;
	v11 =	vmul.f32 v19, v4;
	v6 =	vmul.f32 v20, v3  }
0x140: {  	s23 =	sadd.s32 $0x1400, s12;
	v16 =	vld [tilespmem:s22+$0xC060];
	v14 =	vmul.f32 v40, v4;
	[tilespmem:s20+$0x30] =	vst v12;
	v12 =	vmul.f32 v15, v3  }
0x141: {  	s17 =	sor.u32 s2, s23;
	[tilespmem:s20+$0x70] =	vst v5;
	v15 =	vld [tilespmem:s22+$0xC070];
	v5 =	vadd.f32 v11, v8;
	v8 =	vmul.f32 v43, v3;
	v11 =	vmul.f32 v46, v4  }
0x142: {  	v22 =	vld [tilespmem:s17+$0xC020];
	v6 =	vadd.f32 v14, v6;
	v14 =	vmul.f32 v48, v4  }
0x143: {  	v21 =	vld [tilespmem:s17+$0x30];
	[tilespmem:s22+$0x0] =	vst v5;
	v5 =	vadd.f32 v11, v8;
	v8 =	vmul.f32 v49, v3;
	v11 =	vmul.f32 v50, v4  }
0x144: {  	v7 =	vmul.f32 v7, v4;
	v23 =	vld [tilespmem:s17+$0xC030];
	[tilespmem:s22+$0x10] =	vst v6;
	v6 =	vadd.f32 v14, v12;
	v12 =	vmul.f32 v17, v3  }
0x145: {  	v24 =	vld [tilespmem:s17+$0x40];
	[tilespmem:s22+$0x20] =	vst v5;
	v5 =	vadd.f32 v11, v8;
	v8 =	vmul.f32 v13, v3;
	v11 =	vmul.f32 v16, v4  }
0x146: {  	v26 =	vld [tilespmem:s17+$0xC040];
	[tilespmem:s22+$0x30] =	vst v6;
	v6 =	vadd.f32 v7, v12  }
0x147: {  	v25 =	vld [tilespmem:s17+$0x50];
	[tilespmem:s22+$0x40] =	vst v5;
	v5 =	vmul.f32 v18, v3;
	v7 =	vadd.f32 v11, v8;
	v8 =	vmul.f32 v15, v4  }
0x148: {  	v27 =	vld [tilespmem:s17+$0xC050]  }
0x149: {  	v12 =	vld [tilespmem:s17+$0xC070];
	[tilespmem:s22+$0x50] =	vst v6;
	v5 =	vadd.f32 v8, v5  }
0x14a: {  	s18 =	sor.u32 s0, s18;
	v11 =	vld [tilespmem:s17+$0x70];
	[tilespmem:s22+$0x60] =	vst v7  }
0x14b: {  	v6 =	vld [tilespmem:s18+$0x30];
	[tilespmem:s22+$0x70] =	vst v5  }
0x14c: {  	v5 =	vld [tilespmem:s18+$0x0]  }
0x14d: {  	v7 =	vld [tilespmem:s18+$0xC000]  }
0x14e: {  	v8 =	vld [tilespmem:s18+$0x10]  }
0x14f: {  	v13 =	vld [tilespmem:s18+$0xC010]  }
0x150: {  	v14 =	vld [tilespmem:s18+$0x20]  }
0x151: {  	v15 =	vld [tilespmem:s18+$0xC020]  }
0x152: {  	v16 =	vld [tilespmem:s18+$0xC030]  }
0x153: {  	v17 =	vld [tilespmem:s18+$0x40]  }
0x154: {  	v18 =	vld [tilespmem:s18+$0xC040]  }
0x155: {  	v19 =	vld [tilespmem:s18+$0x50]  }
0x156: {  	s21 =	simm.s32 $0x0;
	v20 =	vld [tilespmem:s18+$0xC050]  }
0x157: {  	s12 =	smul.u32 $0x1800, s21;
	s22 =	simm.s32 $0x100;
	v51 =	vld [tilespmem:s18+$0x60]  }
0x158: {  	v52 =	vld [tilespmem:s18+$0xC060];
	s14 =	sand.u32 $0x300, s22  }
0x159: {  	s31 =	sor.u32 s0, s23;
	v53 =	vld [tilespmem:s18+$0xC070];
	s23 =	sor.u32 s14, s12  }
0x15a: {  	v62 =	vld [tilespmem:s23+$0xC000]  }
0x15b: {  	v63 =	vld [tilespmem:s23+$0x10]  }
0x15c: {  	v38 =	vld [tilespmem:s23+$0x40]  }
0x15d: {  	v39 =	vld [tilespmem:s23+$0xC040]  }
0x15e: {  	v40 =	vld [tilespmem:s23+$0x50]  }
0x15f: {  	v41 =	vld [tilespmem:s23+$0xC050]  }
0x160: {  	v42 =	vld [tilespmem:s23+$0x60];
	v5 =	vmul.f32 v5, v3;
	v7 =	vmul.f32 v7, v4  }
0x161: {  	v43 =	vld [tilespmem:s23+$0xC060];
	v8 =	vmul.f32 v8, v3;
	v13 =	vmul.f32 v13, v4  }
0x162: {  	v44 =	vld [tilespmem:s23+$0x70];
	v5 =	vadd.f32 v7, v5;
	v7 =	vmul.f32 v14, v3;
	v14 =	vmul.f32 v15, v4  }
0x163: {  	v6 =	vmul.f32 v6, v3;
	v15 =	vld [tilespmem:s18+$0x70];
	v8 =	vadd.f32 v13, v8;
	v13 =	vmul.f32 v16, v4  }
0x164: {  	v45 =	vld [tilespmem:s23+$0xC070];
	[tilespmem:s18+$0x0] =	vst v5;
	v5 =	vadd.f32 v14, v7;
	v7 =	vmul.f32 v17, v3;
	v14 =	vmul.f32 v18, v4  }
0x165: {  	v46 =	vld [tilespmem:s23+$0x400];
	[tilespmem:s18+$0x10] =	vst v8;
	v6 =	vadd.f32 v13, v6  }
0x166: {  	v47 =	vld [tilespmem:s23+$0xC400];
	v8 =	vmul.f32 v19, v3;
	v13 =	vmul.f32 v20, v4;
	[tilespmem:s18+$0x20] =	vst v5;
	v5 =	vadd.f32 v14, v7  }
0x167: {  	v48 =	vld [tilespmem:s23+$0x410];
	v7 =	vmul.f32 v51, v3;
	v14 =	vmul.f32 v52, v4;
	[tilespmem:s18+$0x30] =	vst v6  }
0x168: {  	v49 =	vld [tilespmem:s23+$0xC410];
	v6 =	vadd.f32 v13, v8;
	v8 =	vmul.f32 v53, v4;
	[tilespmem:s18+$0x40] =	vst v5;
	v5 =	vmul.f32 v15, v3  }
0x169: {  	v50 =	vld [tilespmem:s23+$0x420];
	v7 =	vadd.f32 v14, v7  }
0x16a: {  	v16 =	vld [tilespmem:s17+$0x0];
	[tilespmem:s18+$0x50] =	vst v6;
	v5 =	vadd.f32 v8, v5  }
0x16b: {  	s19 =	sor.u32 s0, s19;
	v17 =	vld [tilespmem:s17+$0xC000];
	[tilespmem:s18+$0x60] =	vst v7  }
0x16c: {  	v6 =	vld [tilespmem:s19+$0x30];
	[tilespmem:s18+$0x70] =	vst v5  }
0x16d: {  	v5 =	vld [tilespmem:s19+$0x0]  }
0x16e: {  	v7 =	vld [tilespmem:s19+$0xC000]  }
0x16f: {  	v18 =	vld [tilespmem:s17+$0x10]  }
0x170: {  	v54 =	vld [tilespmem:s19+$0xC030]  }
0x171: {  	v55 =	vld [tilespmem:s19+$0x40]  }
0x172: {  	v56 =	vld [tilespmem:s19+$0xC040]  }
0x173: {  	v59 =	vld [tilespmem:s19+$0x60];
	v5 =	vmul.f32 v5, v3;
	v7 =	vmul.f32 v7, v4  }
0x174: {  	v60 =	vld [tilespmem:s19+$0xC060]  }
0x175: {  	v19 =	vld [tilespmem:s17+$0xC010];
	v6 =	vmul.f32 v6, v3;
	v5 =	vadd.f32 v7, v5;
	v7 =	vmul.f32 v54, v4  }
0x176: {  	v8 =	vld [tilespmem:s19+$0x10]  }
0x177: {  	v13 =	vld [tilespmem:s19+$0xC010];
	[tilespmem:s19+$0x0] =	vst v5;
	v5 =	vmul.f32 v55, v3;
	v6 =	vadd.f32 v7, v6;
	v7 =	vmul.f32 v56, v4  }
0x178: {  	v14 =	vld [tilespmem:s19+$0x20]  }
0x179: {  	v15 =	vld [tilespmem:s19+$0xC020];
	v61 =	vmul.f32 v60, v4;
	v5 =	vadd.f32 v7, v5;
	v7 =	vmul.f32 v59, v3  }
0x17a: {  	v57 =	vld [tilespmem:s19+$0x50]  }
0x17b: {  	s20 =	simm.s32 $0x3;
	v58 =	vld [tilespmem:s19+$0xC050];
	v7 =	vadd.f32 v61, v7  }
0x17c: {  	v30 =	vmov s20;
	s20 =	simm.s32 $0x2;
	v20 =	vld [tilespmem:s17+$0x20];
	v8 =	vmul.f32 v8, v3;
	v13 =	vmul.f32 v13, v4  }
0x17d: {  	v51 =	vld [tilespmem:s23+$0xC420];
	v14 =	vmul.f32 v14, v3;
	[tilespmem:s19+$0x60] =	vst v7;
	v7 =	vmov s20  }
0x17e: {  	v28 =	vld [tilespmem:s19+$0x70];
	v15 =	vmul.f32 v15, v4;
	v8 =	vadd.f32 v13, v8;
	v7 =	vand.u32 $0xFFFFFFFE, v7  }
0x17f: {  	v29 =	vld [tilespmem:s19+$0xC070];
	v7 =	vbroadcast v7, $0x0  }
0x180: {  	v14 =	vadd.f32 v15, v14;
	v15 =	vmul.f32 v58, v4;
	v13 =	vld [tilespmem:s17+$0x60];
	[tilespmem:s19+$0x10] =	vst v8;
	v8 =	vmul.f32 v57, v3  }
0x181: {  	v54 =	vld [tilespmem:s23+$0xC010]  }
0x182: {  	v58 =	vld [tilespmem:s23+$0xC030];
	[tilespmem:s19+$0x30] =	vst v6;
	v6 =	vadd.f32 v15, v8  }
0x183: {  	[tilespmem:s19+$0x20] =	vst v14;
	v14 =	vld [tilespmem:s17+$0xC060]  }
0x184: {  	[tilespmem:s19+$0x50] =	vst v6;
	v6 =	vld [tilespmem:s23+$0x0]  }
0x185: {  	v8 =	vld.idx.msk [tilespmem:v7+s15+$0x0], $0xffff  }
0x186: {  	v7 =	vld.idx.msk [tilespmem:v7+s16+$0x0], $0xffff  }
0x187: {  	v55 =	vld [tilespmem:s23+$0x20]  }
0x188: {  	v57 =	vld [tilespmem:s23+$0x30]  }
0x189: {  	v56 =	vld [tilespmem:s23+$0xC020]  }
0x18a: {  	[tilespmem:s19+$0x40] =	vst v5;
	v5 =	vld.idx.msk [tilespmem:v30+s15+$0x0], $0xffff;
	v6 =	vmul.f32 v6, v8  }
0x18b: {  	v15 =	vld [tilespmem:s31+$0x30];
	v31 =	vmul.f32 v62, v7;
	v32 =	vmul.f32 v63, v8  }
0x18c: {  	v33 =	vmul.f32 v54, v7;
	v59 =	vmul.f32 v38, v8;
	v38 =	vld [tilespmem:s23+$0x460]  }
0x18d: {  	v36 =	vmul.f32 v57, v8;
	v37 =	vmul.f32 v58, v7;
	v6 =	vadd.f32 v31, v6;
	v31 =	vld [tilespmem:s23+$0x430]  }
0x18e: {  	v62 =	vmul.f32 v40, v8;
	v63 =	vmul.f32 v41, v7;
	v32 =	vadd.f32 v33, v32;
	v33 =	vld [tilespmem:s23+$0xC430]  }
0x18f: {  	v34 =	vmul.f32 v55, v8;
	v35 =	vmul.f32 v56, v7;
	v61 =	vadd.f32 v37, v36;
	v36 =	vld [tilespmem:s23+$0xC440];
	[tilespmem:s23+$0x0] =	vst v6  }
0x190: {  	v55 =	vmul.f32 v44, v8;
	v56 =	vmul.f32 v45, v7;
	v54 =	vadd.f32 v63, v62;
	v37 =	vld [tilespmem:s23+$0xC450];
	[tilespmem:s23+$0x10] =	vst v32  }
0x191: {  	v60 =	vmul.f32 v39, v7;
	v52 =	vmul.f32 v42, v8;
	v62 =	vld [tilespmem:s23+$0x470];
	v6 =	vadd.f32 v35, v34;
	[tilespmem:s23+$0x30] =	vst v61  }
0x192: {  	v57 =	vmul.f32 v46, v8;
	v58 =	vmul.f32 v47, v7;
	v39 =	vadd.f32 v56, v55;
	v34 =	vld [tilespmem:s23+$0x440];
	[tilespmem:s23+$0x50] =	vst v54  }
0x193: {  	s2 =	simm.s32 $0x180;
	v53 =	vmul.f32 v43, v7;
	v63 =	vmul.f32 v50, v8;
	v35 =	vld [tilespmem:s23+$0x450];
	[tilespmem:s23+$0x20] =	vst v6;
	v6 =	vadd.f32 v60, v59  }
0x194: {  	s0 =	sand.u32 $0x380, s2;
	v61 =	vmul.f32 v49, v7;
	v32 =	vadd.f32 v58, v57;
	[tilespmem:s23+$0x70] =	vst v39;
	v49 =	vld [tilespmem:s23+$0xC470];
	v60 =	vmul.f32 v48, v8  }
0x195: {  	s18 =	sor.u32 s12, s0;
	v59 =	vld [tilespmem:s23+$0xC460];
	v48 =	vmul.f32 v51, v7;
	v50 =	vmul.f32 v31, v8;
	[tilespmem:s23+$0x40] =	vst v6;
	v6 =	vadd.f32 v53, v52  }
0x196: {  	v43 =	vld [tilespmem:s18+$0x30];
	[tilespmem:s23+$0x400] =	vst v32;
	v51 =	vmul.f32 v33, v7;
	v36 =	vmul.f32 v36, v7;
	v42 =	vadd.f32 v61, v60  }
0x197: {  	v44 =	vld [tilespmem:s18+$0xC030];
	v37 =	vmul.f32 v37, v7;
	v52 =	vadd.f32 v48, v63;
	v34 =	vmul.f32 v34, v8;
	[tilespmem:s23+$0x60] =	vst v6  }
0x198: {  	v35 =	vmul.f32 v35, v8;
	v6 =	vld.idx.msk [tilespmem:v30+s16+$0x0], $0xffff;
	[tilespmem:s23+$0x410] =	vst v42;
	v30 =	vadd.f32 v51, v50  }
0x199: {  	v56 =	vld [tilespmem:s18+$0x10];
	v60 =	vmul.f32 v62, v8;
	v39 =	vmul.f32 v49, v7;
	[tilespmem:s23+$0x420] =	vst v52;
	v55 =	vadd.f32 v36, v34  }
0x19a: {  	v54 =	vld [tilespmem:s18+$0xC000];
	v57 =	vmul.f32 v38, v8;
	v58 =	vmul.f32 v59, v7;
	v35 =	vadd.f32 v37, v35;
	[tilespmem:s23+$0x430] =	vst v30  }
0x19b: {  	v53 =	vld [tilespmem:s18+$0x0];
	v42 =	vadd.f32 v39, v60;
	[tilespmem:s23+$0x440] =	vst v55  }
0x19c: {  	v61 =	vld [tilespmem:s18+$0x20];
	v62 =	vadd.f32 v58, v57;
	[tilespmem:s23+$0x450] =	vst v35  }
0x19d: {  	s20 =	sadd.s32 $0x800, s12;
	v63 =	vld [tilespmem:s18+$0xC020];
	[tilespmem:s23+$0x470] =	vst v42  }
0x19e: {  	s22 =	sor.u32 s14, s20;
	v59 =	vld [tilespmem:s18+$0xC010];
	[tilespmem:s23+$0x460] =	vst v62  }
0x19f: {  	v35 =	vld [tilespmem:s22+$0x0]  }
0x1a0: {  	v12 =	vmul.f32 v12, v10;
	v11 =	vmul.f32 v11, v9;
	v45 =	vld [tilespmem:s22+$0xC000]  }
0x1a1: {  	v16 =	vmul.f32 v16, v9;
	v17 =	vmul.f32 v17, v10;
	v46 =	vld [tilespmem:s22+$0x10]  }
0x1a2: {  	v11 =	vadd.f32 v12, v11;
	v12 =	vmul.f32 v18, v9;
	v18 =	vmul.f32 v19, v10;
	v19 =	vld [tilespmem:s22+$0xC010]  }
0x1a3: {  	v16 =	vadd.f32 v17, v16;
	v17 =	vmul.f32 v20, v9;
	v20 =	vmul.f32 v22, v10;
	v47 =	vld [tilespmem:s22+$0x20]  }
0x1a4: {  	[tilespmem:s17+$0x70] =	vst v11;
	v11 =	vadd.f32 v18, v12;
	v12 =	vmul.f32 v21, v9;
	v18 =	vmul.f32 v23, v10;
	v48 =	vld [tilespmem:s22+$0xC020]  }
0x1a5: {  	[tilespmem:s17+$0x0] =	vst v16;
	v16 =	vadd.f32 v20, v17;
	v17 =	vmul.f32 v24, v9;
	v20 =	vmul.f32 v26, v10;
	v49 =	vld [tilespmem:s22+$0x30]  }
0x1a6: {  	[tilespmem:s17+$0x10] =	vst v11;
	v11 =	vadd.f32 v18, v12;
	v12 =	vmul.f32 v25, v9;
	v18 =	vmul.f32 v27, v10;
	v50 =	vld [tilespmem:s22+$0xC030]  }
0x1a7: {  	[tilespmem:s17+$0x20] =	vst v16;
	v16 =	vadd.f32 v20, v17;
	v17 =	vmul.f32 v28, v3;
	v20 =	vmul.f32 v29, v4;
	v51 =	vld [tilespmem:s22+$0x40]  }
0x1a8: {  	[tilespmem:s17+$0x30] =	vst v11;
	v11 =	vadd.f32 v18, v12;
	v12 =	vmul.f32 v53, v5;
	v18 =	vmul.f32 v54, v6;
	v52 =	vld [tilespmem:s22+$0xC040]  }
0x1a9: {  	[tilespmem:s17+$0x40] =	vst v16;
	v16 =	vadd.f32 v20, v17;
	v17 =	vmul.f32 v56, v5;
	v20 =	vmul.f32 v59, v6;
	v53 =	vld [tilespmem:s22+$0x50]  }
0x1aa: {  	[tilespmem:s17+$0x50] =	vst v11;
	v54 =	vld [tilespmem:s22+$0xC050];
	v11 =	vadd.f32 v18, v12;
	v12 =	vmul.f32 v61, v5;
	v18 =	vmul.f32 v63, v6  }
0x1ab: {  	[tilespmem:s19+$0x70] =	vst v16;
	v55 =	vld [tilespmem:s22+$0x60];
	v16 =	vadd.f32 v20, v17;
	v17 =	vmul.f32 v43, v5;
	v20 =	vmul.f32 v44, v6  }
0x1ac: {  	v56 =	vld [tilespmem:s22+$0xC060];
	[tilespmem:s18+$0x0] =	vst v11;
	v11 =	vadd.f32 v18, v12;
	v12 =	vmul.f32 v35, v8;
	v18 =	vmul.f32 v45, v7  }
0x1ad: {  	v57 =	vld [tilespmem:s22+$0xC070];
	[tilespmem:s18+$0x10] =	vst v16;
	v16 =	vadd.f32 v20, v17;
	v17 =	vmul.f32 v46, v8;
	v19 =	vmul.f32 v19, v7  }
0x1ae: {  	v20 =	vld [tilespmem:s22+$0x70];
	[tilespmem:s18+$0x20] =	vst v11;
	v11 =	vadd.f32 v18, v12;
	v12 =	vmul.f32 v47, v8;
	v18 =	vmul.f32 v48, v7  }
0x1af: {  	v60 =	vld [tilespmem:s18+$0xC040];
	[tilespmem:s18+$0x30] =	vst v16;
	v16 =	vadd.f32 v19, v17;
	v17 =	vmul.f32 v49, v8;
	v19 =	vmul.f32 v50, v7  }
0x1b0: {  	v58 =	vld [tilespmem:s31+$0x0];
	[tilespmem:s22+$0x0] =	vst v11;
	v11 =	vadd.f32 v18, v12;
	v12 =	vmul.f32 v51, v8;
	v18 =	vmul.f32 v52, v7  }
0x1b1: {  	v59 =	vld [tilespmem:s18+$0x40];
	[tilespmem:s22+$0x10] =	vst v16;
	v16 =	vadd.f32 v19, v17;
	v17 =	vmul.f32 v53, v8;
	v19 =	vmul.f32 v54, v7  }
0x1b2: {  	v61 =	vld [tilespmem:s18+$0x50];
	v62 =	vmul.f32 v56, v7;
	[tilespmem:s22+$0x20] =	vst v11;
	v11 =	vadd.f32 v18, v12;
	v18 =	vmul.f32 v55, v8  }
0x1b3: {  	v63 =	vld [tilespmem:s18+$0xC050];
	[tilespmem:s22+$0x30] =	vst v16;
	v16 =	vadd.f32 v19, v17;
	v17 =	vmul.f32 v20, v8;
	v19 =	vmul.f32 v57, v7  }
0x1b4: {  	v9 =	vmul.f32 v13, v9;
	v10 =	vmul.f32 v14, v10;
	v12 =	vld [tilespmem:s18+$0x60];
	[tilespmem:s22+$0x40] =	vst v11;
	v11 =	vadd.f32 v62, v18  }
0x1b5: {  	v13 =	vld [tilespmem:s18+$0xC060];
	[tilespmem:s22+$0x50] =	vst v16;
	v16 =	vadd.f32 v19, v17  }
0x1b6: {  	v14 =	vld [tilespmem:s18+$0x70];
	s23 =	sadd.s32 $0xC00, s12;
	v17 =	vadd.f32 v10, v9;
	v18 =	vmul.f32 v59, v5;
	v19 =	vmul.f32 v60, v6;
	[tilespmem:s22+$0x60] =	vst v11  }
0x1b7: {  	v9 =	vmul.f32 v15, v3;
	v10 =	vmul.f32 v58, v3;
	v15 =	vld [tilespmem:s18+$0xC070];
	[tilespmem:s22+$0x70] =	vst v16;
	s22 =	sor.u32 s14, s23  }
0x1b8: {  	s20 =	sor.u32 s0, s20;
	s19 =	sor.u32 s0, s23;
	[tilespmem:s17+$0x60] =	vst v17;
	v16 =	vmul.f32 v61, v5;
	v17 =	vadd.f32 v19, v18;
	v18 =	vmul.f32 v63, v6;
	s17 =	simm.s32 $0x4;
	v11 =	vld [tilespmem:s22+$0x0]  }
.LBB2_2:
0x1b9: {  	p0 =	slt.u32 s17, $0x3E;
	v19 =	vld [tilespmem:s22+$0xC000];
	v12 =	vmul.f32 v12, v5  }
0x1ba: {  	v20 =	vld [tilespmem:s22+$0x10];
	[tilespmem:s18+$0x40] =	vst v17;
	v16 =	vadd.f32 v18, v16;
	v13 =	vmul.f32 v13, v6  }
0x1bb: {  	v17 =	vld [tilespmem:s22+$0xC010];
	v14 =	vmul.f32 v14, v5  }
0x1bc: {  	v18 =	vld [tilespmem:s22+$0x20];
	[tilespmem:s18+$0x50] =	vst v16;
	v12 =	vadd.f32 v13, v12;
	v13 =	vmul.f32 v15, v6  }
0x1bd: {  	v15 =	vld [tilespmem:s22+$0xC020]  }
0x1be: {  	v16 =	vld [tilespmem:s22+$0x30];
	[tilespmem:s18+$0x60] =	vst v12;
	v12 =	vadd.f32 v13, v14  }
0x1bf: {  	v13 =	vld [tilespmem:s22+$0xC030]  }
0x1c0: {  	v14 =	vld [tilespmem:s22+$0x40];
	[tilespmem:s18+$0x70] =	vst v12  }
0x1c1: {  	v12 =	vld [tilespmem:s22+$0xC040]  }
0x1c2: {  	v21 =	vld [tilespmem:s22+$0x50]  }
0x1c3: {  	v22 =	vld [tilespmem:s22+$0xC050]  }
0x1c4: {  	v23 =	vld [tilespmem:s22+$0x60]  }
0x1c5: {  	v11 =	vmul.f32 v11, v8;
	v19 =	vmul.f32 v19, v7;
	v24 =	vld [tilespmem:s22+$0xC060]  }
0x1c6: {  	v20 =	vmul.f32 v20, v8;
	v17 =	vmul.f32 v17, v7;
	v25 =	vld [tilespmem:s22+$0x70]  }
0x1c7: {  	v11 =	vadd.f32 v19, v11;
	v18 =	vmul.f32 v18, v8;
	v15 =	vmul.f32 v15, v7;
	v19 =	vld [tilespmem:s22+$0xC070]  }
0x1c8: {  	v17 =	vadd.f32 v17, v20;
	v16 =	vmul.f32 v16, v8;
	v13 =	vmul.f32 v13, v7;
	v20 =	vld [tilespmem:s18+$0x400]  }
0x1c9: {  	v14 =	vmul.f32 v14, v8;
	v12 =	vmul.f32 v12, v7;
	[tilespmem:s22+$0x0] =	vst v11;
	v11 =	vadd.f32 v15, v18;
	v15 =	vld [tilespmem:s18+$0xC400]  }
0x1ca: {  	v13 =	vadd.f32 v13, v16;
	v16 =	vmul.f32 v21, v8;
	[tilespmem:s22+$0x10] =	vst v17;
	v17 =	vmul.f32 v22, v7;
	v18 =	vld [tilespmem:s18+$0x410]  }
0x1cb: {  	[tilespmem:s22+$0x20] =	vst v11;
	v11 =	vadd.f32 v12, v14;
	v12 =	vmul.f32 v23, v8;
	v14 =	vmul.f32 v24, v7;
	v21 =	vld [tilespmem:s18+$0xC410]  }
0x1cc: {  	[tilespmem:s22+$0x30] =	vst v13;
	v13 =	vadd.f32 v17, v16;
	v16 =	vmul.f32 v25, v8;
	v17 =	vmul.f32 v19, v7;
	v19 =	vld [tilespmem:s18+$0x420]  }
0x1cd: {  	[tilespmem:s22+$0x40] =	vst v11;
	v11 =	vadd.f32 v14, v12;
	v12 =	vmul.f32 v20, v5;
	v14 =	vld [tilespmem:s18+$0xC420]  }
0x1ce: {  	s21 =	sadd.s32 $0x1000, s12;
	[tilespmem:s22+$0x50] =	vst v13;
	v13 =	vadd.f32 v17, v16;
	v15 =	vmul.f32 v15, v6;
	v16 =	vld [tilespmem:s18+$0x430]  }
0x1cf: {  	s23 =	sor.u32 s14, s21;
	s21 =	sor.u32 s0, s21;
	[tilespmem:s22+$0x60] =	vst v11;
	v11 =	vmul.f32 v18, v5;
	v17 =	vld [tilespmem:s18+$0xC430]  }
0x1d0: {  	[tilespmem:s22+$0x70] =	vst v13;
	v13 =	vld [tilespmem:s23+$0x0];
	v12 =	vadd.f32 v15, v12;
	v15 =	vmul.f32 v21, v6  }
0x1d1: {  	v18 =	vld [tilespmem:s23+$0xC000];
	v19 =	vmul.f32 v19, v5  }
0x1d2: {  	v20 =	vld [tilespmem:s23+$0x10];
	[tilespmem:s18+$0x400] =	vst v12;
	v11 =	vadd.f32 v15, v11;
	v12 =	vmul.f32 v14, v6  }
0x1d3: {  	v14 =	vld [tilespmem:s23+$0xC010];
	v15 =	vmul.f32 v16, v5  }
0x1d4: {  	v16 =	vld [tilespmem:s23+$0x20];
	[tilespmem:s18+$0x410] =	vst v11;
	v11 =	vadd.f32 v12, v19;
	v12 =	vmul.f32 v17, v6  }
0x1d5: {  	v17 =	vld [tilespmem:s23+$0xC020]  }
0x1d6: {  	v19 =	vld [tilespmem:s23+$0x30];
	[tilespmem:s18+$0x420] =	vst v11;
	v11 =	vadd.f32 v12, v15  }
0x1d7: {  	v12 =	vld [tilespmem:s23+$0x40]  }
0x1d8: {  	v15 =	vld [tilespmem:s23+$0xC040];
	[tilespmem:s18+$0x430] =	vst v11  }
0x1d9: {  	v11 =	vld [tilespmem:s23+$0x50]  }
0x1da: {  	v21 =	vld [tilespmem:s23+$0xC050]  }
0x1db: {  	v22 =	vld [tilespmem:s23+$0x60]  }
0x1dc: {  	v23 =	vld [tilespmem:s23+$0xC060]  }
0x1dd: {  	v13 =	vmul.f32 v13, v8;
	v18 =	vmul.f32 v18, v7;
	v24 =	vld [tilespmem:s23+$0x70]  }
0x1de: {  	v20 =	vmul.f32 v20, v8;
	v14 =	vmul.f32 v14, v7;
	v25 =	vld [tilespmem:s23+$0xC070]  }
0x1df: {  	v13 =	vadd.f32 v18, v13;
	v16 =	vmul.f32 v16, v8;
	v17 =	vmul.f32 v17, v7;
	v18 =	vld [tilespmem:s23+$0xC030]  }
0x1e0: {  	v14 =	vadd.f32 v14, v20;
	v12 =	vmul.f32 v12, v8;
	v15 =	vmul.f32 v15, v7;
	v20 =	vld [tilespmem:s18+$0x440]  }
0x1e1: {  	v11 =	vmul.f32 v11, v8;
	[tilespmem:s23+$0x0] =	vst v13;
	v13 =	vadd.f32 v17, v16;
	v16 =	vmul.f32 v21, v7;
	v17 =	vld [tilespmem:s18+$0xC440]  }
0x1e2: {  	v12 =	vadd.f32 v15, v12;
	v15 =	vmul.f32 v23, v7;
	[tilespmem:s23+$0x10] =	vst v14;
	v14 =	vmul.f32 v22, v8;
	v21 =	vld [tilespmem:s18+$0x450]  }
0x1e3: {  	[tilespmem:s23+$0x20] =	vst v13;
	v11 =	vadd.f32 v16, v11;
	v13 =	vmul.f32 v24, v8;
	v16 =	vmul.f32 v25, v7;
	v22 =	vld [tilespmem:s18+$0xC450]  }
0x1e4: {  	v19 =	vmul.f32 v19, v8;
	v18 =	vmul.f32 v18, v7;
	[tilespmem:s23+$0x40] =	vst v12;
	v12 =	vadd.f32 v15, v14;
	v14 =	vld [tilespmem:s18+$0x460]  }
0x1e5: {  	[tilespmem:s23+$0x50] =	vst v11;
	v11 =	vadd.f32 v16, v13;
	v13 =	vmul.f32 v20, v5;
	v15 =	vld [tilespmem:s18+$0xC460]  }
0x1e6: {  	s22 =	sadd.s32 $0x1400, s12;
	v16 =	vadd.f32 v18, v19;
	[tilespmem:s23+$0x60] =	vst v12;
	v12 =	vmul.f32 v17, v6;
	v17 =	vld [tilespmem:s18+$0x470]  }
0x1e7: {  	s12 =	sor.u32 s14, s22;
	s22 =	sor.u32 s0, s22;
	[tilespmem:s23+$0x70] =	vst v11;
	v11 =	vmul.f32 v21, v5;
	v18 =	vld [tilespmem:s18+$0xC470]  }
0x1e8: {  	[tilespmem:s23+$0x30] =	vst v16;
	v16 =	vld [tilespmem:s12+$0x70];
	v12 =	vadd.f32 v12, v13;
	v13 =	vmul.f32 v22, v6  }
0x1e9: {  	v19 =	vld [tilespmem:s12+$0xC070];
	v14 =	vmul.f32 v14, v5  }
0x1ea: {  	v20 =	vld [tilespmem:s12+$0x0];
	[tilespmem:s18+$0x440] =	vst v12;
	v11 =	vadd.f32 v13, v11;
	v12 =	vmul.f32 v15, v6  }
0x1eb: {  	v13 =	vld [tilespmem:s12+$0xC000];
	v15 =	vmul.f32 v17, v5  }
0x1ec: {  	v17 =	vld [tilespmem:s12+$0x10];
	[tilespmem:s18+$0x450] =	vst v11;
	v11 =	vadd.f32 v12, v14;
	v12 =	vmul.f32 v18, v6  }
0x1ed: {  	v14 =	vld [tilespmem:s12+$0xC010]  }
0x1ee: {  	v16 =	vmul.f32 v16, v8;
	v18 =	vld [tilespmem:s12+$0x20];
	v19 =	vmul.f32 v19, v7;
	[tilespmem:s18+$0x460] =	vst v11;
	v11 =	vadd.f32 v12, v15  }
0x1ef: {  	v12 =	vmul.f32 v20, v8;
	v15 =	vld [tilespmem:s20+$0x30]  }
0x1f0: {  	v13 =	vmul.f32 v13, v7;
	v20 =	vld [tilespmem:s12+$0xC020];
	v16 =	vadd.f32 v19, v16;
	[tilespmem:s18+$0x470] =	vst v11  }
0x1f1: {  	v11 =	vmul.f32 v17, v8;
	v17 =	vld [tilespmem:s20+$0x0]  }
0x1f2: {  	v12 =	vadd.f32 v13, v12;
	v13 =	vmul.f32 v14, v7;
	[tilespmem:s12+$0x70] =	vst v16;
	v14 =	vld [tilespmem:s20+$0xC000]  }
0x1f3: {  	v16 =	vmul.f32 v18, v8;
	v18 =	vld [tilespmem:s20+$0x10]  }
0x1f4: {  	[tilespmem:s12+$0x0] =	vst v12;
	v11 =	vadd.f32 v13, v11;
	v12 =	vld [tilespmem:s20+$0xC010];
	v13 =	vmul.f32 v15, v5  }
0x1f5: {  	v15 =	vmul.f32 v20, v7;
	v19 =	vld [tilespmem:s20+$0x20]  }
0x1f6: {  	[tilespmem:s12+$0x10] =	vst v11;
	v11 =	vmul.f32 v17, v5;
	v17 =	vld [tilespmem:s20+$0xC020]  }
0x1f7: {  	v15 =	vadd.f32 v15, v16;
	v14 =	vmul.f32 v14, v6;
	v16 =	vld [tilespmem:s20+$0xC030]  }
0x1f8: {  	v18 =	vmul.f32 v18, v5;
	v20 =	vld [tilespmem:s20+$0x40]  }
0x1f9: {  	[tilespmem:s12+$0x20] =	vst v15;
	v11 =	vadd.f32 v14, v11;
	v12 =	vmul.f32 v12, v6;
	v14 =	vld [tilespmem:s20+$0xC040]  }
0x1fa: {  	v15 =	vmul.f32 v19, v5;
	v19 =	vld [tilespmem:s20+$0x50]  }
0x1fb: {  	[tilespmem:s20+$0x0] =	vst v11;
	v11 =	vadd.f32 v12, v18;
	v12 =	vmul.f32 v17, v6;
	v17 =	vld [tilespmem:s20+$0xC050]  }
0x1fc: {  	v16 =	vmul.f32 v16, v6;
	v18 =	vld [tilespmem:s20+$0x60]  }
0x1fd: {  	[tilespmem:s20+$0x10] =	vst v11;
	v11 =	vadd.f32 v12, v15;
	v12 =	vmul.f32 v20, v5;
	v15 =	vld [tilespmem:s20+$0xC060]  }
0x1fe: {  	v13 =	vadd.f32 v16, v13;
	v14 =	vmul.f32 v14, v6;
	v16 =	vld [tilespmem:s20+$0x70]  }
0x1ff: {  	[tilespmem:s20+$0x20] =	vst v11;
	v11 =	vmul.f32 v19, v5;
	v19 =	vld [tilespmem:s20+$0xC070]  }
0x200: {  	v20 =	vld [tilespmem:s12+$0x30];
	[tilespmem:s20+$0x30] =	vst v13;
	v12 =	vadd.f32 v14, v12;
	v13 =	vmul.f32 v17, v6  }
0x201: {  	v14 =	vld [tilespmem:s12+$0xC030];
	v17 =	vmul.f32 v18, v5  }
0x202: {  	v18 =	vld [tilespmem:s12+$0x40];
	[tilespmem:s20+$0x40] =	vst v12;
	v11 =	vadd.f32 v13, v11;
	v12 =	vmul.f32 v15, v6  }
0x203: {  	v13 =	vld [tilespmem:s12+$0xC040];
	v15 =	vmul.f32 v16, v5  }
0x204: {  	v16 =	vld [tilespmem:s12+$0x50];
	[tilespmem:s20+$0x50] =	vst v11;
	v11 =	vadd.f32 v12, v17;
	v12 =	vmul.f32 v19, v6  }
0x205: {  	v17 =	vmul.f32 v20, v8;
	v19 =	vld [tilespmem:s12+$0xC050]  }
0x206: {  	v14 =	vmul.f32 v14, v7;
	v20 =	vld [tilespmem:s12+$0x60];
	[tilespmem:s20+$0x60] =	vst v11;
	v11 =	vadd.f32 v12, v15  }
0x207: {  	v12 =	vmul.f32 v18, v8;
	v15 =	vld [tilespmem:s19+$0x30]  }
0x208: {  	v14 =	vadd.f32 v14, v17;
	v13 =	vmul.f32 v13, v7;
	v17 =	vld [tilespmem:s12+$0xC060];
	[tilespmem:s20+$0x70] =	vst v11  }
0x209: {  	v11 =	vmul.f32 v16, v8;
	v16 =	vld [tilespmem:s19+$0x0]  }
0x20a: {  	[tilespmem:s12+$0x30] =	vst v14;
	v12 =	vadd.f32 v13, v12;
	v13 =	vmul.f32 v19, v7;
	v14 =	vld [tilespmem:s19+$0xC000]  }
0x20b: {  	v8 =	vmul.f32 v20, v8;
	v18 =	vld [tilespmem:s19+$0x10]  }
0x20c: {  	[tilespmem:s12+$0x40] =	vst v12;
	v11 =	vadd.f32 v13, v11;
	v12 =	vld [tilespmem:s19+$0xC010];
	v13 =	vmul.f32 v15, v5  }
0x20d: {  	v7 =	vmul.f32 v17, v7;
	v15 =	vld [tilespmem:s19+$0x20]  }
0x20e: {  	[tilespmem:s12+$0x50] =	vst v11;
	v11 =	vmul.f32 v16, v5;
	v16 =	vld [tilespmem:s19+$0xC020]  }
0x20f: {  	v7 =	vadd.f32 v7, v8;
	v8 =	vmul.f32 v14, v6;
	v14 =	vld [tilespmem:s19+$0xC030]  }
0x210: {  	v17 =	vmul.f32 v18, v5;
	v18 =	vld [tilespmem:s19+$0x40]  }
0x211: {  	[tilespmem:s12+$0x60] =	vst v7;
	v7 =	vadd.f32 v8, v11;
	v8 =	vmul.f32 v12, v6;
	v11 =	vld [tilespmem:s19+$0xC040]  }
0x212: {  	v12 =	vmul.f32 v15, v5;
	v15 =	vld [tilespmem:s19+$0x50]  }
0x213: {  	[tilespmem:s19+$0x0] =	vst v7;
	v7 =	vadd.f32 v8, v17;
	v8 =	vmul.f32 v16, v6;
	v16 =	vld [tilespmem:s19+$0xC050]  }
0x214: {  	v14 =	vmul.f32 v14, v6;
	v17 =	vld [tilespmem:s19+$0x60]  }
0x215: {  	[tilespmem:s19+$0x10] =	vst v7;
	v7 =	vadd.f32 v8, v12;
	v8 =	vmul.f32 v18, v5;
	v12 =	vld [tilespmem:s19+$0xC060]  }
0x216: {  	v13 =	vadd.f32 v14, v13;
	v11 =	vmul.f32 v11, v6;
	v14 =	vld [tilespmem:s19+$0x70]  }
0x217: {  	[tilespmem:s19+$0x20] =	vst v7;
	v7 =	vmul.f32 v15, v5;
	v15 =	vld [tilespmem:s19+$0xC070]  }
0x218: {  	[tilespmem:s19+$0x30] =	vst v13;
	v8 =	vadd.f32 v11, v8;
	v11 =	vmul.f32 v16, v6;
	v13 =	vld [tilespmem:s31+$0xC000]  }
0x219: {  	v16 =	vmul.f32 v17, v5;
	v17 =	vld [tilespmem:s31+$0x10]  }
0x21a: {  	[tilespmem:s19+$0x40] =	vst v8;
	v7 =	vadd.f32 v11, v7;
	v8 =	vmul.f32 v12, v6;
	v11 =	vld [tilespmem:s31+$0xC010]  }
0x21b: {  	v12 =	vmul.f32 v14, v5;
	v14 =	vld [tilespmem:s31+$0x20]  }
0x21c: {  	[tilespmem:s19+$0x50] =	vst v7;
	v7 =	vadd.f32 v8, v16;
	v8 =	vmul.f32 v15, v6;
	v15 =	vld [tilespmem:s31+$0xC020]  }
0x21d: {  	v13 =	vmul.f32 v13, v4;
	v16 =	vld [tilespmem:s31+$0xC030]  }
0x21e: {  	[tilespmem:s19+$0x60] =	vst v7;
	v7 =	vadd.f32 v8, v12;
	v8 =	vmul.f32 v17, v3;
	v12 =	vld [tilespmem:s31+$0x40]  }
0x21f: {  	v17 =	vld [tilespmem:s21+$0x30];
	v10 =	vadd.f32 v13, v10;
	v11 =	vmul.f32 v11, v4  }
0x220: {  	[tilespmem:s19+$0x70] =	vst v7;
	v7 =	vmul.f32 v14, v3;
	v13 =	vld [tilespmem:s31+$0xC040]  }
0x221: {  	v14 =	vld [tilespmem:s21+$0x0];
	[tilespmem:s31+$0x0] =	vst v10;
	v8 =	vadd.f32 v11, v8;
	v10 =	vmul.f32 v15, v4  }
0x222: {  	v11 =	vld [tilespmem:s21+$0xC000];
	v15 =	vmul.f32 v16, v4  }
0x223: {  	v16 =	vld [tilespmem:s21+$0x10];
	[tilespmem:s31+$0x10] =	vst v8;
	v7 =	vadd.f32 v10, v7;
	v8 =	vmul.f32 v12, v3  }
0x224: {  	v10 =	vld [tilespmem:s21+$0xC010];
	v12 =	vmul.f32 v17, v5;
	v9 =	vadd.f32 v15, v9  }
0x225: {  	v15 =	vld [tilespmem:s21+$0x20];
	[tilespmem:s31+$0x20] =	vst v7;
	v7 =	vmul.f32 v13, v4  }
0x226: {  	v13 =	vmul.f32 v14, v5;
	v14 =	vld [tilespmem:s21+$0xC020];
	[tilespmem:s31+$0x30] =	vst v9  }
0x227: {  	v9 =	vmul.f32 v11, v6;
	v11 =	vld [tilespmem:s21+$0xC030];
	v7 =	vadd.f32 v7, v8  }
0x228: {  	v8 =	vmul.f32 v16, v5;
	v16 =	vld [tilespmem:s21+$0x40]  }
0x229: {  	v9 =	vadd.f32 v9, v13;
	v10 =	vmul.f32 v10, v6;
	v13 =	vld [tilespmem:s21+$0xC040];
	[tilespmem:s31+$0x40] =	vst v7  }
0x22a: {  	v7 =	vmul.f32 v15, v5;
	v15 =	vld [tilespmem:s21+$0x50]  }
0x22b: {  	[tilespmem:s21+$0x0] =	vst v9;
	v8 =	vadd.f32 v10, v8;
	v9 =	vmul.f32 v14, v6;
	v10 =	vld [tilespmem:s21+$0xC050]  }
0x22c: {  	v11 =	vmul.f32 v11, v6;
	v14 =	vld [tilespmem:s21+$0x60]  }
0x22d: {  	[tilespmem:s21+$0x10] =	vst v8;
	v7 =	vadd.f32 v9, v7;
	v8 =	vmul.f32 v16, v5;
	v9 =	vld [tilespmem:s21+$0xC060]  }
0x22e: {  	v11 =	vadd.f32 v11, v12;
	v12 =	vmul.f32 v13, v6;
	v13 =	vld [tilespmem:s21+$0x70]  }
0x22f: {  	[tilespmem:s21+$0x20] =	vst v7;
	v7 =	vmul.f32 v15, v5;
	v15 =	vld [tilespmem:s21+$0xC070]  }
0x230: {  	s0 =	sadd.s32 $0x1, s17;
	[tilespmem:s21+$0x30] =	vst v11;
	v8 =	vadd.f32 v12, v8;
	v10 =	vmul.f32 v10, v6;
	v11 =	vld [tilespmem:s31+$0x50]  }
0x231: {  	v12 =	vmov s0;
	v14 =	vmul.f32 v14, v5;
	v16 =	vld [tilespmem:s31+$0xC050]  }
0x232: {  	[tilespmem:s21+$0x40] =	vst v8;
	v7 =	vadd.f32 v10, v7;
	v8 =	vmul.f32 v9, v6;
	v9 =	vld [tilespmem:s31+$0x60]  }
0x233: {  	v10 =	vmul.f32 v13, v5;
	v13 =	vld [tilespmem:s31+$0xC060]  }
0x234: {  	[tilespmem:s21+$0x50] =	vst v7;
	v7 =	vadd.f32 v8, v14;
	v8 =	vmul.f32 v15, v6;
	v14 =	vld [tilespmem:s31+$0x70]  }
0x235: {  	v11 =	vmul.f32 v11, v3;
	v15 =	vld [tilespmem:s31+$0xC070]  }
0x236: {  	s2 =	sadd.s32 $0x100, s2;
	s0 =	sshrl.u32 s17, $0x3;
	v17 =	vld.idx.msk [tilespmem:v12+s15+$0x0], $0xffff;
	[tilespmem:s21+$0x60] =	vst v7;
	v7 =	vadd.f32 v8, v10;
	v8 =	vmul.f32 v16, v4  }
0x237: {  	s14 =	sadd.s32 $0xFFFFFF80, s2;
	s12 =	smul.u32 $0x1800, s0;
	s0 =	sand.u32 $0x380, s2;
	v10 =	vld [tilespmem:s22+$0x30];
	v9 =	vmul.f32 v9, v3  }
0x238: {  	s14 =	sand.u32 $0x300, s14;
	v12 =	vld.idx.msk [tilespmem:v12+s16+$0x0], $0xffff;
	[tilespmem:s21+$0x70] =	vst v7;
	v7 =	vadd.f32 v8, v11;
	v8 =	vmul.f32 v13, v4  }
0x239: {  	s19 =	sor.u32 s14, s12;
	s18 =	sor.u32 s12, s0;
	v11 =	vld [tilespmem:s22+$0x0];
	v13 =	vmul.f32 v14, v3;
	v3 =	vmov v5  }
0x23a: {  	v14 =	vld [tilespmem:s19+$0x0];
	[tilespmem:s31+$0x50] =	vst v7;
	v8 =	vadd.f32 v8, v9;
	v7 =	vmul.f32 v15, v4;
	v4 =	vmov v6  }
0x23b: {  	v15 =	vld [tilespmem:s19+$0xC000]  }
0x23c: {  	v5 =	vmov v17;
	v16 =	vld [tilespmem:s19+$0x10];
	v9 =	vmul.f32 v10, v3;
	[tilespmem:s31+$0x60] =	vst v8;
	v7 =	vadd.f32 v7, v13  }
0x23d: {  	v13 =	vld [tilespmem:s19+$0xC010]  }
0x23e: {  	v6 =	vmov v12;
	v17 =	vld [tilespmem:s19+$0x20];
	v10 =	vmul.f32 v11, v3;
	[tilespmem:s31+$0x70] =	vst v7;
	s31 =	smov.u32 s22  }
0x23f: {  	v11 =	vld [tilespmem:s19+$0xC020]  }
0x240: {  	v12 =	vld [tilespmem:s19+$0x30]  }
0x241: {  	v18 =	vld [tilespmem:s19+$0xC030]  }
0x242: {  	v7 =	vmov s17;
	v19 =	vld [tilespmem:s19+$0x40]  }
0x243: {  	v7 =	vand.u32 $0xFFFFFFFE, v7;
	v20 =	vld [tilespmem:s19+$0xC040]  }
0x244: {  	v7 =	vbroadcast v7, $0x0;
	v21 =	vld [tilespmem:s19+$0x50]  }
0x245: {  	v22 =	vld [tilespmem:s19+$0xC050]  }
0x246: {  	v23 =	vld [tilespmem:s19+$0x60]  }
0x247: {  	v24 =	vld [tilespmem:s19+$0xC060]  }
0x248: {  	v25 =	vld [tilespmem:s19+$0x70]  }
0x249: {  	v26 =	vld [tilespmem:s19+$0xC070]  }
0x24a: {  	v8 =	vld.idx.msk [tilespmem:v7+s15+$0x0], $0xffff  }
0x24b: {  	v7 =	vld.idx.msk [tilespmem:v7+s16+$0x0], $0xffff  }
0x24c: {  	v27 =	vld [tilespmem:s19+$0x400]  }
0x24d: {  	v28 =	vld [tilespmem:s19+$0xC400]  }
0x24e: {  	v29 =	vld [tilespmem:s19+$0x410]  }
0x24f: {  	v30 =	vld [tilespmem:s19+$0xC410]  }
0x250: {  	v31 =	vld [tilespmem:s19+$0x420]  }
0x251: {  	v14 =	vmul.f32 v14, v8;
	v15 =	vmul.f32 v15, v7;
	v32 =	vld [tilespmem:s19+$0xC420]  }
0x252: {  	v16 =	vmul.f32 v16, v8;
	v13 =	vmul.f32 v13, v7;
	v33 =	vld [tilespmem:s19+$0x430]  }
0x253: {  	v11 =	vmul.f32 v11, v7;
	v14 =	vadd.f32 v15, v14;
	v15 =	vmul.f32 v17, v8;
	v17 =	vld [tilespmem:s19+$0xC430]  }
0x254: {  	v12 =	vmul.f32 v12, v8;
	v13 =	vadd.f32 v13, v16;
	v16 =	vmul.f32 v18, v7;
	v18 =	vld [tilespmem:s19+$0x440]  }
0x255: {  	v11 =	vadd.f32 v11, v15;
	v15 =	vmul.f32 v20, v7;
	[tilespmem:s19+$0x0] =	vst v14;
	v14 =	vmul.f32 v19, v8;
	v19 =	vld [tilespmem:s19+$0xC440]  }
0x256: {  	v12 =	vadd.f32 v16, v12;
	v16 =	vmul.f32 v22, v7;
	[tilespmem:s19+$0x10] =	vst v13;
	v13 =	vmul.f32 v21, v8;
	v20 =	vld [tilespmem:s19+$0x450]  }
0x257: {  	[tilespmem:s19+$0x20] =	vst v11;
	v11 =	vadd.f32 v15, v14;
	v14 =	vmul.f32 v23, v8;
	v15 =	vmul.f32 v24, v7;
	v21 =	vld [tilespmem:s19+$0xC450]  }
0x258: {  	[tilespmem:s19+$0x30] =	vst v12;
	v12 =	vadd.f32 v16, v13;
	v13 =	vmul.f32 v25, v8;
	v16 =	vmul.f32 v26, v7;
	v22 =	vld [tilespmem:s19+$0x460]  }
0x259: {  	[tilespmem:s19+$0x40] =	vst v11;
	v11 =	vadd.f32 v15, v14;
	v14 =	vmul.f32 v27, v8;
	v15 =	vmul.f32 v28, v7;
	v23 =	vld [tilespmem:s19+$0xC460]  }
0x25a: {  	[tilespmem:s19+$0x50] =	vst v12;
	v12 =	vadd.f32 v16, v13;
	v13 =	vmul.f32 v29, v8;
	v16 =	vmul.f32 v30, v7;
	v24 =	vld [tilespmem:s19+$0x470]  }
0x25b: {  	[tilespmem:s19+$0x60] =	vst v11;
	v11 =	vadd.f32 v15, v14;
	v14 =	vmul.f32 v31, v8;
	v15 =	vmul.f32 v32, v7;
	v25 =	vld [tilespmem:s19+$0xC470]  }
0x25c: {  	[tilespmem:s19+$0x70] =	vst v12;
	v12 =	vadd.f32 v16, v13;
	v13 =	vmul.f32 v33, v8;
	v16 =	vmul.f32 v17, v7;
	v17 =	vld [tilespmem:s18+$0x0]  }
0x25d: {  	[tilespmem:s19+$0x400] =	vst v11;
	v11 =	vadd.f32 v15, v14;
	v14 =	vmul.f32 v18, v8;
	v15 =	vmul.f32 v19, v7;
	v18 =	vld [tilespmem:s18+$0xC000]  }
0x25e: {  	[tilespmem:s19+$0x410] =	vst v12;
	v12 =	vadd.f32 v16, v13;
	v13 =	vmul.f32 v20, v8;
	v16 =	vmul.f32 v21, v7;
	v19 =	vld [tilespmem:s18+$0x10]  }
0x25f: {  	[tilespmem:s19+$0x420] =	vst v11;
	v11 =	vadd.f32 v15, v14;
	v14 =	vmul.f32 v22, v8;
	v15 =	vmul.f32 v23, v7;
	v20 =	vld [tilespmem:s18+$0xC010]  }
0x260: {  	[tilespmem:s19+$0x430] =	vst v12;
	v12 =	vadd.f32 v16, v13;
	v13 =	vmul.f32 v24, v8;
	v16 =	vmul.f32 v25, v7;
	v21 =	vld [tilespmem:s18+$0x20]  }
0x261: {  	[tilespmem:s19+$0x440] =	vst v11;
	v11 =	vadd.f32 v15, v14;
	v14 =	vmul.f32 v17, v5;
	v15 =	vld [tilespmem:s18+$0xC020]  }
0x262: {  	s20 =	sadd.s32 $0x800, s12;
	[tilespmem:s19+$0x450] =	vst v12;
	v12 =	vadd.f32 v16, v13;
	v13 =	vmul.f32 v18, v6;
	v16 =	vld [tilespmem:s18+$0x30]  }
0x263: {  	s21 =	sor.u32 s14, s20;
	s20 =	sor.u32 s0, s20;
	[tilespmem:s19+$0x460] =	vst v11;
	v11 =	vmul.f32 v19, v5;
	v17 =	vld [tilespmem:s18+$0xC030]  }
0x264: {  	[tilespmem:s19+$0x470] =	vst v12;
	v12 =	vld [tilespmem:s21+$0x0];
	v13 =	vadd.f32 v13, v14;
	v14 =	vmul.f32 v20, v6  }
0x265: {  	v18 =	vld [tilespmem:s21+$0xC000];
	v19 =	vmul.f32 v21, v5  }
0x266: {  	v20 =	vld [tilespmem:s21+$0x10];
	[tilespmem:s18+$0x0] =	vst v13;
	v11 =	vadd.f32 v14, v11;
	v13 =	vmul.f32 v15, v6  }
0x267: {  	v14 =	vld [tilespmem:s21+$0xC010];
	v15 =	vmul.f32 v16, v5  }
0x268: {  	v16 =	vld [tilespmem:s21+$0x20];
	[tilespmem:s18+$0x10] =	vst v11;
	v11 =	vadd.f32 v13, v19;
	v13 =	vmul.f32 v17, v6  }
0x269: {  	v17 =	vld [tilespmem:s21+$0xC020]  }
0x26a: {  	v19 =	vld [tilespmem:s21+$0x30];
	[tilespmem:s18+$0x20] =	vst v11;
	v11 =	vadd.f32 v13, v15  }
0x26b: {  	v13 =	vld [tilespmem:s21+$0xC030]  }
0x26c: {  	v15 =	vld [tilespmem:s21+$0x40];
	[tilespmem:s18+$0x30] =	vst v11  }
0x26d: {  	v11 =	vld [tilespmem:s21+$0xC040]  }
0x26e: {  	v21 =	vld [tilespmem:s21+$0x50]  }
0x26f: {  	v22 =	vld [tilespmem:s21+$0xC050]  }
0x270: {  	v23 =	vld [tilespmem:s21+$0x60]  }
0x271: {  	v12 =	vmul.f32 v12, v8;
	v18 =	vmul.f32 v18, v7;
	v24 =	vld [tilespmem:s21+$0xC060]  }
0x272: {  	v20 =	vmul.f32 v20, v8;
	v14 =	vmul.f32 v14, v7;
	v25 =	vld [tilespmem:s21+$0x70]  }
0x273: {  	v12 =	vadd.f32 v18, v12;
	v16 =	vmul.f32 v16, v8;
	v17 =	vmul.f32 v17, v7;
	v18 =	vld [tilespmem:s21+$0xC070]  }
0x274: {  	v14 =	vadd.f32 v14, v20;
	v19 =	vmul.f32 v19, v8;
	v13 =	vmul.f32 v13, v7;
	v20 =	vld [tilespmem:s18+$0x40]  }
0x275: {  	v15 =	vmul.f32 v15, v8;
	v11 =	vmul.f32 v11, v7;
	[tilespmem:s21+$0x0] =	vst v12;
	v12 =	vadd.f32 v17, v16;
	v16 =	vld [tilespmem:s18+$0xC040]  }
0x276: {  	v13 =	vadd.f32 v13, v19;
	v17 =	vmul.f32 v22, v7;
	[tilespmem:s21+$0x10] =	vst v14;
	v14 =	vmul.f32 v21, v8;
	v19 =	vld [tilespmem:s18+$0x50]  }
0x277: {  	v11 =	vadd.f32 v11, v15;
	v15 =	vmul.f32 v23, v8;
	v21 =	vmul.f32 v24, v7;
	[tilespmem:s21+$0x20] =	vst v12;
	v22 =	vld [tilespmem:s18+$0xC050]  }
.Ltmp0:
0x278: {  	[tilespmem:s21+$0x30] =	vst v13;
	v14 =	vadd.f32 v17, v14;
	v17 =	vmul.f32 v25, v8;
	v18 =	vmul.f32 v18, v7;
	v12 =	vld [tilespmem:s18+$0x60];
	(pc) =	sbr.rel @p0 .LBB2_2-.Ltmp0, $4  }
0x279: {  	[tilespmem:s21+$0x40] =	vst v11;
	v11 =	vadd.f32 v21, v15;
	v20 =	vmul.f32 v20, v5;
	v13 =	vld [tilespmem:s18+$0xC060]  }
0x27a: {  	s19 =	sadd.s32 $0xC00, s12;
	[tilespmem:s21+$0x50] =	vst v14;
	v17 =	vadd.f32 v18, v17;
	v18 =	vmul.f32 v16, v6;
	v14 =	vld [tilespmem:s18+$0x70]  }
0x27b: {  	s22 =	sor.u32 s14, s19;
	s19 =	sor.u32 s0, s19;
	[tilespmem:s21+$0x60] =	vst v11;
	v16 =	vmul.f32 v19, v5;
	v15 =	vld [tilespmem:s18+$0xC070]  }
0x27c: {  	s17 =	sadd.s32 $0x2, s17;
	[tilespmem:s21+$0x70] =	vst v17;
	v11 =	vld [tilespmem:s22+$0x0];
	v17 =	vadd.f32 v18, v20;
	v18 =	vmul.f32 v22, v6  }
0x27d: {  	v19 =	vld [tilespmem:s22+$0xC000]  }
0x27e: {  	v20 =	vld [tilespmem:s22+$0x10]  }
0x27f: {  	v21 =	vld [tilespmem:s22+$0xC010]  }
0x280: {  	v22 =	vld [tilespmem:s22+$0x20]  }
0x281: {  	v23 =	vld [tilespmem:s22+$0xC020]  }
0x282: {  	v24 =	vld [tilespmem:s22+$0x30]  }
0x283: {  	v25 =	vld [tilespmem:s22+$0xC030]  }
0x284: {  	v26 =	vld [tilespmem:s22+$0x40]  }
0x285: {  	v27 =	vld [tilespmem:s22+$0xC040]  }
0x286: {  	v28 =	vld [tilespmem:s22+$0x50]  }
0x287: {  	v46 =	vld [tilespmem:s22+$0xC050]  }
0x288: {  	v47 =	vld [tilespmem:s22+$0x60]  }
0x289: {  	v49 =	vld [tilespmem:s22+$0xC060]  }
0x28a: {  	v52 =	vld [tilespmem:s22+$0x70]  }
0x28b: {  	v55 =	vld [tilespmem:s22+$0xC070]  }
0x28c: {  	v58 =	vld [tilespmem:s18+$0x400]  }
0x28d: {  	v62 =	vld [tilespmem:s18+$0xC400]  }
0x28e: {  	v12 =	vmul.f32 v12, v5;
	v32 =	vld [tilespmem:s18+$0x420];
	v13 =	vmul.f32 v13, v6  }
0x28f: {  	v34 =	vld [tilespmem:s18+$0xC420];
	v11 =	vmul.f32 v11, v8;
	v48 =	vmul.f32 v19, v7  }
0x290: {  	v36 =	vld [tilespmem:s18+$0x430];
	v16 =	vadd.f32 v18, v16;
	v50 =	vmul.f32 v20, v8;
	v51 =	vmul.f32 v21, v7  }
0x291: {  	v37 =	vld [tilespmem:s18+$0xC430];
	v12 =	vadd.f32 v13, v12;
	v53 =	vmul.f32 v22, v8;
	v54 =	vmul.f32 v23, v7  }
0x292: {  	v56 =	vmul.f32 v24, v8;
	v57 =	vmul.f32 v25, v7;
	v25 =	vld [tilespmem:s18+$0x410];
	v11 =	vadd.f32 v48, v11  }
0x293: {  	[tilespmem:s18+$0x60] =	vst v12;
	v60 =	vmul.f32 v26, v8;
	v24 =	vmul.f32 v28, v8;
	v28 =	vld [tilespmem:s18+$0xC410];
	v12 =	vadd.f32 v51, v50  }
0x294: {  	v61 =	vmul.f32 v27, v7;
	v27 =	vmul.f32 v49, v7;
	v49 =	vld [tilespmem:s18+$0x440];
	v59 =	vadd.f32 v54, v53;
	[tilespmem:s22+$0x0] =	vst v11  }
0x295: {  	v18 =	vmul.f32 v46, v7;
	v30 =	vmul.f32 v52, v8;
	v52 =	vld [tilespmem:s18+$0xC450];
	v63 =	vadd.f32 v57, v56;
	[tilespmem:s22+$0x10] =	vst v12  }
0x296: {  	v13 =	vmul.f32 v47, v8;
	v31 =	vmul.f32 v55, v7;
	v55 =	vld [tilespmem:s18+$0x470];
	v26 =	vadd.f32 v61, v60;
	[tilespmem:s22+$0x20] =	vst v59  }
0x297: {  	v29 =	vadd.f32 v18, v24;
	v50 =	vld [tilespmem:s18+$0xC440];
	[tilespmem:s22+$0x30] =	vst v63  }
0x298: {  	v33 =	vadd.f32 v27, v13;
	v51 =	vld [tilespmem:s18+$0x450];
	[tilespmem:s22+$0x40] =	vst v26  }
0x299: {  	v35 =	vadd.f32 v31, v30;
	v53 =	vld [tilespmem:s18+$0x460];
	[tilespmem:s22+$0x50] =	vst v29  }
0x29a: {  	s17 =	sadd.s32 $0x1000, s12;
	v54 =	vld [tilespmem:s18+$0xC460];
	[tilespmem:s22+$0x60] =	vst v33  }
0x29b: {  	s21 =	sor.u32 s14, s17;
	v56 =	vld [tilespmem:s18+$0xC470];
	[tilespmem:s22+$0x70] =	vst v35  }
0x29c: {  	v40 =	vld [tilespmem:s21+$0x0]  }
0x29d: {  	v42 =	vld [tilespmem:s21+$0xC000]  }
0x29e: {  	v44 =	vld [tilespmem:s21+$0x10]  }
0x29f: {  	v14 =	vmul.f32 v14, v5;
	v15 =	vmul.f32 v15, v6;
	v45 =	vld [tilespmem:s21+$0xC010]  }
0x2a0: {  	v46 =	vld [tilespmem:s21+$0x20]  }
0x2a1: {  	v14 =	vadd.f32 v15, v14;
	v47 =	vld [tilespmem:s21+$0xC020]  }
0x2a2: {  	v38 =	vmul.f32 v58, v5;
	v39 =	vmul.f32 v62, v6;
	v48 =	vld [tilespmem:s21+$0x40]  }
0x2a3: {  	[tilespmem:s18+$0x70] =	vst v14;
	v14 =	vmul.f32 v36, v5;
	v11 =	vmul.f32 v37, v6;
	v57 =	vld [tilespmem:s21+$0xC040]  }
0x2a4: {  	[tilespmem:s18+$0x40] =	vst v17;
	v43 =	vmul.f32 v32, v5;
	v13 =	vmul.f32 v34, v6;
	v12 =	vadd.f32 v39, v38;
	v31 =	vld [tilespmem:s21+$0x70]  }
0x2a5: {  	[tilespmem:s18+$0x50] =	vst v16;
	v41 =	vmul.f32 v25, v5;
	v15 =	vmul.f32 v28, v6;
	v32 =	vld [tilespmem:s21+$0xC070];
	v11 =	vadd.f32 v11, v14  }
0x2a6: {  	v13 =	vadd.f32 v13, v43;
	v58 =	vld [tilespmem:s21+$0x50];
	v22 =	vmul.f32 v52, v6;
	[tilespmem:s18+$0x400] =	vst v12;
	v21 =	vmul.f32 v51, v5  }
0x2a7: {  	v29 =	vld [tilespmem:s21+$0xC050];
	v15 =	vadd.f32 v15, v41;
	v16 =	vmul.f32 v50, v6;
	[tilespmem:s18+$0x430] =	vst v11;
	v11 =	vmul.f32 v49, v5  }
0x2a8: {  	v61 =	vld [tilespmem:s21+$0x60];
	[tilespmem:s18+$0x420] =	vst v13;
	v59 =	vmul.f32 v53, v5;
	v60 =	vmul.f32 v54, v6;
	v21 =	vadd.f32 v22, v21  }
0x2a9: {  	v62 =	vld [tilespmem:s21+$0xC060];
	v63 =	vmul.f32 v55, v5;
	v30 =	vmul.f32 v56, v6;
	[tilespmem:s18+$0x410] =	vst v15;
	v11 =	vadd.f32 v16, v11  }
0x2aa: {  	v36 =	vld [tilespmem:s21+$0xC030];
	v16 =	vadd.f32 v60, v59;
	v50 =	vmul.f32 v31, v8;
	v51 =	vmul.f32 v32, v7;
	[tilespmem:s18+$0x450] =	vst v21  }
0x2ab: {  	v14 =	vld [tilespmem:s21+$0x30];
	[tilespmem:s18+$0x440] =	vst v11;
	v11 =	vadd.f32 v30, v63  }
0x2ac: {  	[tilespmem:s18+$0x460] =	vst v16;
	v55 =	vadd.f32 v51, v50;
	v50 =	vld [tilespmem:s31+$0x10]  }
0x2ad: {  	v35 =	vld [tilespmem:s20+$0x30];
	[tilespmem:s18+$0x470] =	vst v11  }
0x2ae: {  	v38 =	vld [tilespmem:s20+$0x0]  }
0x2af: {  	v41 =	vld [tilespmem:s20+$0xC000]  }
0x2b0: {  	v33 =	vmul.f32 v40, v8;
	v19 =	vmul.f32 v45, v7;
	v45 =	vld [tilespmem:s20+$0x10]  }
0x2b1: {  	v34 =	vmul.f32 v42, v7;
	v13 =	vmul.f32 v48, v8;
	v48 =	vld [tilespmem:s20+$0xC010]  }
0x2b2: {  	v18 =	vmul.f32 v44, v8;
	v52 =	vld [tilespmem:s20+$0x20]  }
0x2b3: {  	v12 =	vmul.f32 v46, v8;
	v15 =	vmul.f32 v47, v7;
	v37 =	vadd.f32 v34, v33;
	v54 =	vld [tilespmem:s20+$0xC020]  }
0x2b4: {  	v40 =	vmul.f32 v57, v7;
	v43 =	vmul.f32 v58, v8;
	v39 =	vadd.f32 v19, v18;
	v58 =	vld [tilespmem:s20+$0xC030]  }
0x2b5: {  	v44 =	vmul.f32 v29, v7;
	v42 =	vadd.f32 v15, v12;
	[tilespmem:s21+$0x0] =	vst v37;
	v59 =	vld [tilespmem:s20+$0x40]  }
0x2b6: {  	v46 =	vmul.f32 v61, v8;
	v47 =	vmul.f32 v62, v7;
	v13 =	vadd.f32 v40, v13;
	[tilespmem:s21+$0x10] =	vst v39;
	v60 =	vld [tilespmem:s20+$0xC040]  }
0x2b7: {  	v49 =	vadd.f32 v44, v43;
	[tilespmem:s21+$0x20] =	vst v42;
	v63 =	vld [tilespmem:s20+$0x50]  }
0x2b8: {  	v23 =	vmul.f32 v36, v7;
	v14 =	vmul.f32 v14, v8;
	v53 =	vadd.f32 v47, v46;
	[tilespmem:s21+$0x40] =	vst v13;
	v28 =	vld [tilespmem:s20+$0xC050]  }
0x2b9: {  	[tilespmem:s21+$0x50] =	vst v49;
	v30 =	vld [tilespmem:s20+$0x60]  }
0x2ba: {  	v14 =	vadd.f32 v23, v14;
	[tilespmem:s21+$0x60] =	vst v53;
	v31 =	vld [tilespmem:s20+$0xC060]  }
0x2bb: {  	s18 =	sadd.s32 $0x1400, s12;
	[tilespmem:s21+$0x70] =	vst v55;
	v32 =	vld [tilespmem:s20+$0x70]  }
0x2bc: {  	s2 =	sor.u32 s14, s18;
	[tilespmem:s21+$0x30] =	vst v14;
	v33 =	vld [tilespmem:s20+$0xC070]  }
0x2bd: {  	v11 =	vld [tilespmem:s2+$0x70]  }
0x2be: {  	v15 =	vld [tilespmem:s2+$0x10];
	v56 =	vmul.f32 v38, v5;
	v57 =	vmul.f32 v41, v6  }
0x2bf: {  	v61 =	vmul.f32 v45, v5;
	v29 =	vmul.f32 v52, v5;
	v52 =	vld [tilespmem:s31+$0xC010]  }
0x2c0: {  	v62 =	vmul.f32 v48, v6;
	v17 =	vmul.f32 v54, v6;
	v54 =	vld [tilespmem:s31+$0x20]  }
0x2c1: {  	v20 =	vmul.f32 v35, v5;
	v16 =	vmul.f32 v58, v6;
	v58 =	vld [tilespmem:s31+$0x40];
	v12 =	vadd.f32 v57, v56  }
0x2c2: {  	v34 =	vmul.f32 v60, v6;
	v60 =	vld [tilespmem:s31+$0xC040];
	v13 =	vadd.f32 v62, v61  }
0x2c3: {  	v18 =	vmul.f32 v59, v5;
	v14 =	vadd.f32 v17, v29;
	v20 =	vadd.f32 v16, v20;
	v16 =	vld [tilespmem:s2+$0xC010];
	[tilespmem:s20+$0x0] =	vst v12  }
0x2c4: {  	v19 =	vmul.f32 v63, v5;
	v22 =	vmul.f32 v28, v6;
	v17 =	vld [tilespmem:s2+$0x20];
	[tilespmem:s20+$0x10] =	vst v13  }
0x2c5: {  	v21 =	vmul.f32 v30, v5;
	v35 =	vmul.f32 v31, v6;
	v25 =	vadd.f32 v34, v18;
	v18 =	vld [tilespmem:s2+$0xC020];
	[tilespmem:s20+$0x20] =	vst v14  }
0x2c6: {  	v37 =	vmul.f32 v32, v5;
	v38 =	vmul.f32 v33, v6;
	v36 =	vadd.f32 v22, v19;
	v19 =	vld [tilespmem:s2+$0x30];
	[tilespmem:s20+$0x30] =	vst v20  }
0x2c7: {  	v21 =	vadd.f32 v35, v21;
	v35 =	vld [tilespmem:s31+$0xC000];
	[tilespmem:s20+$0x40] =	vst v25  }
0x2c8: {  	v22 =	vadd.f32 v38, v37;
	v56 =	vld [tilespmem:s31+$0xC020];
	[tilespmem:s20+$0x50] =	vst v36  }
0x2c9: {  	v57 =	vld [tilespmem:s31+$0xC030];
	[tilespmem:s20+$0x60] =	vst v21  }
0x2ca: {  	v25 =	vld [tilespmem:s19+$0x30];
	[tilespmem:s20+$0x70] =	vst v22  }
0x2cb: {  	v22 =	vld [tilespmem:s19+$0x0]  }
0x2cc: {  	v39 =	vld [tilespmem:s19+$0xC000]  }
0x2cd: {  	v40 =	vld [tilespmem:s19+$0x10]  }
0x2ce: {  	v41 =	vld [tilespmem:s19+$0xC010]  }
0x2cf: {  	v42 =	vld [tilespmem:s19+$0x20]  }
0x2d0: {  	v43 =	vld [tilespmem:s19+$0xC020]  }
0x2d1: {  	v44 =	vld [tilespmem:s19+$0xC030]  }
0x2d2: {  	v30 =	vld [tilespmem:s19+$0x40]  }
0x2d3: {  	v31 =	vld [tilespmem:s19+$0xC040]  }
0x2d4: {  	v32 =	vld [tilespmem:s19+$0x50]  }
0x2d5: {  	v45 =	vld [tilespmem:s19+$0xC050]  }
0x2d6: {  	v33 =	vld [tilespmem:s19+$0x60]  }
0x2d7: {  	v46 =	vld [tilespmem:s19+$0xC060];
	v22 =	vmul.f32 v22, v5;
	v23 =	vmul.f32 v39, v6  }
0x2d8: {  	v34 =	vld [tilespmem:s19+$0x70];
	v24 =	vmul.f32 v40, v5;
	v26 =	vmul.f32 v41, v6  }
0x2d9: {  	v48 =	vld [tilespmem:s19+$0xC070];
	v27 =	vmul.f32 v42, v5;
	v28 =	vmul.f32 v43, v6;
	v23 =	vadd.f32 v23, v22  }
0x2da: {  	v12 =	vld [tilespmem:s2+$0xC070];
	v25 =	vmul.f32 v25, v5;
	v47 =	vmul.f32 v44, v6;
	v24 =	vadd.f32 v26, v24  }
0x2db: {  	v13 =	vld [tilespmem:s2+$0x0];
	v30 =	vmul.f32 v30, v5;
	v31 =	vmul.f32 v31, v6;
	v27 =	vadd.f32 v28, v27;
	[tilespmem:s19+$0x0] =	vst v23  }
0x2dc: {  	v14 =	vld [tilespmem:s2+$0xC000];
	v49 =	vmul.f32 v32, v5;
	v25 =	vadd.f32 v47, v25;
	v26 =	vmul.f32 v45, v6;
	[tilespmem:s19+$0x10] =	vst v24  }
0x2dd: {  	v20 =	vld [tilespmem:s2+$0xC030];
	v51 =	vmul.f32 v33, v5;
	v30 =	vadd.f32 v31, v30;
	v28 =	vmul.f32 v46, v6;
	[tilespmem:s19+$0x20] =	vst v27  }
0x2de: {  	v21 =	vld [tilespmem:s2+$0x40];
	v55 =	vmul.f32 v34, v5;
	v29 =	vmul.f32 v48, v6;
	[tilespmem:s19+$0x30] =	vst v25;
	v53 =	vadd.f32 v26, v49  }
0x2df: {  	v22 =	vld [tilespmem:s2+$0xC040];
	[tilespmem:s19+$0x40] =	vst v30;
	v28 =	vadd.f32 v28, v51  }
0x2e0: {  	v23 =	vld [tilespmem:s2+$0x50];
	v27 =	vadd.f32 v29, v55;
	[tilespmem:s19+$0x50] =	vst v53  }
0x2e1: {  	s22 =	sor.u32 s0, s17;
	v24 =	vld [tilespmem:s2+$0xC050];
	[tilespmem:s19+$0x60] =	vst v28  }
0x2e2: {  	v59 =	vld [tilespmem:s22+$0x30];
	[tilespmem:s19+$0x70] =	vst v27  }
0x2e3: {  	v61 =	vld [tilespmem:s22+$0x0]  }
0x2e4: {  	v62 =	vld [tilespmem:s22+$0xC000]  }
0x2e5: {  	v36 =	vld [tilespmem:s22+$0x10]  }
0x2e6: {  	v37 =	vld [tilespmem:s22+$0xC010]  }
0x2e7: {  	v38 =	vld [tilespmem:s22+$0x20]  }
0x2e8: {  	v39 =	vld [tilespmem:s22+$0xC020]  }
0x2e9: {  	v40 =	vld [tilespmem:s22+$0xC030]  }
0x2ea: {  	v35 =	vmul.f32 v35, v4;
	v41 =	vld [tilespmem:s22+$0x40]  }
0x2eb: {  	v32 =	vmul.f32 v50, v3;
	v33 =	vmul.f32 v52, v4;
	v63 =	vld [tilespmem:s22+$0xC040]  }
0x2ec: {  	v44 =	vmul.f32 v58, v3;
	v26 =	vmul.f32 v54, v3;
	v42 =	vld [tilespmem:s22+$0x50]  }
0x2ed: {  	v10 =	vadd.f32 v35, v10;
	v30 =	vmul.f32 v56, v4;
	v25 =	vmul.f32 v57, v4;
	v45 =	vld [tilespmem:s22+$0xC050]  }
0x2ee: {  	v32 =	vadd.f32 v33, v32;
	v27 =	vmul.f32 v60, v4;
	v48 =	vld [tilespmem:s22+$0x60];
	v57 =	vmul.f32 v59, v5  }
0x2ef: {  	v43 =	vadd.f32 v30, v26;
	v52 =	vld [tilespmem:s22+$0xC060];
	v46 =	vmul.f32 v61, v5;
	v47 =	vmul.f32 v62, v6  }
0x2f0: {  	v9 =	vadd.f32 v25, v9;
	v56 =	vld [tilespmem:s22+$0x70];
	v50 =	vmul.f32 v36, v5;
	v51 =	vmul.f32 v37, v6  }
0x2f1: {  	[tilespmem:s31+$0x0] =	vst v10;
	v59 =	vld [tilespmem:s22+$0xC070];
	v54 =	vmul.f32 v38, v5;
	v55 =	vmul.f32 v39, v6;
	v53 =	vadd.f32 v47, v46  }
0x2f2: {  	[tilespmem:s31+$0x10] =	vst v32;
	v25 =	vld [tilespmem:s2+$0x60];
	v49 =	vadd.f32 v27, v44;
	v58 =	vmul.f32 v40, v6;
	v26 =	vadd.f32 v51, v50  }
0x2f3: {  	v61 =	vmul.f32 v41, v5;
	v35 =	vmul.f32 v63, v6;
	v36 =	vld [tilespmem:s31+$0x50];
	v60 =	vadd.f32 v55, v54;
	[tilespmem:s22+$0x0] =	vst v53  }
0x2f4: {  	v62 =	vmul.f32 v42, v5;
	v28 =	vmul.f32 v45, v6;
	v37 =	vld [tilespmem:s31+$0xC050];
	v10 =	vadd.f32 v58, v57;
	[tilespmem:s22+$0x10] =	vst v26  }
0x2f5: {  	v31 =	vmul.f32 v48, v5;
	v32 =	vmul.f32 v52, v6;
	v38 =	vld [tilespmem:s31+$0x60];
	v63 =	vadd.f32 v35, v61;
	[tilespmem:s22+$0x20] =	vst v60  }
0x2f6: {  	v39 =	vmul.f32 v56, v5;
	v40 =	vld [tilespmem:s31+$0xC060];
	v27 =	vadd.f32 v28, v62;
	[tilespmem:s22+$0x30] =	vst v10;
	v29 =	vmul.f32 v59, v6  }
0x2f7: {  	v41 =	vld [tilespmem:s31+$0x70];
	v31 =	vadd.f32 v32, v31;
	[tilespmem:s22+$0x40] =	vst v63  }
0x2f8: {  	v42 =	vld [tilespmem:s31+$0xC070];
	[tilespmem:s22+$0x50] =	vst v27;
	v28 =	vadd.f32 v29, v39  }
0x2f9: {  	s23 =	sor.u32 s0, s18;
	v26 =	vld [tilespmem:s2+$0xC060];
	[tilespmem:s22+$0x60] =	vst v31  }
0x2fa: {  	v29 =	vld [tilespmem:s23+$0x30];
	[tilespmem:s22+$0x70] =	vst v28  }
0x2fb: {  	v11 =	vmul.f32 v11, v8;
	v12 =	vmul.f32 v12, v7;
	v28 =	vld [tilespmem:s23+$0x0]  }
0x2fc: {  	v13 =	vmul.f32 v13, v8;
	v14 =	vmul.f32 v14, v7;
	[tilespmem:s31+$0x20] =	vst v43;
	v43 =	vld [tilespmem:s23+$0xC000]  }
0x2fd: {  	v11 =	vadd.f32 v12, v11;
	v44 =	vld [tilespmem:s23+$0x10]  }
0x2fe: {  	v13 =	vadd.f32 v14, v13;
	[tilespmem:s31+$0x40] =	vst v49;
	v49 =	vmul.f32 v18, v7;
	v48 =	vmul.f32 v17, v8;
	v47 =	vld [tilespmem:s23+$0xC010]  }
0x2ff: {  	[tilespmem:s2+$0x70] =	vst v11;
	v45 =	vmul.f32 v15, v8;
	v46 =	vmul.f32 v16, v7;
	v50 =	vld [tilespmem:s23+$0x20]  }
0x300: {  	[tilespmem:s2+$0x0] =	vst v13;
	v56 =	vmul.f32 v21, v8;
	v55 =	vadd.f32 v49, v48;
	v57 =	vmul.f32 v22, v7;
	v54 =	vld [tilespmem:s23+$0xC020]  }
0x301: {  	[tilespmem:s31+$0x30] =	vst v9;
	v52 =	vmul.f32 v19, v8;
	v51 =	vadd.f32 v46, v45;
	v53 =	vmul.f32 v20, v7;
	v58 =	vld [tilespmem:s23+$0xC030]  }
0x302: {  	v61 =	vmul.f32 v24, v7;
	v60 =	vmul.f32 v23, v8;
	[tilespmem:s2+$0x20] =	vst v55;
	v63 =	vadd.f32 v57, v56;
	v62 =	vld [tilespmem:s23+$0x40]  }
0x303: {  	v22 =	vmul.f32 v25, v8;
	[tilespmem:s2+$0x10] =	vst v51;
	v59 =	vadd.f32 v53, v52;
	v23 =	vmul.f32 v26, v7;
	v24 =	vld [tilespmem:s23+$0xC040]  }
0x304: {  	v10 =	vmul.f32 v37, v4;
	v25 =	vadd.f32 v61, v60;
	[tilespmem:s2+$0x40] =	vst v63;
	v26 =	vmul.f32 v36, v3;
	v30 =	vld [tilespmem:s23+$0x50]  }
0x305: {  	v35 =	vmul.f32 v38, v3;
	[tilespmem:s2+$0x30] =	vst v59;
	v36 =	vmul.f32 v40, v4;
	v37 =	vld [tilespmem:s23+$0xC050];
	v7 =	vadd.f32 v23, v22  }
0x306: {  	v38 =	vmul.f32 v42, v4;
	[tilespmem:s2+$0x50] =	vst v25;
	v3 =	vmul.f32 v41, v3;
	v39 =	vld [tilespmem:s23+$0x60];
	v10 =	vadd.f32 v10, v26  }
0x307: {  	v46 =	vld [tilespmem:s23+$0x70];
	v40 =	vadd.f32 v36, v35;
	[tilespmem:s2+$0x60] =	vst v7;
	v41 =	vmul.f32 v28, v5;
	v42 =	vmul.f32 v43, v6  }
0x308: {  	v3 =	vadd.f32 v38, v3;
	[tilespmem:s31+$0x50] =	vst v10;
	v43 =	vld [tilespmem:s23+$0xC060];
	v44 =	vmul.f32 v44, v5;
	v45 =	vmul.f32 v47, v6  }
0x309: {  	[tilespmem:s31+$0x60] =	vst v40;
	v48 =	vmul.f32 v50, v5;
	v49 =	vmul.f32 v54, v6;
	v50 =	vld [tilespmem:s23+$0xC070];
	v47 =	vadd.f32 v42, v41  }
0x30a: {  	v51 =	vmul.f32 v29, v5;
	[tilespmem:s31+$0x70] =	vst v3;
	v52 =	vmul.f32 v58, v6;
	v3 =	vadd.f32 v45, v44  }
0x30b: {  	v54 =	vmul.f32 v62, v5;
	v55 =	vmul.f32 v24, v6;
	v53 =	vadd.f32 v49, v48;
	[tilespmem:s23+$0x0] =	vst v47  }
0x30c: {  	v56 =	vmul.f32 v30, v5;
	v57 =	vmul.f32 v37, v6;
	[tilespmem:s23+$0x10] =	vst v3;
	v3 =	vadd.f32 v52, v51  }
0x30d: {  	v59 =	vmul.f32 v39, v5;
	v58 =	vadd.f32 v55, v54;
	[tilespmem:s23+$0x20] =	vst v53;
	v60 =	vmul.f32 v43, v6  }
0x30e: {  	v61 =	vmul.f32 v46, v5;
	v62 =	vmul.f32 v50, v6;
	[tilespmem:s23+$0x30] =	vst v3;
	v3 =	vadd.f32 v57, v56  }
0x30f: {  	[tilespmem:s23+$0x40] =	vst v58;
	v63 =	vadd.f32 v60, v59  }
0x310: {  	s30 =	sadd.s32 $0x1, s30;
	[tilespmem:s23+$0x50] =	vst v3;
	v3 =	vadd.f32 v62, v61  }
0x311: {  	p0 =	sne.s32 s30, s11;
	[tilespmem:s23+$0x60] =	vst v63  }
.Ltmp1:
0x312: {  	[tilespmem:s23+$0x70] =	vst v3;
	(pc) =	sbr.rel @p0 .LBB2_1-.Ltmp1, $4  }
0x313: {  	[hbm4b:s10+s1] =	stream.linear.scatter [tilespmem:s1], [sflag:$0x2], $0xC000, $0x38;
	[tilespmem:$0x18200] =	vst v63  }
0x314: {  	_ =	swait.ge [sflag:s13], $0xC000  }
0x315: {  	[sflag:s13] =	ssyncset.done $0x0  }
0x316: {  	[sflag:s13] =	ssyncadd.s32 $0xFFFF4000  }
0x317: {  	_ =	sfence.sel $0x180000  }
0x318: {  	[bflag:$0x0] =	sbarrier.arrive $0xFFFF  }
0x319: {  	_ =	strace $0x9000004A  }
0x31a: {  	s0 =	stileid.u32;
	[bflag:$0x2] =	sbarrier.arrive $0xFFFF  }
0x31b: {  	p0 =	sne.s32 s0, $0x0;
	s0 =	rddreg [dreg:$0x2]  }
0x31c: {  	s0 =	sadd.s32 @!p0 $0x100000, s0  }
0x31d: {  	[sflag:s0] =	ssyncadd.tile.s32 @!p0 $0x1;
	_ =	shalt  }
.Lfunc_end2:
_tile_overlayer_lowered:
.L_overlay_start_2:
0x31e: {  	(tag) =	ssettag $0x2  }
0x31f: {  	s0 =	rddreg [dreg:$0x0];
	s2 =	stileid.u32  }
0x320: {  	s1 =	rddreg [dreg:$0x1];
	p0 =	sne.s32 s2, $0x0  }
0x321: {  	s3 =	rddreg [dreg:$0x2];
	[bflag:$0x3] =	sbarrier.arrive $0xFFFF;
	s2 =	simm.s32 @!p0 $0x1C02  }
0x322: {  	[timem:s3], [sflag:s2] =	dma.local @!p0 [hbm:s0], s1  }
0x323: {  	s0 =	simm.s32 @!p0 $0x2  }
0x324: {  	_ =	swait.ge @!p0 [sflag:s0], s1  }
0x325: {  	s1 =	ssub.s32 @!p0 $0x0, s1;
	[sflag:s0] =	ssyncset.done @!p0 $0x0  }
0x326: {  	[sflag:s0] =	ssyncadd.s32 @!p0 s1  }
0x327: {  	[bflag:$0x3] =	sbarrier.arrive $0xFFFF  }
0x328: {  	_ =	shalt  }

</sc_bundles>
